<compile_context>
chip_gen: v7x
topology: tpu7x:2x2x1
jax: 0.10.2.dev20260603
libtpu: 0.0.44.dev20260713+nightly
codegen_flags: <defaults>
</compile_context>

<pallas_src>
import functools

import jax
import jax.numpy as jnp
from jax import lax
from jax.experimental import pallas as pl
from jax.experimental.pallas import tpu as pltpu
from jax.experimental.pallas import tpu_sc as plsc

_NC = 2
_NS = 16
_L = 16


def kernel(inputs, tables):
    B, K = inputs.shape
    _, V, E = tables.shape
    NW = _NC * _NS
    R = B * K
    C = 64
    per_w = R // NW
    nchunk = per_w // C
    vec_per_chunk = C // _L

    nbuf = 8
    ngroup = nchunk // nbuf

    idx2d = inputs.reshape(R // C, C)
    tab2d = tables.reshape(K * V, E)

    mesh = plsc.VectorSubcoreMesh(core_axis_name="c", subcore_axis_name="s")

    @functools.partial(
        pl.kernel,
        out_type=jax.ShapeDtypeStruct((R, E), tables.dtype),
        mesh=mesh,
        scratch_types=(
            [pltpu.VMEM((nchunk, C), jnp.int32)]
            + [pltpu.VMEM((C, E), jnp.float32) for _ in range(nbuf)]
            + [pltpu.SemaphoreType.DMA for _ in range(2 * nbuf)]
        ),
    )
    def run(idx_hbm, tab_hbm, out_hbm, idx_v, *bufs_and_sems):
        rows = bufs_and_sems[:nbuf]
        gsem = bufs_and_sems[nbuf:2 * nbuf]
        ssem = bufs_and_sems[2 * nbuf:]
        wid = lax.axis_index("s") * _NC + lax.axis_index("c")
        row0 = wid * nchunk
        pltpu.sync_copy(idx_hbm.at[pl.ds(row0, nchunk)], idx_v)

        def globalize(g):
            for j in range(vec_per_chunk):
                s = j * _L
                pos = (row0 + g) * C + s + lax.iota(jnp.int32, _L)
                feat = lax.rem(pos, K)
                idx_v[g, pl.ds(s, _L)] = idx_v[g, pl.ds(s, _L)] + feat * V

        def start_gather(g, b):
            pltpu.async_copy(tab_hbm.at[idx_v.at[g]], rows[b], gsem[b])

        def wait_gather(b):
            pltpu.make_async_copy(tab_hbm.at[idx_v.at[0]], rows[b], gsem[b]).wait()

        def start_store(g, b):
            pltpu.async_copy(rows[b], out_hbm.at[pl.ds((row0 + g) * C, C)], ssem[b])

        def wait_store(b):
            pltpu.make_async_copy(rows[b], out_hbm.at[pl.ds(0, C)], ssem[b]).wait()

        for b in range(nbuf):
            globalize(b)
            start_gather(b, b)

        half = nbuf // 2

        def group_body(t, carry):
            g0 = t * nbuf

            @pl.when(t < ngroup - 1)
            def _not_last():
                for b in range(nbuf):
                    wait_gather(b)
                    start_store(g0 + b, b)
                    if b >= half:
                        b2 = b - half
                        globalize(g0 + nbuf + b2)
                        wait_store(b2)
                        start_gather(g0 + nbuf + b2, b2)
                for b2 in range(half, nbuf):
                    globalize(g0 + nbuf + b2)
                    wait_store(b2)
                    start_gather(g0 + nbuf + b2, b2)

            @pl.when(t == ngroup - 1)
            def _last():
                for b in range(nbuf):
                    wait_gather(b)
                    start_store(g0 + b, b)

            return carry

        lax.fori_loop(0, ngroup, group_body, 0)
        for b in range(nbuf):
            wait_store(b)

    out = run(idx2d, tab2d)
    return out.reshape(B, K, 1, E)

# --- scband reference (transcript-rebuilt; emitter-appended) ---
"""Pipeline reference for scband-categorical-encoding-layer-65764539236819 (READ-ONLY COPY).

The authoritative reference and input builder live on the scoring server;
editing this copy changes nothing except your own understanding.
"""

import jax, jax.numpy as jnp
import numpy as np

B = 16384
K = 26
VOCAB = 1000
E = 128

def setup_inputs(seed: int = 0) -> dict:
    key = jax.random.key(seed)
    k1, k2 = jax.random.split(key)
    # categorical indices, int-dtype (jax default int32 on CPU)
    indices = jax.random.randint(k1, (B, K), 0, VOCAB, dtype=jnp.int32)
    # stacked per-feature embedding tables: one table of shape [VOCAB, E] per feature
    tables = jax.random.normal(k2, (K, VOCAB, E), dtype=jnp.float32) * 0.05
    return {"inputs": indices, "tables": tables}

def reference(inputs, tables):
    # Faithful translation of CategoricalEncodingLayer.call:
    #   reshaped_input = expand_dims(inputs, -1)            -> (B, K, 1)
    #   per-feature embedding of reshaped_input[:, i:i+1]   -> (B, 1, 1, E)
    #   concat along axis=1                                 -> (B, K, 1, E)
    feat_ids = jnp.arange(K, dtype=inputs.dtype)[None, :]   # (1, K)
    gathered = tables[feat_ids, inputs]                      # (B, K, E) gather per feature from its own table
    out = gathered[:, :, None, :]                            # (B, K, 1, E) matching tf.concat of (B,1,1,E) blocks
    return out

if __name__ == "__main__":
    import jax
    _d = setup_inputs()
    print(jax.jit(kernel)(*tuple(_d.values())))

</pallas_src>

<mosaic_0001>
#map = affine_map<(d0, d1) -> (0, 0)>
module attributes {stable_mosaic.version = 14 : i64} {
  func.func @run(%arg0: i32, %arg1: i32, %arg2: memref<6656x64xi32, #tpu.memory_space<hbm>>, %arg3: memref<26000x128xf32, #tpu.memory_space<hbm>>, %arg4: memref<425984x128xf32, #tpu.memory_space<hbm>>, %arg5: memref<208x64xi32, #tpu.memory_space<vmem>>, %arg6: memref<64x128xf32, #tpu.memory_space<vmem>>, %arg7: memref<64x128xf32, #tpu.memory_space<vmem>>, %arg8: memref<64x128xf32, #tpu.memory_space<vmem>>, %arg9: memref<64x128xf32, #tpu.memory_space<vmem>>, %arg10: memref<64x128xf32, #tpu.memory_space<vmem>>, %arg11: memref<64x128xf32, #tpu.memory_space<vmem>>, %arg12: memref<64x128xf32, #tpu.memory_space<vmem>>, %arg13: memref<64x128xf32, #tpu.memory_space<vmem>>, %arg14: memref<!tpu.dma_semaphore, #tpu.memory_space<semaphore_mem>>, %arg15: memref<!tpu.dma_semaphore, #tpu.memory_space<semaphore_mem>>, %arg16: memref<!tpu.dma_semaphore, #tpu.memory_space<semaphore_mem>>, %arg17: memref<!tpu.dma_semaphore, #tpu.memory_space<semaphore_mem>>, %arg18: memref<!tpu.dma_semaphore, #tpu.memory_space<semaphore_mem>>, %arg19: memref<!tpu.dma_semaphore, #tpu.memory_space<semaphore_mem>>, %arg20: memref<!tpu.dma_semaphore, #tpu.memory_space<semaphore_mem>>, %arg21: memref<!tpu.dma_semaphore, #tpu.memory_space<semaphore_mem>>, %arg22: memref<!tpu.dma_semaphore, #tpu.memory_space<semaphore_mem>>, %arg23: memref<!tpu.dma_semaphore, #tpu.memory_space<semaphore_mem>>, %arg24: memref<!tpu.dma_semaphore, #tpu.memory_space<semaphore_mem>>, %arg25: memref<!tpu.dma_semaphore, #tpu.memory_space<semaphore_mem>>, %arg26: memref<!tpu.dma_semaphore, #tpu.memory_space<semaphore_mem>>, %arg27: memref<!tpu.dma_semaphore, #tpu.memory_space<semaphore_mem>>, %arg28: memref<!tpu.dma_semaphore, #tpu.memory_space<semaphore_mem>>, %arg29: memref<!tpu.dma_semaphore, #tpu.memory_space<semaphore_mem>>) attributes {dimension_semantics = [#tpu.dimension_semantics<core_parallel>, #tpu.dimension_semantics<subcore_parallel>], iteration_bounds = array<i64: 2, 16>, scalar_prefetch = 0 : i64, scratch_operands = 25 : i64, tpu.core_type = #tpu.core_type<sc_vector_subcore>, window_params = [{transform_indices = #map}, {transform_indices = #map}, {transform_indices = #map}]} {
    %mul3A = arith.constant 2 : i32
    %mul3A_0 = arith.muli %arg1, %mul3A : i32
    %add3A = arith.addi %mul3A_0, %arg0 : i32
    %mul3A_1 = arith.constant 208 : i32
    %mul3A_2 = arith.muli %add3A, %mul3A_1 : i32
    "tpu.region"() ({
      %run_scoped3A = tpu.sem_alloc : memref<!tpu.dma_semaphore, #tpu.memory_space<semaphore_mem>>
      %dma_start3A_970 = arith.constant 0 : i32
      %dma_start3A_971 = tpu.memref_slice %arg2[%mul3A_2, %dma_start3A_970] : memref<6656x64xi32, #tpu.memory_space<hbm>> -> memref<208x64xi32, #tpu.memory_space<hbm>>
      %dma_start3A_972 = arith.constant 0 : i32
      %dma_start3A_973 = tpu.memref_slice %arg2[%mul3A_2, %dma_start3A_972] : memref<6656x64xi32, #tpu.memory_space<hbm>> -> memref<208x64xi32, #tpu.memory_space<hbm>>
      tpu.enqueue_dma source(%dma_start3A_973 : memref<208x64xi32, #tpu.memory_space<hbm>>) target(%arg5 : memref<208x64xi32, #tpu.memory_space<vmem>>) target_semaphore(%run_scoped3A : memref<!tpu.dma_semaphore, #tpu.memory_space<semaphore_mem>>)
      %dma_wait3A_974 = arith.constant 0 : i32
      %dma_wait3A_975 = tpu.memref_slice %arg2[%mul3A_2, %dma_wait3A_974] : memref<6656x64xi32, #tpu.memory_space<hbm>> -> memref<208x64xi32, #tpu.memory_space<hbm>>
      %dma_wait3A_976 = arith.constant 0 : i32
      %dma_wait3A_977 = tpu.memref_slice %arg2[%mul3A_2, %dma_wait3A_976] : memref<6656x64xi32, #tpu.memory_space<hbm>> -> memref<208x64xi32, #tpu.memory_space<hbm>>
      tpu.wait_dma2 semaphore(%run_scoped3A : memref<!tpu.dma_semaphore, #tpu.memory_space<semaphore_mem>>) src(%dma_wait3A_977 : memref<208x64xi32, #tpu.memory_space<hbm>>) dst(%arg5 : memref<208x64xi32, #tpu.memory_space<vmem>>)
      tpu.yield
    }) : () -> ()
    %add3A_3 = arith.constant 0 : i32
    %add3A_4 = arith.addi %mul3A_2, %add3A_3 : i32
    %mul3A_5 = arith.constant 64 : i32
    %mul3A_6 = arith.muli %add3A_4, %mul3A_5 : i32
    %add3A_7 = arith.constant 0 : i32
    %add3A_8 = arith.addi %mul3A_6, %add3A_7 : i32
    %iota3A = tpu.iota {dimensions = array<i32: 0>} : vector<16xi32>
    %add3A_9 = vector.broadcast %add3A_8 : i32 to vector<16xi32>
    %add3A_10 = arith.addi %add3A_9, %iota3A : vector<16xi32>
    %rem3A = arith.constant 26 : i32
    %rem3A_11 = vector.broadcast %rem3A : i32 to vector<16xi32>
    %rem3A_12 = arith.remsi %add3A_10, %rem3A_11 : vector<16xi32>
    %get3A = arith.constant 0 : i32
    %get3A_13 = arith.index_cast %get3A : i32 to index
    %get3A_14 = arith.constant 0 : index
    %get3A_15 = tpu.vector_load %arg5[%get3A_13, %get3A_14] {strides = array<i32>} : memref<208x64xi32, #tpu.memory_space<vmem>>, vector<1x16xi32>,
    %get3A_16 = vector.shape_cast %get3A_15 : vector<1x16xi32> to vector<16xi32>
    %mul3A_17 = arith.constant 1000 : i32
    %mul3A_18 = vector.broadcast %mul3A_17 : i32 to vector<16xi32>
    %mul3A_19 = arith.muli %rem3A_12, %mul3A_18 : vector<16xi32>
    %add3A_20 = arith.addi %get3A_16, %mul3A_19 : vector<16xi32>
    %swap3A = arith.constant 0 : i32
    %swap3A_21 = arith.index_cast %swap3A : i32 to index
    %swap3A_22 = arith.constant 0 : index
    %swap3A_23 = tpu.vector_load %arg5[%swap3A_21, %swap3A_22] {strides = array<i32>} : memref<208x64xi32, #tpu.memory_space<vmem>>, vector<1x16xi32>,
    %swap3A_24 = vector.shape_cast %swap3A_23 : vector<1x16xi32> to vector<16xi32>
    %swap3A_25 = vector.shape_cast %add3A_20 : vector<16xi32> to vector<1x16xi32>
    tpu.vector_store %arg5[%swap3A_21, %swap3A_22], %swap3A_25 {strides = array<i32>} : memref<208x64xi32, #tpu.memory_space<vmem>>, vector<1x16xi32>,
    %add3A_26 = arith.constant 0 : i32
    %add3A_27 = arith.addi %mul3A_2, %add3A_26 : i32
    %mul3A_28 = arith.constant 64 : i32
    %mul3A_29 = arith.muli %add3A_27, %mul3A_28 : i32
    %add3A_30 = arith.constant 16 : i32
    %add3A_31 = arith.addi %mul3A_29, %add3A_30 : i32
    %iota3A_32 = tpu.iota {dimensions = array<i32: 0>} : vector<16xi32>
    %add3A_33 = vector.broadcast %add3A_31 : i32 to vector<16xi32>
    %add3A_34 = arith.addi %add3A_33, %iota3A_32 : vector<16xi32>
    %rem3A_35 = arith.constant 26 : i32
    %rem3A_36 = vector.broadcast %rem3A_35 : i32 to vector<16xi32>
    %rem3A_37 = arith.remsi %add3A_34, %rem3A_36 : vector<16xi32>
    %get3A_38 = arith.constant 0 : i32
    %get3A_39 = arith.index_cast %get3A_38 : i32 to index
    %get3A_40 = arith.constant 16 : index
    %get3A_41 = tpu.vector_load %arg5[%get3A_39, %get3A_40] {strides = array<i32>} : memref<208x64xi32, #tpu.memory_space<vmem>>, vector<1x16xi32>,
    %get3A_42 = vector.shape_cast %get3A_41 : vector<1x16xi32> to vector<16xi32>
    %mul3A_43 = arith.constant 1000 : i32
    %mul3A_44 = vector.broadcast %mul3A_43 : i32 to vector<16xi32>
    %mul3A_45 = arith.muli %rem3A_37, %mul3A_44 : vector<16xi32>
    %add3A_46 = arith.addi %get3A_42, %mul3A_45 : vector<16xi32>
    %swap3A_47 = arith.constant 0 : i32
    %swap3A_48 = arith.index_cast %swap3A_47 : i32 to index
    %swap3A_49 = arith.constant 16 : index
    %swap3A_50 = tpu.vector_load %arg5[%swap3A_48, %swap3A_49] {strides = array<i32>} : memref<208x64xi32, #tpu.memory_space<vmem>>, vector<1x16xi32>,
    %swap3A_51 = vector.shape_cast %swap3A_50 : vector<1x16xi32> to vector<16xi32>
    %swap3A_52 = vector.shape_cast %add3A_46 : vector<16xi32> to vector<1x16xi32>
    tpu.vector_store %arg5[%swap3A_48, %swap3A_49], %swap3A_52 {strides = array<i32>} : memref<208x64xi32, #tpu.memory_space<vmem>>, vector<1x16xi32>,
    %add3A_53 = arith.constant 0 : i32
    %add3A_54 = arith.addi %mul3A_2, %add3A_53 : i32
    %mul3A_55 = arith.constant 64 : i32
    %mul3A_56 = arith.muli %add3A_54, %mul3A_55 : i32
    %add3A_57 = arith.constant 32 : i32
    %add3A_58 = arith.addi %mul3A_56, %add3A_57 : i32
    %iota3A_59 = tpu.iota {dimensions = array<i32: 0>} : vector<16xi32>
    %add3A_60 = vector.broadcast %add3A_58 : i32 to vector<16xi32>
    %add3A_61 = arith.addi %add3A_60, %iota3A_59 : vector<16xi32>
    %rem3A_62 = arith.constant 26 : i32
    %rem3A_63 = vector.broadcast %rem3A_62 : i32 to vector<16xi32>
    %rem3A_64 = arith.remsi %add3A_61, %rem3A_63 : vector<16xi32>
    %get3A_65 = arith.constant 0 : i32
    %get3A_66 = arith.index_cast %get3A_65 : i32 to index
    %get3A_67 = arith.constant 32 : index
    %get3A_68 = tpu.vector_load %arg5[%get3A_66, %get3A_67] {strides = array<i32>} : memref<208x64xi32, #tpu.memory_space<vmem>>, vector<1x16xi32>,
    %get3A_69 = vector.shape_cast %get3A_68 : vector<1x16xi32> to vector<16xi32>
    %mul3A_70 = arith.constant 1000 : i32
    %mul3A_71 = vector.broadcast %mul3A_70 : i32 to vector<16xi32>
    %mul3A_72 = arith.muli %rem3A_64, %mul3A_71 : vector<16xi32>
    %add3A_73 = arith.addi %get3A_69, %mul3A_72 : vector<16xi32>
    %swap3A_74 = arith.constant 0 : i32
    %swap3A_75 = arith.index_cast %swap3A_74 : i32 to index
    %swap3A_76 = arith.constant 32 : index
    %swap3A_77 = tpu.vector_load %arg5[%swap3A_75, %swap3A_76] {strides = array<i32>} : memref<208x64xi32, #tpu.memory_space<vmem>>, vector<1x16xi32>,
    %swap3A_78 = vector.shape_cast %swap3A_77 : vector<1x16xi32> to vector<16xi32>
    %swap3A_79 = vector.shape_cast %add3A_73 : vector<16xi32> to vector<1x16xi32>
    tpu.vector_store %arg5[%swap3A_75, %swap3A_76], %swap3A_79 {strides = array<i32>} : memref<208x64xi32, #tpu.memory_space<vmem>>, vector<1x16xi32>,
    %add3A_80 = arith.constant 0 : i32
    %add3A_81 = arith.addi %mul3A_2, %add3A_80 : i32
    %mul3A_82 = arith.constant 64 : i32
    %mul3A_83 = arith.muli %add3A_81, %mul3A_82 : i32
    %add3A_84 = arith.constant 48 : i32
    %add3A_85 = arith.addi %mul3A_83, %add3A_84 : i32
    %iota3A_86 = tpu.iota {dimensions = array<i32: 0>} : vector<16xi32>
    %add3A_87 = vector.broadcast %add3A_85 : i32 to vector<16xi32>
    %add3A_88 = arith.addi %add3A_87, %iota3A_86 : vector<16xi32>
    %rem3A_89 = arith.constant 26 : i32
    %rem3A_90 = vector.broadcast %rem3A_89 : i32 to vector<16xi32>
    %rem3A_91 = arith.remsi %add3A_88, %rem3A_90 : vector<16xi32>
    %get3A_92 = arith.constant 0 : i32
    %get3A_93 = arith.index_cast %get3A_92 : i32 to index
    %get3A_94 = arith.constant 48 : index
    %get3A_95 = tpu.vector_load %arg5[%get3A_93, %get3A_94] {strides = array<i32>} : memref<208x64xi32, #tpu.memory_space<vmem>>, vector<1x16xi32>,
    %get3A_96 = vector.shape_cast %get3A_95 : vector<1x16xi32> to vector<16xi32>
    %mul3A_97 = arith.constant 1000 : i32
    %mul3A_98 = vector.broadcast %mul3A_97 : i32 to vector<16xi32>
    %mul3A_99 = arith.muli %rem3A_91, %mul3A_98 : vector<16xi32>
    %add3A_100 = arith.addi %get3A_96, %mul3A_99 : vector<16xi32>
    %swap3A_101 = arith.constant 0 : i32
    %swap3A_102 = arith.index_cast %swap3A_101 : i32 to index
    %swap3A_103 = arith.constant 48 : index
    %swap3A_104 = tpu.vector_load %arg5[%swap3A_102, %swap3A_103] {strides = array<i32>} : memref<208x64xi32, #tpu.memory_space<vmem>>, vector<1x16xi32>,
    %swap3A_105 = vector.shape_cast %swap3A_104 : vector<1x16xi32> to vector<16xi32>
    %swap3A_106 = vector.shape_cast %add3A_100 : vector<16xi32> to vector<1x16xi32>
    tpu.vector_store %arg5[%swap3A_102, %swap3A_103], %swap3A_106 {strides = array<i32>} : memref<208x64xi32, #tpu.memory_space<vmem>>, vector<1x16xi32>,
    %dma_start3A = arith.constant 0 : i32
    %dma_start3A_107 = arith.constant 0 : i32
    %dma_start3A_108 = tpu.memref_slice %arg5[%dma_start3A, %dma_start3A_107] : memref<208x64xi32, #tpu.memory_space<vmem>> -> memref<1x64xi32, #tpu.memory_space<vmem>>
    %dma_start3A_109 = tpu.memref_squeeze %dma_start3A_108 : memref<1x64xi32, #tpu.memory_space<vmem>> -> memref<64xi32, #tpu.memory_space<vmem>>
    %dma_start3A_110 = arith.constant 0 : i32
    %dma_start3A_111 = arith.constant 0 : i32
    %dma_start3A_112 = tpu.memref_slice %arg3[%dma_start3A_110, %dma_start3A_111] : memref<26000x128xf32, #tpu.memory_space<hbm>> -> memref<26000x128xf32, #tpu.memory_space<hbm>>
    tpu.enqueue_indirect_dma source(%dma_start3A_112 : memref<26000x128xf32, #tpu.memory_space<hbm>>) target(%arg6 : memref<64x128xf32, #tpu.memory_space<vmem>>) offsets(%dma_start3A_109 : memref<64xi32, #tpu.memory_space<vmem>>) semaphore(%arg14 : memref<!tpu.dma_semaphore, #tpu.memory_space<semaphore_mem>>)
    %add3A_113 = arith.constant 1 : i32
    %add3A_114 = arith.addi %mul3A_2, %add3A_113 : i32
    %mul3A_115 = arith.constant 64 : i32
    %mul3A_116 = arith.muli %add3A_114, %mul3A_115 : i32
    %add3A_117 = arith.constant 0 : i32
    %add3A_118 = arith.addi %mul3A_116, %add3A_117 : i32
    %iota3A_119 = tpu.iota {dimensions = array<i32: 0>} : vector<16xi32>
    %add3A_120 = vector.broadcast %add3A_118 : i32 to vector<16xi32>
    %add3A_121 = arith.addi %add3A_120, %iota3A_119 : vector<16xi32>
    %rem3A_122 = arith.constant 26 : i32
    %rem3A_123 = vector.broadcast %rem3A_122 : i32 to vector<16xi32>
    %rem3A_124 = arith.remsi %add3A_121, %rem3A_123 : vector<16xi32>
    %get3A_125 = arith.constant 1 : i32
    %get3A_126 = arith.index_cast %get3A_125 : i32 to index
    %get3A_127 = arith.constant 0 : index
    %get3A_128 = tpu.vector_load %arg5[%get3A_126, %get3A_127] {strides = array<i32>} : memref<208x64xi32, #tpu.memory_space<vmem>>, vector<1x16xi32>,
    %get3A_129 = vector.shape_cast %get3A_128 : vector<1x16xi32> to vector<16xi32>
    %mul3A_130 = arith.constant 1000 : i32
    %mul3A_131 = vector.broadcast %mul3A_130 : i32 to vector<16xi32>
    %mul3A_132 = arith.muli %rem3A_124, %mul3A_131 : vector<16xi32>
    %add3A_133 = arith.addi %get3A_129, %mul3A_132 : vector<16xi32>
    %swap3A_134 = arith.constant 1 : i32
    %swap3A_135 = arith.index_cast %swap3A_134 : i32 to index
    %swap3A_136 = arith.constant 0 : index
    %swap3A_137 = tpu.vector_load %arg5[%swap3A_135, %swap3A_136] {strides = array<i32>} : memref<208x64xi32, #tpu.memory_space<vmem>>, vector<1x16xi32>,
    %swap3A_138 = vector.shape_cast %swap3A_137 : vector<1x16xi32> to vector<16xi32>
    %swap3A_139 = vector.shape_cast %add3A_133 : vector<16xi32> to vector<1x16xi32>
    tpu.vector_store %arg5[%swap3A_135, %swap3A_136], %swap3A_139 {strides = array<i32>} : memref<208x64xi32, #tpu.memory_space<vmem>>, vector<1x16xi32>,
    %add3A_140 = arith.constant 1 : i32
    %add3A_141 = arith.addi %mul3A_2, %add3A_140 : i32
    %mul3A_142 = arith.constant 64 : i32
    %mul3A_143 = arith.muli %add3A_141, %mul3A_142 : i32
    %add3A_144 = arith.constant 16 : i32
    %add3A_145 = arith.addi %mul3A_143, %add3A_144 : i32
    %iota3A_146 = tpu.iota {dimensions = array<i32: 0>} : vector<16xi32>
    %add3A_147 = vector.broadcast %add3A_145 : i32 to vector<16xi32>
    %add3A_148 = arith.addi %add3A_147, %iota3A_146 : vector<16xi32>
    %rem3A_149 = arith.constant 26 : i32
    %rem3A_150 = vector.broadcast %rem3A_149 : i32 to vector<16xi32>
    %rem3A_151 = arith.remsi %add3A_148, %rem3A_150 : vector<16xi32>
    %get3A_152 = arith.constant 1 : i32
    %get3A_153 = arith.index_cast %get3A_152 : i32 to index
    %get3A_154 = arith.constant 16 : index
    %get3A_155 = tpu.vector_load %arg5[%get3A_153, %get3A_154] {strides = array<i32>} : memref<208x64xi32, #tpu.memory_space<vmem>>, vector<1x16xi32>,
    %get3A_156 = vector.shape_cast %get3A_155 : vector<1x16xi32> to vector<16xi32>
    %mul3A_157 = arith.constant 1000 : i32
    %mul3A_158 = vector.broadcast %mul3A_157 : i32 to vector<16xi32>
    %mul3A_159 = arith.muli %rem3A_151, %mul3A_158 : vector<16xi32>
    %add3A_160 = arith.addi %get3A_156, %mul3A_159 : vector<16xi32>
    %swap3A_161 = arith.constant 1 : i32
    %swap3A_162 = arith.index_cast %swap3A_161 : i32 to index
    %swap3A_163 = arith.constant 16 : index
    %swap3A_164 = tpu.vector_load %arg5[%swap3A_162, %swap3A_163] {strides = array<i32>} : memref<208x64xi32, #tpu.memory_space<vmem>>, vector<1x16xi32>,
    %swap3A_165 = vector.shape_cast %swap3A_164 : vector<1x16xi32> to vector<16xi32>
    %swap3A_166 = vector.shape_cast %add3A_160 : vector<16xi32> to vector<1x16xi32>
    tpu.vector_store %arg5[%swap3A_162, %swap3A_163], %swap3A_166 {strides = array<i32>} : memref<208x64xi32, #tpu.memory_space<vmem>>, vector<1x16xi32>,
    %add3A_167 = arith.constant 1 : i32
    %add3A_168 = arith.addi %mul3A_2, %add3A_167 : i32
    %mul3A_169 = arith.constant 64 : i32
    %mul3A_170 = arith.muli %add3A_168, %mul3A_169 : i32
    %add3A_171 = arith.constant 32 : i32
    %add3A_172 = arith.addi %mul3A_170, %add3A_171 : i32
    %iota3A_173 = tpu.iota {dimensions = array<i32: 0>} : vector<16xi32>
    %add3A_174 = vector.broadcast %add3A_172 : i32 to vector<16xi32>
    %add3A_175 = arith.addi %add3A_174, %iota3A_173 : vector<16xi32>
    %rem3A_176 = arith.constant 26 : i32
    %rem3A_177 = vector.broadcast %rem3A_176 : i32 to vector<16xi32>
    %rem3A_178 = arith.remsi %add3A_175, %rem3A_177 : vector<16xi32>
    %get3A_179 = arith.constant 1 : i32
    %get3A_180 = arith.index_cast %get3A_179 : i32 to index
    %get3A_181 = arith.constant 32 : index
    %get3A_182 = tpu.vector_load %arg5[%get3A_180, %get3A_181] {strides = array<i32>} : memref<208x64xi32, #tpu.memory_space<vmem>>, vector<1x16xi32>,
    %get3A_183 = vector.shape_cast %get3A_182 : vector<1x16xi32> to vector<16xi32>
    %mul3A_184 = arith.constant 1000 : i32
    %mul3A_185 = vector.broadcast %mul3A_184 : i32 to vector<16xi32>
    %mul3A_186 = arith.muli %rem3A_178, %mul3A_185 : vector<16xi32>
    %add3A_187 = arith.addi %get3A_183, %mul3A_186 : vector<16xi32>
    %swap3A_188 = arith.constant 1 : i32
    %swap3A_189 = arith.index_cast %swap3A_188 : i32 to index
    %swap3A_190 = arith.constant 32 : index
    %swap3A_191 = tpu.vector_load %arg5[%swap3A_189, %swap3A_190] {strides = array<i32>} : memref<208x64xi32, #tpu.memory_space<vmem>>, vector<1x16xi32>,
    %swap3A_192 = vector.shape_cast %swap3A_191 : vector<1x16xi32> to vector<16xi32>
    %swap3A_193 = vector.shape_cast %add3A_187 : vector<16xi32> to vector<1x16xi32>
    tpu.vector_store %arg5[%swap3A_189, %swap3A_190], %swap3A_193 {strides = array<i32>} : memref<208x64xi32, #tpu.memory_space<vmem>>, vector<1x16xi32>,
    %add3A_194 = arith.constant 1 : i32
    %add3A_195 = arith.addi %mul3A_2, %add3A_194 : i32
    %mul3A_196 = arith.constant 64 : i32
    %mul3A_197 = arith.muli %add3A_195, %mul3A_196 : i32
    %add3A_198 = arith.constant 48 : i32
    %add3A_199 = arith.addi %mul3A_197, %add3A_198 : i32
    %iota3A_200 = tpu.iota {dimensions = array<i32: 0>} : vector<16xi32>
    %add3A_201 = vector.broadcast %add3A_199 : i32 to vector<16xi32>
    %add3A_202 = arith.addi %add3A_201, %iota3A_200 : vector<16xi32>
    %rem3A_203 = arith.constant 26 : i32
    %rem3A_204 = vector.broadcast %rem3A_203 : i32 to vector<16xi32>
    %rem3A_205 = arith.remsi %add3A_202, %rem3A_204 : vector<16xi32>
    %get3A_206 = arith.constant 1 : i32
    %get3A_207 = arith.index_cast %get3A_206 : i32 to index
    %get3A_208 = arith.constant 48 : index
    %get3A_209 = tpu.vector_load %arg5[%get3A_207, %get3A_208] {strides = array<i32>} : memref<208x64xi32, #tpu.memory_space<vmem>>, vector<1x16xi32>,
    %get3A_210 = vector.shape_cast %get3A_209 : vector<1x16xi32> to vector<16xi32>
    %mul3A_211 = arith.constant 1000 : i32
    %mul3A_212 = vector.broadcast %mul3A_211 : i32 to vector<16xi32>
    %mul3A_213 = arith.muli %rem3A_205, %mul3A_212 : vector<16xi32>
    %add3A_214 = arith.addi %get3A_210, %mul3A_213 : vector<16xi32>
    %swap3A_215 = arith.constant 1 : i32
    %swap3A_216 = arith.index_cast %swap3A_215 : i32 to index
    %swap3A_217 = arith.constant 48 : index
    %swap3A_218 = tpu.vector_load %arg5[%swap3A_216, %swap3A_217] {strides = array<i32>} : memref<208x64xi32, #tpu.memory_space<vmem>>, vector<1x16xi32>,
    %swap3A_219 = vector.shape_cast %swap3A_218 : vector<1x16xi32> to vector<16xi32>
    %swap3A_220 = vector.shape_cast %add3A_214 : vector<16xi32> to vector<1x16xi32>
    tpu.vector_store %arg5[%swap3A_216, %swap3A_217], %swap3A_220 {strides = array<i32>} : memref<208x64xi32, #tpu.memory_space<vmem>>, vector<1x16xi32>,
    %dma_start3A_221 = arith.constant 1 : i32
    %dma_start3A_222 = arith.constant 0 : i32
    %dma_start3A_223 = tpu.memref_slice %arg5[%dma_start3A_221, %dma_start3A_222] : memref<208x64xi32, #tpu.memory_space<vmem>> -> memref<1x64xi32, #tpu.memory_space<vmem>>
    %dma_start3A_224 = tpu.memref_squeeze %dma_start3A_223 : memref<1x64xi32, #tpu.memory_space<vmem>> -> memref<64xi32, #tpu.memory_space<vmem>>
    %dma_start3A_225 = arith.constant 0 : i32
    %dma_start3A_226 = arith.constant 0 : i32
    %dma_start3A_227 = tpu.memref_slice %arg3[%dma_start3A_225, %dma_start3A_226] : memref<26000x128xf32, #tpu.memory_space<hbm>> -> memref<26000x128xf32, #tpu.memory_space<hbm>>
    tpu.enqueue_indirect_dma source(%dma_start3A_227 : memref<26000x128xf32, #tpu.memory_space<hbm>>) target(%arg7 : memref<64x128xf32, #tpu.memory_space<vmem>>) offsets(%dma_start3A_224 : memref<64xi32, #tpu.memory_space<vmem>>) semaphore(%arg15 : memref<!tpu.dma_semaphore, #tpu.memory_space<semaphore_mem>>)
    %add3A_228 = arith.constant 2 : i32
    %add3A_229 = arith.addi %mul3A_2, %add3A_228 : i32
    %mul3A_230 = arith.constant 64 : i32
    %mul3A_231 = arith.muli %add3A_229, %mul3A_230 : i32
    %add3A_232 = arith.constant 0 : i32
    %add3A_233 = arith.addi %mul3A_231, %add3A_232 : i32
    %iota3A_234 = tpu.iota {dimensions = array<i32: 0>} : vector<16xi32>
    %add3A_235 = vector.broadcast %add3A_233 : i32 to vector<16xi32>
    %add3A_236 = arith.addi %add3A_235, %iota3A_234 : vector<16xi32>
    %rem3A_237 = arith.constant 26 : i32
    %rem3A_238 = vector.broadcast %rem3A_237 : i32 to vector<16xi32>
    %rem3A_239 = arith.remsi %add3A_236, %rem3A_238 : vector<16xi32>
    %get3A_240 = arith.constant 2 : i32
    %get3A_241 = arith.index_cast %get3A_240 : i32 to index
    %get3A_242 = arith.constant 0 : index
    %get3A_243 = tpu.vector_load %arg5[%get3A_241, %get3A_242] {strides = array<i32>} : memref<208x64xi32, #tpu.memory_space<vmem>>, vector<1x16xi32>,
    %get3A_244 = vector.shape_cast %get3A_243 : vector<1x16xi32> to vector<16xi32>
    %mul3A_245 = arith.constant 1000 : i32
    %mul3A_246 = vector.broadcast %mul3A_245 : i32 to vector<16xi32>
    %mul3A_247 = arith.muli %rem3A_239, %mul3A_246 : vector<16xi32>
    %add3A_248 = arith.addi %get3A_244, %mul3A_247 : vector<16xi32>
    %swap3A_249 = arith.constant 2 : i32
    %swap3A_250 = arith.index_cast %swap3A_249 : i32 to index
    %swap3A_251 = arith.constant 0 : index
    %swap3A_252 = tpu.vector_load %arg5[%swap3A_250, %swap3A_251] {strides = array<i32>} : memref<208x64xi32, #tpu.memory_space<vmem>>, vector<1x16xi32>,
    %swap3A_253 = vector.shape_cast %swap3A_252 : vector<1x16xi32> to vector<16xi32>
    %swap3A_254 = vector.shape_cast %add3A_248 : vector<16xi32> to vector<1x16xi32>
    tpu.vector_store %arg5[%swap3A_250, %swap3A_251], %swap3A_254 {strides = array<i32>} : memref<208x64xi32, #tpu.memory_space<vmem>>, vector<1x16xi32>,
    %add3A_255 = arith.constant 2 : i32
    %add3A_256 = arith.addi %mul3A_2, %add3A_255 : i32
    %mul3A_257 = arith.constant 64 : i32
    %mul3A_258 = arith.muli %add3A_256, %mul3A_257 : i32
    %add3A_259 = arith.constant 16 : i32
    %add3A_260 = arith.addi %mul3A_258, %add3A_259 : i32
    %iota3A_261 = tpu.iota {dimensions = array<i32: 0>} : vector<16xi32>
    %add3A_262 = vector.broadcast %add3A_260 : i32 to vector<16xi32>
    %add3A_263 = arith.addi %add3A_262, %iota3A_261 : vector<16xi32>
    %rem3A_264 = arith.constant 26 : i32
    %rem3A_265 = vector.broadcast %rem3A_264 : i32 to vector<16xi32>
    %rem3A_266 = arith.remsi %add3A_263, %rem3A_265 : vector<16xi32>
    %get3A_267 = arith.constant 2 : i32
    %get3A_268 = arith.index_cast %get3A_267 : i32 to index
    %get3A_269 = arith.constant 16 : index
    %get3A_270 = tpu.vector_load %arg5[%get3A_268, %get3A_269] {strides = array<i32>} : memref<208x64xi32, #tpu.memory_space<vmem>>, vector<1x16xi32>,
    %get3A_271 = vector.shape_cast %get3A_270 : vector<1x16xi32> to vector<16xi32>
    %mul3A_272 = arith.constant 1000 : i32
    %mul3A_273 = vector.broadcast %mul3A_272 : i32 to vector<16xi32>
    %mul3A_274 = arith.muli %rem3A_266, %mul3A_273 : vector<16xi32>
    %add3A_275 = arith.addi %get3A_271, %mul3A_274 : vector<16xi32>
    %swap3A_276 = arith.constant 2 : i32
    %swap3A_277 = arith.index_cast %swap3A_276 : i32 to index
    %swap3A_278 = arith.constant 16 : index
    %swap3A_279 = tpu.vector_load %arg5[%swap3A_277, %swap3A_278] {strides = array<i32>} : memref<208x64xi32, #tpu.memory_space<vmem>>, vector<1x16xi32>,
    %swap3A_280 = vector.shape_cast %swap3A_279 : vector<1x16xi32> to vector<16xi32>
    %swap3A_281 = vector.shape_cast %add3A_275 : vector<16xi32> to vector<1x16xi32>
    tpu.vector_store %arg5[%swap3A_277, %swap3A_278], %swap3A_281 {strides = array<i32>} : memref<208x64xi32, #tpu.memory_space<vmem>>, vector<1x16xi32>,
    %add3A_282 = arith.constant 2 : i32
    %add3A_283 = arith.addi %mul3A_2, %add3A_282 : i32
    %mul3A_284 = arith.constant 64 : i32
    %mul3A_285 = arith.muli %add3A_283, %mul3A_284 : i32
    %add3A_286 = arith.constant 32 : i32
    %add3A_287 = arith.addi %mul3A_285, %add3A_286 : i32
    %iota3A_288 = tpu.iota {dimensions = array<i32: 0>} : vector<16xi32>
    %add3A_289 = vector.broadcast %add3A_287 : i32 to vector<16xi32>
    %add3A_290 = arith.addi %add3A_289, %iota3A_288 : vector<16xi32>
    %rem3A_291 = arith.constant 26 : i32
    %rem3A_292 = vector.broadcast %rem3A_291 : i32 to vector<16xi32>
    %rem3A_293 = arith.remsi %add3A_290, %rem3A_292 : vector<16xi32>
    %get3A_294 = arith.constant 2 : i32
    %get3A_295 = arith.index_cast %get3A_294 : i32 to index
    %get3A_296 = arith.constant 32 : index
    %get3A_297 = tpu.vector_load %arg5[%get3A_295, %get3A_296] {strides = array<i32>} : memref<208x64xi32, #tpu.memory_space<vmem>>, vector<1x16xi32>,
    %get3A_298 = vector.shape_cast %get3A_297 : vector<1x16xi32> to vector<16xi32>
    %mul3A_299 = arith.constant 1000 : i32
    %mul3A_300 = vector.broadcast %mul3A_299 : i32 to vector<16xi32>
    %mul3A_301 = arith.muli %rem3A_293, %mul3A_300 : vector<16xi32>
    %add3A_302 = arith.addi %get3A_298, %mul3A_301 : vector<16xi32>
    %swap3A_303 = arith.constant 2 : i32
    %swap3A_304 = arith.index_cast %swap3A_303 : i32 to index
    %swap3A_305 = arith.constant 32 : index
    %swap3A_306 = tpu.vector_load %arg5[%swap3A_304, %swap3A_305] {strides = array<i32>} : memref<208x64xi32, #tpu.memory_space<vmem>>, vector<1x16xi32>,
    %swap3A_307 = vector.shape_cast %swap3A_306 : vector<1x16xi32> to vector<16xi32>
    %swap3A_308 = vector.shape_cast %add3A_302 : vector<16xi32> to vector<1x16xi32>
    tpu.vector_store %arg5[%swap3A_304, %swap3A_305], %swap3A_308 {strides = array<i32>} : memref<208x64xi32, #tpu.memory_space<vmem>>, vector<1x16xi32>,
    %add3A_309 = arith.constant 2 : i32
    %add3A_310 = arith.addi %mul3A_2, %add3A_309 : i32
    %mul3A_311 = arith.constant 64 : i32
    %mul3A_312 = arith.muli %add3A_310, %mul3A_311 : i32
    %add3A_313 = arith.constant 48 : i32
    %add3A_314 = arith.addi %mul3A_312, %add3A_313 : i32
    %iota3A_315 = tpu.iota {dimensions = array<i32: 0>} : vector<16xi32>
    %add3A_316 = vector.broadcast %add3A_314 : i32 to vector<16xi32>
    %add3A_317 = arith.addi %add3A_316, %iota3A_315 : vector<16xi32>
    %rem3A_318 = arith.constant 26 : i32
    %rem3A_319 = vector.broadcast %rem3A_318 : i32 to vector<16xi32>
    %rem3A_320 = arith.remsi %add3A_317, %rem3A_319 : vector<16xi32>
    %get3A_321 = arith.constant 2 : i32
    %get3A_322 = arith.index_cast %get3A_321 : i32 to index
    %get3A_323 = arith.constant 48 : index
    %get3A_324 = tpu.vector_load %arg5[%get3A_322, %get3A_323] {strides = array<i32>} : memref<208x64xi32, #tpu.memory_space<vmem>>, vector<1x16xi32>,
    %get3A_325 = vector.shape_cast %get3A_324 : vector<1x16xi32> to vector<16xi32>
    %mul3A_326 = arith.constant 1000 : i32
    %mul3A_327 = vector.broadcast %mul3A_326 : i32 to vector<16xi32>
    %mul3A_328 = arith.muli %rem3A_320, %mul3A_327 : vector<16xi32>
    %add3A_329 = arith.addi %get3A_325, %mul3A_328 : vector<16xi32>
    %swap3A_330 = arith.constant 2 : i32
    %swap3A_331 = arith.index_cast %swap3A_330 : i32 to index
    %swap3A_332 = arith.constant 48 : index
    %swap3A_333 = tpu.vector_load %arg5[%swap3A_331, %swap3A_332] {strides = array<i32>} : memref<208x64xi32, #tpu.memory_space<vmem>>, vector<1x16xi32>,
    %swap3A_334 = vector.shape_cast %swap3A_333 : vector<1x16xi32> to vector<16xi32>
    %swap3A_335 = vector.shape_cast %add3A_329 : vector<16xi32> to vector<1x16xi32>
    tpu.vector_store %arg5[%swap3A_331, %swap3A_332], %swap3A_335 {strides = array<i32>} : memref<208x64xi32, #tpu.memory_space<vmem>>, vector<1x16xi32>,
    %dma_start3A_336 = arith.constant 2 : i32
    %dma_start3A_337 = arith.constant 0 : i32
    %dma_start3A_338 = tpu.memref_slice %arg5[%dma_start3A_336, %dma_start3A_337] : memref<208x64xi32, #tpu.memory_space<vmem>> -> memref<1x64xi32, #tpu.memory_space<vmem>>
    %dma_start3A_339 = tpu.memref_squeeze %dma_start3A_338 : memref<1x64xi32, #tpu.memory_space<vmem>> -> memref<64xi32, #tpu.memory_space<vmem>>
    %dma_start3A_340 = arith.constant 0 : i32
    %dma_start3A_341 = arith.constant 0 : i32
    %dma_start3A_342 = tpu.memref_slice %arg3[%dma_start3A_340, %dma_start3A_341] : memref<26000x128xf32, #tpu.memory_space<hbm>> -> memref<26000x128xf32, #tpu.memory_space<hbm>>
    tpu.enqueue_indirect_dma source(%dma_start3A_342 : memref<26000x128xf32, #tpu.memory_space<hbm>>) target(%arg8 : memref<64x128xf32, #tpu.memory_space<vmem>>) offsets(%dma_start3A_339 : memref<64xi32, #tpu.memory_space<vmem>>) semaphore(%arg16 : memref<!tpu.dma_semaphore, #tpu.memory_space<semaphore_mem>>)
    %add3A_343 = arith.constant 3 : i32
    %add3A_344 = arith.addi %mul3A_2, %add3A_343 : i32
    %mul3A_345 = arith.constant 64 : i32
    %mul3A_346 = arith.muli %add3A_344, %mul3A_345 : i32
    %add3A_347 = arith.constant 0 : i32
    %add3A_348 = arith.addi %mul3A_346, %add3A_347 : i32
    %iota3A_349 = tpu.iota {dimensions = array<i32: 0>} : vector<16xi32>
    %add3A_350 = vector.broadcast %add3A_348 : i32 to vector<16xi32>
    %add3A_351 = arith.addi %add3A_350, %iota3A_349 : vector<16xi32>
    %rem3A_352 = arith.constant 26 : i32
    %rem3A_353 = vector.broadcast %rem3A_352 : i32 to vector<16xi32>
    %rem3A_354 = arith.remsi %add3A_351, %rem3A_353 : vector<16xi32>
    %get3A_355 = arith.constant 3 : i32
    %get3A_356 = arith.index_cast %get3A_355 : i32 to index
    %get3A_357 = arith.constant 0 : index
    %get3A_358 = tpu.vector_load %arg5[%get3A_356, %get3A_357] {strides = array<i32>} : memref<208x64xi32, #tpu.memory_space<vmem>>, vector<1x16xi32>,
    %get3A_359 = vector.shape_cast %get3A_358 : vector<1x16xi32> to vector<16xi32>
    %mul3A_360 = arith.constant 1000 : i32
    %mul3A_361 = vector.broadcast %mul3A_360 : i32 to vector<16xi32>
    %mul3A_362 = arith.muli %rem3A_354, %mul3A_361 : vector<16xi32>
    %add3A_363 = arith.addi %get3A_359, %mul3A_362 : vector<16xi32>
    %swap3A_364 = arith.constant 3 : i32
    %swap3A_365 = arith.index_cast %swap3A_364 : i32 to index
    %swap3A_366 = arith.constant 0 : index
    %swap3A_367 = tpu.vector_load %arg5[%swap3A_365, %swap3A_366] {strides = array<i32>} : memref<208x64xi32, #tpu.memory_space<vmem>>, vector<1x16xi32>,
    %swap3A_368 = vector.shape_cast %swap3A_367 : vector<1x16xi32> to vector<16xi32>
    %swap3A_369 = vector.shape_cast %add3A_363 : vector<16xi32> to vector<1x16xi32>
    tpu.vector_store %arg5[%swap3A_365, %swap3A_366], %swap3A_369 {strides = array<i32>} : memref<208x64xi32, #tpu.memory_space<vmem>>, vector<1x16xi32>,
    %add3A_370 = arith.constant 3 : i32
    %add3A_371 = arith.addi %mul3A_2, %add3A_370 : i32
    %mul3A_372 = arith.constant 64 : i32
    %mul3A_373 = arith.muli %add3A_371, %mul3A_372 : i32
    %add3A_374 = arith.constant 16 : i32
    %add3A_375 = arith.addi %mul3A_373, %add3A_374 : i32
    %iota3A_376 = tpu.iota {dimensions = array<i32: 0>} : vector<16xi32>
    %add3A_377 = vector.broadcast %add3A_375 : i32 to vector<16xi32>
    %add3A_378 = arith.addi %add3A_377, %iota3A_376 : vector<16xi32>
    %rem3A_379 = arith.constant 26 : i32
    %rem3A_380 = vector.broadcast %rem3A_379 : i32 to vector<16xi32>
    %rem3A_381 = arith.remsi %add3A_378, %rem3A_380 : vector<16xi32>
    %get3A_382 = arith.constant 3 : i32
    %get3A_383 = arith.index_cast %get3A_382 : i32 to index
    %get3A_384 = arith.constant 16 : index
    %get3A_385 = tpu.vector_load %arg5[%get3A_383, %get3A_384] {strides = array<i32>} : memref<208x64xi32, #tpu.memory_space<vmem>>, vector<1x16xi32>,
    %get3A_386 = vector.shape_cast %get3A_385 : vector<1x16xi32> to vector<16xi32>
    %mul3A_387 = arith.constant 1000 : i32
    %mul3A_388 = vector.broadcast %mul3A_387 : i32 to vector<16xi32>
    %mul3A_389 = arith.muli %rem3A_381, %mul3A_388 : vector<16xi32>
    %add3A_390 = arith.addi %get3A_386, %mul3A_389 : vector<16xi32>
    %swap3A_391 = arith.constant 3 : i32
    %swap3A_392 = arith.index_cast %swap3A_391 : i32 to index
    %swap3A_393 = arith.constant 16 : index
    %swap3A_394 = tpu.vector_load %arg5[%swap3A_392, %swap3A_393] {strides = array<i32>} : memref<208x64xi32, #tpu.memory_space<vmem>>, vector<1x16xi32>,
    %swap3A_395 = vector.shape_cast %swap3A_394 : vector<1x16xi32> to vector<16xi32>
    %swap3A_396 = vector.shape_cast %add3A_390 : vector<16xi32> to vector<1x16xi32>
    tpu.vector_store %arg5[%swap3A_392, %swap3A_393], %swap3A_396 {strides = array<i32>} : memref<208x64xi32, #tpu.memory_space<vmem>>, vector<1x16xi32>,
    %add3A_397 = arith.constant 3 : i32
    %add3A_398 = arith.addi %mul3A_2, %add3A_397 : i32
    %mul3A_399 = arith.constant 64 : i32
    %mul3A_400 = arith.muli %add3A_398, %mul3A_399 : i32
    %add3A_401 = arith.constant 32 : i32
    %add3A_402 = arith.addi %mul3A_400, %add3A_401 : i32
    %iota3A_403 = tpu.iota {dimensions = array<i32: 0>} : vector<16xi32>
    %add3A_404 = vector.broadcast %add3A_402 : i32 to vector<16xi32>
    %add3A_405 = arith.addi %add3A_404, %iota3A_403 : vector<16xi32>
    %rem3A_406 = arith.constant 26 : i32
    %rem3A_407 = vector.broadcast %rem3A_406 : i32 to vector<16xi32>
    %rem3A_408 = arith.remsi %add3A_405, %rem3A_407 : vector<16xi32>
    %get3A_409 = arith.constant 3 : i32
    %get3A_410 = arith.index_cast %get3A_409 : i32 to index
    %get3A_411 = arith.constant 32 : index
    %get3A_412 = tpu.vector_load %arg5[%get3A_410, %get3A_411] {strides = array<i32>} : memref<208x64xi32, #tpu.memory_space<vmem>>, vector<1x16xi32>,
    %get3A_413 = vector.shape_cast %get3A_412 : vector<1x16xi32> to vector<16xi32>
    %mul3A_414 = arith.constant 1000 : i32
    %mul3A_415 = vector.broadcast %mul3A_414 : i32 to vector<16xi32>
    %mul3A_416 = arith.muli %rem3A_408, %mul3A_415 : vector<16xi32>
    %add3A_417 = arith.addi %get3A_413, %mul3A_416 : vector<16xi32>
    %swap3A_418 = arith.constant 3 : i32
    %swap3A_419 = arith.index_cast %swap3A_418 : i32 to index
    %swap3A_420 = arith.constant 32 : index
    %swap3A_421 = tpu.vector_load %arg5[%swap3A_419, %swap3A_420] {strides = array<i32>} : memref<208x64xi32, #tpu.memory_space<vmem>>, vector<1x16xi32>,
    %swap3A_422 = vector.shape_cast %swap3A_421 : vector<1x16xi32> to vector<16xi32>
    %swap3A_423 = vector.shape_cast %add3A_417 : vector<16xi32> to vector<1x16xi32>
    tpu.vector_store %arg5[%swap3A_419, %swap3A_420], %swap3A_423 {strides = array<i32>} : memref<208x64xi32, #tpu.memory_space<vmem>>, vector<1x16xi32>,
    %add3A_424 = arith.constant 3 : i32
    %add3A_425 = arith.addi %mul3A_2, %add3A_424 : i32
    %mul3A_426 = arith.constant 64 : i32
    %mul3A_427 = arith.muli %add3A_425, %mul3A_426 : i32
    %add3A_428 = arith.constant 48 : i32
    %add3A_429 = arith.addi %mul3A_427, %add3A_428 : i32
    %iota3A_430 = tpu.iota {dimensions = array<i32: 0>} : vector<16xi32>
    %add3A_431 = vector.broadcast %add3A_429 : i32 to vector<16xi32>
    %add3A_432 = arith.addi %add3A_431, %iota3A_430 : vector<16xi32>
    %rem3A_433 = arith.constant 26 : i32
    %rem3A_434 = vector.broadcast %rem3A_433 : i32 to vector<16xi32>
    %rem3A_435 = arith.remsi %add3A_432, %rem3A_434 : vector<16xi32>
    %get3A_436 = arith.constant 3 : i32
    %get3A_437 = arith.index_cast %get3A_436 : i32 to index
    %get3A_438 = arith.constant 48 : index
    %get3A_439 = tpu.vector_load %arg5[%get3A_437, %get3A_438] {strides = array<i32>} : memref<208x64xi32, #tpu.memory_space<vmem>>, vector<1x16xi32>,
    %get3A_440 = vector.shape_cast %get3A_439 : vector<1x16xi32> to vector<16xi32>
    %mul3A_441 = arith.constant 1000 : i32
    %mul3A_442 = vector.broadcast %mul3A_441 : i32 to vector<16xi32>
    %mul3A_443 = arith.muli %rem3A_435, %mul3A_442 : vector<16xi32>
    %add3A_444 = arith.addi %get3A_440, %mul3A_443 : vector<16xi32>
    %swap3A_445 = arith.constant 3 : i32
    %swap3A_446 = arith.index_cast %swap3A_445 : i32 to index
    %swap3A_447 = arith.constant 48 : index
    %swap3A_448 = tpu.vector_load %arg5[%swap3A_446, %swap3A_447] {strides = array<i32>} : memref<208x64xi32, #tpu.memory_space<vmem>>, vector<1x16xi32>,
    %swap3A_449 = vector.shape_cast %swap3A_448 : vector<1x16xi32> to vector<16xi32>
    %swap3A_450 = vector.shape_cast %add3A_444 : vector<16xi32> to vector<1x16xi32>
    tpu.vector_store %arg5[%swap3A_446, %swap3A_447], %swap3A_450 {strides = array<i32>} : memref<208x64xi32, #tpu.memory_space<vmem>>, vector<1x16xi32>,
    %dma_start3A_451 = arith.constant 3 : i32
    %dma_start3A_452 = arith.constant 0 : i32
    %dma_start3A_453 = tpu.memref_slice %arg5[%dma_start3A_451, %dma_start3A_452] : memref<208x64xi32, #tpu.memory_space<vmem>> -> memref<1x64xi32, #tpu.memory_space<vmem>>
    %dma_start3A_454 = tpu.memref_squeeze %dma_start3A_453 : memref<1x64xi32, #tpu.memory_space<vmem>> -> memref<64xi32, #tpu.memory_space<vmem>>
    %dma_start3A_455 = arith.constant 0 : i32
    %dma_start3A_456 = arith.constant 0 : i32
    %dma_start3A_457 = tpu.memref_slice %arg3[%dma_start3A_455, %dma_start3A_456] : memref<26000x128xf32, #tpu.memory_space<hbm>> -> memref<26000x128xf32, #tpu.memory_space<hbm>>
    tpu.enqueue_indirect_dma source(%dma_start3A_457 : memref<26000x128xf32, #tpu.memory_space<hbm>>) target(%arg9 : memref<64x128xf32, #tpu.memory_space<vmem>>) offsets(%dma_start3A_454 : memref<64xi32, #tpu.memory_space<vmem>>) semaphore(%arg17 : memref<!tpu.dma_semaphore, #tpu.memory_space<semaphore_mem>>)
    %add3A_458 = arith.constant 4 : i32
    %add3A_459 = arith.addi %mul3A_2, %add3A_458 : i32
    %mul3A_460 = arith.constant 64 : i32
    %mul3A_461 = arith.muli %add3A_459, %mul3A_460 : i32
    %add3A_462 = arith.constant 0 : i32
    %add3A_463 = arith.addi %mul3A_461, %add3A_462 : i32
    %iota3A_464 = tpu.iota {dimensions = array<i32: 0>} : vector<16xi32>
    %add3A_465 = vector.broadcast %add3A_463 : i32 to vector<16xi32>
    %add3A_466 = arith.addi %add3A_465, %iota3A_464 : vector<16xi32>
    %rem3A_467 = arith.constant 26 : i32
    %rem3A_468 = vector.broadcast %rem3A_467 : i32 to vector<16xi32>
    %rem3A_469 = arith.remsi %add3A_466, %rem3A_468 : vector<16xi32>
    %get3A_470 = arith.constant 4 : i32
    %get3A_471 = arith.index_cast %get3A_470 : i32 to index
    %get3A_472 = arith.constant 0 : index
    %get3A_473 = tpu.vector_load %arg5[%get3A_471, %get3A_472] {strides = array<i32>} : memref<208x64xi32, #tpu.memory_space<vmem>>, vector<1x16xi32>,
    %get3A_474 = vector.shape_cast %get3A_473 : vector<1x16xi32> to vector<16xi32>
    %mul3A_475 = arith.constant 1000 : i32
    %mul3A_476 = vector.broadcast %mul3A_475 : i32 to vector<16xi32>
    %mul3A_477 = arith.muli %rem3A_469, %mul3A_476 : vector<16xi32>
    %add3A_478 = arith.addi %get3A_474, %mul3A_477 : vector<16xi32>
    %swap3A_479 = arith.constant 4 : i32
    %swap3A_480 = arith.index_cast %swap3A_479 : i32 to index
    %swap3A_481 = arith.constant 0 : index
    %swap3A_482 = tpu.vector_load %arg5[%swap3A_480, %swap3A_481] {strides = array<i32>} : memref<208x64xi32, #tpu.memory_space<vmem>>, vector<1x16xi32>,
    %swap3A_483 = vector.shape_cast %swap3A_482 : vector<1x16xi32> to vector<16xi32>
    %swap3A_484 = vector.shape_cast %add3A_478 : vector<16xi32> to vector<1x16xi32>
    tpu.vector_store %arg5[%swap3A_480, %swap3A_481], %swap3A_484 {strides = array<i32>} : memref<208x64xi32, #tpu.memory_space<vmem>>, vector<1x16xi32>,
    %add3A_485 = arith.constant 4 : i32
    %add3A_486 = arith.addi %mul3A_2, %add3A_485 : i32
    %mul3A_487 = arith.constant 64 : i32
    %mul3A_488 = arith.muli %add3A_486, %mul3A_487 : i32
    %add3A_489 = arith.constant 16 : i32
    %add3A_490 = arith.addi %mul3A_488, %add3A_489 : i32
    %iota3A_491 = tpu.iota {dimensions = array<i32: 0>} : vector<16xi32>
    %add3A_492 = vector.broadcast %add3A_490 : i32 to vector<16xi32>
    %add3A_493 = arith.addi %add3A_492, %iota3A_491 : vector<16xi32>
    %rem3A_494 = arith.constant 26 : i32
    %rem3A_495 = vector.broadcast %rem3A_494 : i32 to vector<16xi32>
    %rem3A_496 = arith.remsi %add3A_493, %rem3A_495 : vector<16xi32>
    %get3A_497 = arith.constant 4 : i32
    %get3A_498 = arith.index_cast %get3A_497 : i32 to index
    %get3A_499 = arith.constant 16 : index
    %get3A_500 = tpu.vector_load %arg5[%get3A_498, %get3A_499] {strides = array<i32>} : memref<208x64xi32, #tpu.memory_space<vmem>>, vector<1x16xi32>,
    %get3A_501 = vector.shape_cast %get3A_500 : vector<1x16xi32> to vector<16xi32>
    %mul3A_502 = arith.constant 1000 : i32
    %mul3A_503 = vector.broadcast %mul3A_502 : i32 to vector<16xi32>
    %mul3A_504 = arith.muli %rem3A_496, %mul3A_503 : vector<16xi32>
    %add3A_505 = arith.addi %get3A_501, %mul3A_504 : vector<16xi32>
    %swap3A_506 = arith.constant 4 : i32
    %swap3A_507 = arith.index_cast %swap3A_506 : i32 to index
    %swap3A_508 = arith.constant 16 : index
    %swap3A_509 = tpu.vector_load %arg5[%swap3A_507, %swap3A_508] {strides = array<i32>} : memref<208x64xi32, #tpu.memory_space<vmem>>, vector<1x16xi32>,
    %swap3A_510 = vector.shape_cast %swap3A_509 : vector<1x16xi32> to vector<16xi32>
    %swap3A_511 = vector.shape_cast %add3A_505 : vector<16xi32> to vector<1x16xi32>
    tpu.vector_store %arg5[%swap3A_507, %swap3A_508], %swap3A_511 {strides = array<i32>} : memref<208x64xi32, #tpu.memory_space<vmem>>, vector<1x16xi32>,
    %add3A_512 = arith.constant 4 : i32
    %add3A_513 = arith.addi %mul3A_2, %add3A_512 : i32
    %mul3A_514 = arith.constant 64 : i32
    %mul3A_515 = arith.muli %add3A_513, %mul3A_514 : i32
    %add3A_516 = arith.constant 32 : i32
    %add3A_517 = arith.addi %mul3A_515, %add3A_516 : i32
    %iota3A_518 = tpu.iota {dimensions = array<i32: 0>} : vector<16xi32>
    %add3A_519 = vector.broadcast %add3A_517 : i32 to vector<16xi32>
    %add3A_520 = arith.addi %add3A_519, %iota3A_518 : vector<16xi32>
    %rem3A_521 = arith.constant 26 : i32
    %rem3A_522 = vector.broadcast %rem3A_521 : i32 to vector<16xi32>
    %rem3A_523 = arith.remsi %add3A_520, %rem3A_522 : vector<16xi32>
    %get3A_524 = arith.constant 4 : i32
    %get3A_525 = arith.index_cast %get3A_524 : i32 to index
    %get3A_526 = arith.constant 32 : index
    %get3A_527 = tpu.vector_load %arg5[%get3A_525, %get3A_526] {strides = array<i32>} : memref<208x64xi32, #tpu.memory_space<vmem>>, vector<1x16xi32>,
    %get3A_528 = vector.shape_cast %get3A_527 : vector<1x16xi32> to vector<16xi32>
    %mul3A_529 = arith.constant 1000 : i32
    %mul3A_530 = vector.broadcast %mul3A_529 : i32 to vector<16xi32>
    %mul3A_531 = arith.muli %rem3A_523, %mul3A_530 : vector<16xi32>
    %add3A_532 = arith.addi %get3A_528, %mul3A_531 : vector<16xi32>
    %swap3A_533 = arith.constant 4 : i32
    %swap3A_534 = arith.index_cast %swap3A_533 : i32 to index
    %swap3A_535 = arith.constant 32 : index
    %swap3A_536 = tpu.vector_load %arg5[%swap3A_534, %swap3A_535] {strides = array<i32>} : memref<208x64xi32, #tpu.memory_space<vmem>>, vector<1x16xi32>,
    %swap3A_537 = vector.shape_cast %swap3A_536 : vector<1x16xi32> to vector<16xi32>
    %swap3A_538 = vector.shape_cast %add3A_532 : vector<16xi32> to vector<1x16xi32>
    tpu.vector_store %arg5[%swap3A_534, %swap3A_535], %swap3A_538 {strides = array<i32>} : memref<208x64xi32, #tpu.memory_space<vmem>>, vector<1x16xi32>,
    %add3A_539 = arith.constant 4 : i32
    %add3A_540 = arith.addi %mul3A_2, %add3A_539 : i32
    %mul3A_541 = arith.constant 64 : i32
    %mul3A_542 = arith.muli %add3A_540, %mul3A_541 : i32
    %add3A_543 = arith.constant 48 : i32
    %add3A_544 = arith.addi %mul3A_542, %add3A_543 : i32
    %iota3A_545 = tpu.iota {dimensions = array<i32: 0>} : vector<16xi32>
    %add3A_546 = vector.broadcast %add3A_544 : i32 to vector<16xi32>
    %add3A_547 = arith.addi %add3A_546, %iota3A_545 : vector<16xi32>
    %rem3A_548 = arith.constant 26 : i32
    %rem3A_549 = vector.broadcast %rem3A_548 : i32 to vector<16xi32>
    %rem3A_550 = arith.remsi %add3A_547, %rem3A_549 : vector<16xi32>
    %get3A_551 = arith.constant 4 : i32
    %get3A_552 = arith.index_cast %get3A_551 : i32 to index
    %get3A_553 = arith.constant 48 : index
    %get3A_554 = tpu.vector_load %arg5[%get3A_552, %get3A_553] {strides = array<i32>} : memref<208x64xi32, #tpu.memory_space<vmem>>, vector<1x16xi32>,
    %get3A_555 = vector.shape_cast %get3A_554 : vector<1x16xi32> to vector<16xi32>
    %mul3A_556 = arith.constant 1000 : i32
    %mul3A_557 = vector.broadcast %mul3A_556 : i32 to vector<16xi32>
    %mul3A_558 = arith.muli %rem3A_550, %mul3A_557 : vector<16xi32>
    %add3A_559 = arith.addi %get3A_555, %mul3A_558 : vector<16xi32>
    %swap3A_560 = arith.constant 4 : i32
    %swap3A_561 = arith.index_cast %swap3A_560 : i32 to index
    %swap3A_562 = arith.constant 48 : index
    %swap3A_563 = tpu.vector_load %arg5[%swap3A_561, %swap3A_562] {strides = array<i32>} : memref<208x64xi32, #tpu.memory_space<vmem>>, vector<1x16xi32>,
    %swap3A_564 = vector.shape_cast %swap3A_563 : vector<1x16xi32> to vector<16xi32>
    %swap3A_565 = vector.shape_cast %add3A_559 : vector<16xi32> to vector<1x16xi32>
    tpu.vector_store %arg5[%swap3A_561, %swap3A_562], %swap3A_565 {strides = array<i32>} : memref<208x64xi32, #tpu.memory_space<vmem>>, vector<1x16xi32>,
    %dma_start3A_566 = arith.constant 4 : i32
    %dma_start3A_567 = arith.constant 0 : i32
    %dma_start3A_568 = tpu.memref_slice %arg5[%dma_start3A_566, %dma_start3A_567] : memref<208x64xi32, #tpu.memory_space<vmem>> -> memref<1x64xi32, #tpu.memory_space<vmem>>
    %dma_start3A_569 = tpu.memref_squeeze %dma_start3A_568 : memref<1x64xi32, #tpu.memory_space<vmem>> -> memref<64xi32, #tpu.memory_space<vmem>>
    %dma_start3A_570 = arith.constant 0 : i32
    %dma_start3A_571 = arith.constant 0 : i32
    %dma_start3A_572 = tpu.memref_slice %arg3[%dma_start3A_570, %dma_start3A_571] : memref<26000x128xf32, #tpu.memory_space<hbm>> -> memref<26000x128xf32, #tpu.memory_space<hbm>>
    tpu.enqueue_indirect_dma source(%dma_start3A_572 : memref<26000x128xf32, #tpu.memory_space<hbm>>) target(%arg10 : memref<64x128xf32, #tpu.memory_space<vmem>>) offsets(%dma_start3A_569 : memref<64xi32, #tpu.memory_space<vmem>>) semaphore(%arg18 : memref<!tpu.dma_semaphore, #tpu.memory_space<semaphore_mem>>)
    %add3A_573 = arith.constant 5 : i32
    %add3A_574 = arith.addi %mul3A_2, %add3A_573 : i32
    %mul3A_575 = arith.constant 64 : i32
    %mul3A_576 = arith.muli %add3A_574, %mul3A_575 : i32
    %add3A_577 = arith.constant 0 : i32
    %add3A_578 = arith.addi %mul3A_576, %add3A_577 : i32
    %iota3A_579 = tpu.iota {dimensions = array<i32: 0>} : vector<16xi32>
    %add3A_580 = vector.broadcast %add3A_578 : i32 to vector<16xi32>
    %add3A_581 = arith.addi %add3A_580, %iota3A_579 : vector<16xi32>
    %rem3A_582 = arith.constant 26 : i32
    %rem3A_583 = vector.broadcast %rem3A_582 : i32 to vector<16xi32>
    %rem3A_584 = arith.remsi %add3A_581, %rem3A_583 : vector<16xi32>
    %get3A_585 = arith.constant 5 : i32
    %get3A_586 = arith.index_cast %get3A_585 : i32 to index
    %get3A_587 = arith.constant 0 : index
    %get3A_588 = tpu.vector_load %arg5[%get3A_586, %get3A_587] {strides = array<i32>} : memref<208x64xi32, #tpu.memory_space<vmem>>, vector<1x16xi32>,
    %get3A_589 = vector.shape_cast %get3A_588 : vector<1x16xi32> to vector<16xi32>
    %mul3A_590 = arith.constant 1000 : i32
    %mul3A_591 = vector.broadcast %mul3A_590 : i32 to vector<16xi32>
    %mul3A_592 = arith.muli %rem3A_584, %mul3A_591 : vector<16xi32>
    %add3A_593 = arith.addi %get3A_589, %mul3A_592 : vector<16xi32>
    %swap3A_594 = arith.constant 5 : i32
    %swap3A_595 = arith.index_cast %swap3A_594 : i32 to index
    %swap3A_596 = arith.constant 0 : index
    %swap3A_597 = tpu.vector_load %arg5[%swap3A_595, %swap3A_596] {strides = array<i32>} : memref<208x64xi32, #tpu.memory_space<vmem>>, vector<1x16xi32>,
    %swap3A_598 = vector.shape_cast %swap3A_597 : vector<1x16xi32> to vector<16xi32>
    %swap3A_599 = vector.shape_cast %add3A_593 : vector<16xi32> to vector<1x16xi32>
    tpu.vector_store %arg5[%swap3A_595, %swap3A_596], %swap3A_599 {strides = array<i32>} : memref<208x64xi32, #tpu.memory_space<vmem>>, vector<1x16xi32>,
    %add3A_600 = arith.constant 5 : i32
    %add3A_601 = arith.addi %mul3A_2, %add3A_600 : i32
    %mul3A_602 = arith.constant 64 : i32
    %mul3A_603 = arith.muli %add3A_601, %mul3A_602 : i32
    %add3A_604 = arith.constant 16 : i32
    %add3A_605 = arith.addi %mul3A_603, %add3A_604 : i32
    %iota3A_606 = tpu.iota {dimensions = array<i32: 0>} : vector<16xi32>
    %add3A_607 = vector.broadcast %add3A_605 : i32 to vector<16xi32>
    %add3A_608 = arith.addi %add3A_607, %iota3A_606 : vector<16xi32>
    %rem3A_609 = arith.constant 26 : i32
    %rem3A_610 = vector.broadcast %rem3A_609 : i32 to vector<16xi32>
    %rem3A_611 = arith.remsi %add3A_608, %rem3A_610 : vector<16xi32>
    %get3A_612 = arith.constant 5 : i32
    %get3A_613 = arith.index_cast %get3A_612 : i32 to index
    %get3A_614 = arith.constant 16 : index
    %get3A_615 = tpu.vector_load %arg5[%get3A_613, %get3A_614] {strides = array<i32>} : memref<208x64xi32, #tpu.memory_space<vmem>>, vector<1x16xi32>,
    %get3A_616 = vector.shape_cast %get3A_615 : vector<1x16xi32> to vector<16xi32>
    %mul3A_617 = arith.constant 1000 : i32
    %mul3A_618 = vector.broadcast %mul3A_617 : i32 to vector<16xi32>
    %mul3A_619 = arith.muli %rem3A_611, %mul3A_618 : vector<16xi32>
    %add3A_620 = arith.addi %get3A_616, %mul3A_619 : vector<16xi32>
    %swap3A_621 = arith.constant 5 : i32
    %swap3A_622 = arith.index_cast %swap3A_621 : i32 to index
    %swap3A_623 = arith.constant 16 : index
    %swap3A_624 = tpu.vector_load %arg5[%swap3A_622, %swap3A_623] {strides = array<i32>} : memref<208x64xi32, #tpu.memory_space<vmem>>, vector<1x16xi32>,
    %swap3A_625 = vector.shape_cast %swap3A_624 : vector<1x16xi32> to vector<16xi32>
    %swap3A_626 = vector.shape_cast %add3A_620 : vector<16xi32> to vector<1x16xi32>
    tpu.vector_store %arg5[%swap3A_622, %swap3A_623], %swap3A_626 {strides = array<i32>} : memref<208x64xi32, #tpu.memory_space<vmem>>, vector<1x16xi32>,
    %add3A_627 = arith.constant 5 : i32
    %add3A_628 = arith.addi %mul3A_2, %add3A_627 : i32
    %mul3A_629 = arith.constant 64 : i32
    %mul3A_630 = arith.muli %add3A_628, %mul3A_629 : i32
    %add3A_631 = arith.constant 32 : i32
    %add3A_632 = arith.addi %mul3A_630, %add3A_631 : i32
    %iota3A_633 = tpu.iota {dimensions = array<i32: 0>} : vector<16xi32>
    %add3A_634 = vector.broadcast %add3A_632 : i32 to vector<16xi32>
    %add3A_635 = arith.addi %add3A_634, %iota3A_633 : vector<16xi32>
    %rem3A_636 = arith.constant 26 : i32
    %rem3A_637 = vector.broadcast %rem3A_636 : i32 to vector<16xi32>
    %rem3A_638 = arith.remsi %add3A_635, %rem3A_637 : vector<16xi32>
    %get3A_639 = arith.constant 5 : i32
    %get3A_640 = arith.index_cast %get3A_639 : i32 to index
    %get3A_641 = arith.constant 32 : index
    %get3A_642 = tpu.vector_load %arg5[%get3A_640, %get3A_641] {strides = array<i32>} : memref<208x64xi32, #tpu.memory_space<vmem>>, vector<1x16xi32>,
    %get3A_643 = vector.shape_cast %get3A_642 : vector<1x16xi32> to vector<16xi32>
    %mul3A_644 = arith.constant 1000 : i32
    %mul3A_645 = vector.broadcast %mul3A_644 : i32 to vector<16xi32>
    %mul3A_646 = arith.muli %rem3A_638, %mul3A_645 : vector<16xi32>
    %add3A_647 = arith.addi %get3A_643, %mul3A_646 : vector<16xi32>
    %swap3A_648 = arith.constant 5 : i32
    %swap3A_649 = arith.index_cast %swap3A_648 : i32 to index
    %swap3A_650 = arith.constant 32 : index
    %swap3A_651 = tpu.vector_load %arg5[%swap3A_649, %swap3A_650] {strides = array<i32>} : memref<208x64xi32, #tpu.memory_space<vmem>>, vector<1x16xi32>,
    %swap3A_652 = vector.shape_cast %swap3A_651 : vector<1x16xi32> to vector<16xi32>
    %swap3A_653 = vector.shape_cast %add3A_647 : vector<16xi32> to vector<1x16xi32>
    tpu.vector_store %arg5[%swap3A_649, %swap3A_650], %swap3A_653 {strides = array<i32>} : memref<208x64xi32, #tpu.memory_space<vmem>>, vector<1x16xi32>,
    %add3A_654 = arith.constant 5 : i32
    %add3A_655 = arith.addi %mul3A_2, %add3A_654 : i32
    %mul3A_656 = arith.constant 64 : i32
    %mul3A_657 = arith.muli %add3A_655, %mul3A_656 : i32
    %add3A_658 = arith.constant 48 : i32
    %add3A_659 = arith.addi %mul3A_657, %add3A_658 : i32
    %iota3A_660 = tpu.iota {dimensions = array<i32: 0>} : vector<16xi32>
    %add3A_661 = vector.broadcast %add3A_659 : i32 to vector<16xi32>
    %add3A_662 = arith.addi %add3A_661, %iota3A_660 : vector<16xi32>
    %rem3A_663 = arith.constant 26 : i32
    %rem3A_664 = vector.broadcast %rem3A_663 : i32 to vector<16xi32>
    %rem3A_665 = arith.remsi %add3A_662, %rem3A_664 : vector<16xi32>
    %get3A_666 = arith.constant 5 : i32
    %get3A_667 = arith.index_cast %get3A_666 : i32 to index
    %get3A_668 = arith.constant 48 : index
    %get3A_669 = tpu.vector_load %arg5[%get3A_667, %get3A_668] {strides = array<i32>} : memref<208x64xi32, #tpu.memory_space<vmem>>, vector<1x16xi32>,
    %get3A_670 = vector.shape_cast %get3A_669 : vector<1x16xi32> to vector<16xi32>
    %mul3A_671 = arith.constant 1000 : i32
    %mul3A_672 = vector.broadcast %mul3A_671 : i32 to vector<16xi32>
    %mul3A_673 = arith.muli %rem3A_665, %mul3A_672 : vector<16xi32>
    %add3A_674 = arith.addi %get3A_670, %mul3A_673 : vector<16xi32>
    %swap3A_675 = arith.constant 5 : i32
    %swap3A_676 = arith.index_cast %swap3A_675 : i32 to index
    %swap3A_677 = arith.constant 48 : index
    %swap3A_678 = tpu.vector_load %arg5[%swap3A_676, %swap3A_677] {strides = array<i32>} : memref<208x64xi32, #tpu.memory_space<vmem>>, vector<1x16xi32>,
    %swap3A_679 = vector.shape_cast %swap3A_678 : vector<1x16xi32> to vector<16xi32>
    %swap3A_680 = vector.shape_cast %add3A_674 : vector<16xi32> to vector<1x16xi32>
    tpu.vector_store %arg5[%swap3A_676, %swap3A_677], %swap3A_680 {strides = array<i32>} : memref<208x64xi32, #tpu.memory_space<vmem>>, vector<1x16xi32>,
    %dma_start3A_681 = arith.constant 5 : i32
    %dma_start3A_682 = arith.constant 0 : i32
    %dma_start3A_683 = tpu.memref_slice %arg5[%dma_start3A_681, %dma_start3A_682] : memref<208x64xi32, #tpu.memory_space<vmem>> -> memref<1x64xi32, #tpu.memory_space<vmem>>
    %dma_start3A_684 = tpu.memref_squeeze %dma_start3A_683 : memref<1x64xi32, #tpu.memory_space<vmem>> -> memref<64xi32, #tpu.memory_space<vmem>>
    %dma_start3A_685 = arith.constant 0 : i32
    %dma_start3A_686 = arith.constant 0 : i32
    %dma_start3A_687 = tpu.memref_slice %arg3[%dma_start3A_685, %dma_start3A_686] : memref<26000x128xf32, #tpu.memory_space<hbm>> -> memref<26000x128xf32, #tpu.memory_space<hbm>>
    tpu.enqueue_indirect_dma source(%dma_start3A_687 : memref<26000x128xf32, #tpu.memory_space<hbm>>) target(%arg11 : memref<64x128xf32, #tpu.memory_space<vmem>>) offsets(%dma_start3A_684 : memref<64xi32, #tpu.memory_space<vmem>>) semaphore(%arg19 : memref<!tpu.dma_semaphore, #tpu.memory_space<semaphore_mem>>)
    %add3A_688 = arith.constant 6 : i32
    %add3A_689 = arith.addi %mul3A_2, %add3A_688 : i32
    %mul3A_690 = arith.constant 64 : i32
    %mul3A_691 = arith.muli %add3A_689, %mul3A_690 : i32
    %add3A_692 = arith.constant 0 : i32
    %add3A_693 = arith.addi %mul3A_691, %add3A_692 : i32
    %iota3A_694 = tpu.iota {dimensions = array<i32: 0>} : vector<16xi32>
    %add3A_695 = vector.broadcast %add3A_693 : i32 to vector<16xi32>
    %add3A_696 = arith.addi %add3A_695, %iota3A_694 : vector<16xi32>
    %rem3A_697 = arith.constant 26 : i32
    %rem3A_698 = vector.broadcast %rem3A_697 : i32 to vector<16xi32>
    %rem3A_699 = arith.remsi %add3A_696, %rem3A_698 : vector<16xi32>
    %get3A_700 = arith.constant 6 : i32
    %get3A_701 = arith.index_cast %get3A_700 : i32 to index
    %get3A_702 = arith.constant 0 : index
    %get3A_703 = tpu.vector_load %arg5[%get3A_701, %get3A_702] {strides = array<i32>} : memref<208x64xi32, #tpu.memory_space<vmem>>, vector<1x16xi32>,
    %get3A_704 = vector.shape_cast %get3A_703 : vector<1x16xi32> to vector<16xi32>
    %mul3A_705 = arith.constant 1000 : i32
    %mul3A_706 = vector.broadcast %mul3A_705 : i32 to vector<16xi32>
    %mul3A_707 = arith.muli %rem3A_699, %mul3A_706 : vector<16xi32>
    %add3A_708 = arith.addi %get3A_704, %mul3A_707 : vector<16xi32>
    %swap3A_709 = arith.constant 6 : i32
    %swap3A_710 = arith.index_cast %swap3A_709 : i32 to index
    %swap3A_711 = arith.constant 0 : index
    %swap3A_712 = tpu.vector_load %arg5[%swap3A_710, %swap3A_711] {strides = array<i32>} : memref<208x64xi32, #tpu.memory_space<vmem>>, vector<1x16xi32>,
    %swap3A_713 = vector.shape_cast %swap3A_712 : vector<1x16xi32> to vector<16xi32>
    %swap3A_714 = vector.shape_cast %add3A_708 : vector<16xi32> to vector<1x16xi32>
    tpu.vector_store %arg5[%swap3A_710, %swap3A_711], %swap3A_714 {strides = array<i32>} : memref<208x64xi32, #tpu.memory_space<vmem>>, vector<1x16xi32>,
    %add3A_715 = arith.constant 6 : i32
    %add3A_716 = arith.addi %mul3A_2, %add3A_715 : i32
    %mul3A_717 = arith.constant 64 : i32
    %mul3A_718 = arith.muli %add3A_716, %mul3A_717 : i32
    %add3A_719 = arith.constant 16 : i32
    %add3A_720 = arith.addi %mul3A_718, %add3A_719 : i32
    %iota3A_721 = tpu.iota {dimensions = array<i32: 0>} : vector<16xi32>
    %add3A_722 = vector.broadcast %add3A_720 : i32 to vector<16xi32>
    %add3A_723 = arith.addi %add3A_722, %iota3A_721 : vector<16xi32>
    %rem3A_724 = arith.constant 26 : i32
    %rem3A_725 = vector.broadcast %rem3A_724 : i32 to vector<16xi32>
    %rem3A_726 = arith.remsi %add3A_723, %rem3A_725 : vector<16xi32>
    %get3A_727 = arith.constant 6 : i32
    %get3A_728 = arith.index_cast %get3A_727 : i32 to index
    %get3A_729 = arith.constant 16 : index
    %get3A_730 = tpu.vector_load %arg5[%get3A_728, %get3A_729] {strides = array<i32>} : memref<208x64xi32, #tpu.memory_space<vmem>>, vector<1x16xi32>,
    %get3A_731 = vector.shape_cast %get3A_730 : vector<1x16xi32> to vector<16xi32>
    %mul3A_732 = arith.constant 1000 : i32
    %mul3A_733 = vector.broadcast %mul3A_732 : i32 to vector<16xi32>
    %mul3A_734 = arith.muli %rem3A_726, %mul3A_733 : vector<16xi32>
    %add3A_735 = arith.addi %get3A_731, %mul3A_734 : vector<16xi32>
    %swap3A_736 = arith.constant 6 : i32
    %swap3A_737 = arith.index_cast %swap3A_736 : i32 to index
    %swap3A_738 = arith.constant 16 : index
    %swap3A_739 = tpu.vector_load %arg5[%swap3A_737, %swap3A_738] {strides = array<i32>} : memref<208x64xi32, #tpu.memory_space<vmem>>, vector<1x16xi32>,
    %swap3A_740 = vector.shape_cast %swap3A_739 : vector<1x16xi32> to vector<16xi32>
    %swap3A_741 = vector.shape_cast %add3A_735 : vector<16xi32> to vector<1x16xi32>
    tpu.vector_store %arg5[%swap3A_737, %swap3A_738], %swap3A_741 {strides = array<i32>} : memref<208x64xi32, #tpu.memory_space<vmem>>, vector<1x16xi32>,
    %add3A_742 = arith.constant 6 : i32
    %add3A_743 = arith.addi %mul3A_2, %add3A_742 : i32
    %mul3A_744 = arith.constant 64 : i32
    %mul3A_745 = arith.muli %add3A_743, %mul3A_744 : i32
    %add3A_746 = arith.constant 32 : i32
    %add3A_747 = arith.addi %mul3A_745, %add3A_746 : i32
    %iota3A_748 = tpu.iota {dimensions = array<i32: 0>} : vector<16xi32>
    %add3A_749 = vector.broadcast %add3A_747 : i32 to vector<16xi32>
    %add3A_750 = arith.addi %add3A_749, %iota3A_748 : vector<16xi32>
    %rem3A_751 = arith.constant 26 : i32
    %rem3A_752 = vector.broadcast %rem3A_751 : i32 to vector<16xi32>
    %rem3A_753 = arith.remsi %add3A_750, %rem3A_752 : vector<16xi32>
    %get3A_754 = arith.constant 6 : i32
    %get3A_755 = arith.index_cast %get3A_754 : i32 to index
    %get3A_756 = arith.constant 32 : index
    %get3A_757 = tpu.vector_load %arg5[%get3A_755, %get3A_756] {strides = array<i32>} : memref<208x64xi32, #tpu.memory_space<vmem>>, vector<1x16xi32>,
    %get3A_758 = vector.shape_cast %get3A_757 : vector<1x16xi32> to vector<16xi32>
    %mul3A_759 = arith.constant 1000 : i32
    %mul3A_760 = vector.broadcast %mul3A_759 : i32 to vector<16xi32>
    %mul3A_761 = arith.muli %rem3A_753, %mul3A_760 : vector<16xi32>
    %add3A_762 = arith.addi %get3A_758, %mul3A_761 : vector<16xi32>
    %swap3A_763 = arith.constant 6 : i32
    %swap3A_764 = arith.index_cast %swap3A_763 : i32 to index
    %swap3A_765 = arith.constant 32 : index
    %swap3A_766 = tpu.vector_load %arg5[%swap3A_764, %swap3A_765] {strides = array<i32>} : memref<208x64xi32, #tpu.memory_space<vmem>>, vector<1x16xi32>,
    %swap3A_767 = vector.shape_cast %swap3A_766 : vector<1x16xi32> to vector<16xi32>
    %swap3A_768 = vector.shape_cast %add3A_762 : vector<16xi32> to vector<1x16xi32>
    tpu.vector_store %arg5[%swap3A_764, %swap3A_765], %swap3A_768 {strides = array<i32>} : memref<208x64xi32, #tpu.memory_space<vmem>>, vector<1x16xi32>,
    %add3A_769 = arith.constant 6 : i32
    %add3A_770 = arith.addi %mul3A_2, %add3A_769 : i32
    %mul3A_771 = arith.constant 64 : i32
    %mul3A_772 = arith.muli %add3A_770, %mul3A_771 : i32
    %add3A_773 = arith.constant 48 : i32
    %add3A_774 = arith.addi %mul3A_772, %add3A_773 : i32
    %iota3A_775 = tpu.iota {dimensions = array<i32: 0>} : vector<16xi32>
    %add3A_776 = vector.broadcast %add3A_774 : i32 to vector<16xi32>
    %add3A_777 = arith.addi %add3A_776, %iota3A_775 : vector<16xi32>
    %rem3A_778 = arith.constant 26 : i32
    %rem3A_779 = vector.broadcast %rem3A_778 : i32 to vector<16xi32>
    %rem3A_780 = arith.remsi %add3A_777, %rem3A_779 : vector<16xi32>
    %get3A_781 = arith.constant 6 : i32
    %get3A_782 = arith.index_cast %get3A_781 : i32 to index
    %get3A_783 = arith.constant 48 : index
    %get3A_784 = tpu.vector_load %arg5[%get3A_782, %get3A_783] {strides = array<i32>} : memref<208x64xi32, #tpu.memory_space<vmem>>, vector<1x16xi32>,
    %get3A_785 = vector.shape_cast %get3A_784 : vector<1x16xi32> to vector<16xi32>
    %mul3A_786 = arith.constant 1000 : i32
    %mul3A_787 = vector.broadcast %mul3A_786 : i32 to vector<16xi32>
    %mul3A_788 = arith.muli %rem3A_780, %mul3A_787 : vector<16xi32>
    %add3A_789 = arith.addi %get3A_785, %mul3A_788 : vector<16xi32>
    %swap3A_790 = arith.constant 6 : i32
    %swap3A_791 = arith.index_cast %swap3A_790 : i32 to index
    %swap3A_792 = arith.constant 48 : index
    %swap3A_793 = tpu.vector_load %arg5[%swap3A_791, %swap3A_792] {strides = array<i32>} : memref<208x64xi32, #tpu.memory_space<vmem>>, vector<1x16xi32>,
    %swap3A_794 = vector.shape_cast %swap3A_793 : vector<1x16xi32> to vector<16xi32>
    %swap3A_795 = vector.shape_cast %add3A_789 : vector<16xi32> to vector<1x16xi32>
    tpu.vector_store %arg5[%swap3A_791, %swap3A_792], %swap3A_795 {strides = array<i32>} : memref<208x64xi32, #tpu.memory_space<vmem>>, vector<1x16xi32>,
    %dma_start3A_796 = arith.constant 6 : i32
    %dma_start3A_797 = arith.constant 0 : i32
    %dma_start3A_798 = tpu.memref_slice %arg5[%dma_start3A_796, %dma_start3A_797] : memref<208x64xi32, #tpu.memory_space<vmem>> -> memref<1x64xi32, #tpu.memory_space<vmem>>
    %dma_start3A_799 = tpu.memref_squeeze %dma_start3A_798 : memref<1x64xi32, #tpu.memory_space<vmem>> -> memref<64xi32, #tpu.memory_space<vmem>>
    %dma_start3A_800 = arith.constant 0 : i32
    %dma_start3A_801 = arith.constant 0 : i32
    %dma_start3A_802 = tpu.memref_slice %arg3[%dma_start3A_800, %dma_start3A_801] : memref<26000x128xf32, #tpu.memory_space<hbm>> -> memref<26000x128xf32, #tpu.memory_space<hbm>>
    tpu.enqueue_indirect_dma source(%dma_start3A_802 : memref<26000x128xf32, #tpu.memory_space<hbm>>) target(%arg12 : memref<64x128xf32, #tpu.memory_space<vmem>>) offsets(%dma_start3A_799 : memref<64xi32, #tpu.memory_space<vmem>>) semaphore(%arg20 : memref<!tpu.dma_semaphore, #tpu.memory_space<semaphore_mem>>)
    %add3A_803 = arith.constant 7 : i32
    %add3A_804 = arith.addi %mul3A_2, %add3A_803 : i32
    %mul3A_805 = arith.constant 64 : i32
    %mul3A_806 = arith.muli %add3A_804, %mul3A_805 : i32
    %add3A_807 = arith.constant 0 : i32
    %add3A_808 = arith.addi %mul3A_806, %add3A_807 : i32
    %iota3A_809 = tpu.iota {dimensions = array<i32: 0>} : vector<16xi32>
    %add3A_810 = vector.broadcast %add3A_808 : i32 to vector<16xi32>
    %add3A_811 = arith.addi %add3A_810, %iota3A_809 : vector<16xi32>
    %rem3A_812 = arith.constant 26 : i32
    %rem3A_813 = vector.broadcast %rem3A_812 : i32 to vector<16xi32>
    %rem3A_814 = arith.remsi %add3A_811, %rem3A_813 : vector<16xi32>
    %get3A_815 = arith.constant 7 : i32
    %get3A_816 = arith.index_cast %get3A_815 : i32 to index
    %get3A_817 = arith.constant 0 : index
    %get3A_818 = tpu.vector_load %arg5[%get3A_816, %get3A_817] {strides = array<i32>} : memref<208x64xi32, #tpu.memory_space<vmem>>, vector<1x16xi32>,
    %get3A_819 = vector.shape_cast %get3A_818 : vector<1x16xi32> to vector<16xi32>
    %mul3A_820 = arith.constant 1000 : i32
    %mul3A_821 = vector.broadcast %mul3A_820 : i32 to vector<16xi32>
    %mul3A_822 = arith.muli %rem3A_814, %mul3A_821 : vector<16xi32>
    %add3A_823 = arith.addi %get3A_819, %mul3A_822 : vector<16xi32>
    %swap3A_824 = arith.constant 7 : i32
    %swap3A_825 = arith.index_cast %swap3A_824 : i32 to index
    %swap3A_826 = arith.constant 0 : index
    %swap3A_827 = tpu.vector_load %arg5[%swap3A_825, %swap3A_826] {strides = array<i32>} : memref<208x64xi32, #tpu.memory_space<vmem>>, vector<1x16xi32>,
    %swap3A_828 = vector.shape_cast %swap3A_827 : vector<1x16xi32> to vector<16xi32>
    %swap3A_829 = vector.shape_cast %add3A_823 : vector<16xi32> to vector<1x16xi32>
    tpu.vector_store %arg5[%swap3A_825, %swap3A_826], %swap3A_829 {strides = array<i32>} : memref<208x64xi32, #tpu.memory_space<vmem>>, vector<1x16xi32>,
    %add3A_830 = arith.constant 7 : i32
    %add3A_831 = arith.addi %mul3A_2, %add3A_830 : i32
    %mul3A_832 = arith.constant 64 : i32
    %mul3A_833 = arith.muli %add3A_831, %mul3A_832 : i32
    %add3A_834 = arith.constant 16 : i32
    %add3A_835 = arith.addi %mul3A_833, %add3A_834 : i32
    %iota3A_836 = tpu.iota {dimensions = array<i32: 0>} : vector<16xi32>
    %add3A_837 = vector.broadcast %add3A_835 : i32 to vector<16xi32>
    %add3A_838 = arith.addi %add3A_837, %iota3A_836 : vector<16xi32>
    %rem3A_839 = arith.constant 26 : i32
    %rem3A_840 = vector.broadcast %rem3A_839 : i32 to vector<16xi32>
    %rem3A_841 = arith.remsi %add3A_838, %rem3A_840 : vector<16xi32>
    %get3A_842 = arith.constant 7 : i32
    %get3A_843 = arith.index_cast %get3A_842 : i32 to index
    %get3A_844 = arith.constant 16 : index
    %get3A_845 = tpu.vector_load %arg5[%get3A_843, %get3A_844] {strides = array<i32>} : memref<208x64xi32, #tpu.memory_space<vmem>>, vector<1x16xi32>,
    %get3A_846 = vector.shape_cast %get3A_845 : vector<1x16xi32> to vector<16xi32>
    %mul3A_847 = arith.constant 1000 : i32
    %mul3A_848 = vector.broadcast %mul3A_847 : i32 to vector<16xi32>
    %mul3A_849 = arith.muli %rem3A_841, %mul3A_848 : vector<16xi32>
    %add3A_850 = arith.addi %get3A_846, %mul3A_849 : vector<16xi32>
    %swap3A_851 = arith.constant 7 : i32
    %swap3A_852 = arith.index_cast %swap3A_851 : i32 to index
    %swap3A_853 = arith.constant 16 : index
    %swap3A_854 = tpu.vector_load %arg5[%swap3A_852, %swap3A_853] {strides = array<i32>} : memref<208x64xi32, #tpu.memory_space<vmem>>, vector<1x16xi32>,
    %swap3A_855 = vector.shape_cast %swap3A_854 : vector<1x16xi32> to vector<16xi32>
    %swap3A_856 = vector.shape_cast %add3A_850 : vector<16xi32> to vector<1x16xi32>
    tpu.vector_store %arg5[%swap3A_852, %swap3A_853], %swap3A_856 {strides = array<i32>} : memref<208x64xi32, #tpu.memory_space<vmem>>, vector<1x16xi32>,
    %add3A_857 = arith.constant 7 : i32
    %add3A_858 = arith.addi %mul3A_2, %add3A_857 : i32
    %mul3A_859 = arith.constant 64 : i32
    %mul3A_860 = arith.muli %add3A_858, %mul3A_859 : i32
    %add3A_861 = arith.constant 32 : i32
    %add3A_862 = arith.addi %mul3A_860, %add3A_861 : i32
    %iota3A_863 = tpu.iota {dimensions = array<i32: 0>} : vector<16xi32>
    %add3A_864 = vector.broadcast %add3A_862 : i32 to vector<16xi32>
    %add3A_865 = arith.addi %add3A_864, %iota3A_863 : vector<16xi32>
    %rem3A_866 = arith.constant 26 : i32
    %rem3A_867 = vector.broadcast %rem3A_866 : i32 to vector<16xi32>
    %rem3A_868 = arith.remsi %add3A_865, %rem3A_867 : vector<16xi32>
    %get3A_869 = arith.constant 7 : i32
    %get3A_870 = arith.index_cast %get3A_869 : i32 to index
    %get3A_871 = arith.constant 32 : index
    %get3A_872 = tpu.vector_load %arg5[%get3A_870, %get3A_871] {strides = array<i32>} : memref<208x64xi32, #tpu.memory_space<vmem>>, vector<1x16xi32>,
    %get3A_873 = vector.shape_cast %get3A_872 : vector<1x16xi32> to vector<16xi32>
    %mul3A_874 = arith.constant 1000 : i32
    %mul3A_875 = vector.broadcast %mul3A_874 : i32 to vector<16xi32>
    %mul3A_876 = arith.muli %rem3A_868, %mul3A_875 : vector<16xi32>
    %add3A_877 = arith.addi %get3A_873, %mul3A_876 : vector<16xi32>
    %swap3A_878 = arith.constant 7 : i32
    %swap3A_879 = arith.index_cast %swap3A_878 : i32 to index
    %swap3A_880 = arith.constant 32 : index
    %swap3A_881 = tpu.vector_load %arg5[%swap3A_879, %swap3A_880] {strides = array<i32>} : memref<208x64xi32, #tpu.memory_space<vmem>>, vector<1x16xi32>,
    %swap3A_882 = vector.shape_cast %swap3A_881 : vector<1x16xi32> to vector<16xi32>
    %swap3A_883 = vector.shape_cast %add3A_877 : vector<16xi32> to vector<1x16xi32>
    tpu.vector_store %arg5[%swap3A_879, %swap3A_880], %swap3A_883 {strides = array<i32>} : memref<208x64xi32, #tpu.memory_space<vmem>>, vector<1x16xi32>,
    %add3A_884 = arith.constant 7 : i32
    %add3A_885 = arith.addi %mul3A_2, %add3A_884 : i32
    %mul3A_886 = arith.constant 64 : i32
    %mul3A_887 = arith.muli %add3A_885, %mul3A_886 : i32
    %add3A_888 = arith.constant 48 : i32
    %add3A_889 = arith.addi %mul3A_887, %add3A_888 : i32
    %iota3A_890 = tpu.iota {dimensions = array<i32: 0>} : vector<16xi32>
    %add3A_891 = vector.broadcast %add3A_889 : i32 to vector<16xi32>
    %add3A_892 = arith.addi %add3A_891, %iota3A_890 : vector<16xi32>
    %rem3A_893 = arith.constant 26 : i32
    %rem3A_894 = vector.broadcast %rem3A_893 : i32 to vector<16xi32>
    %rem3A_895 = arith.remsi %add3A_892, %rem3A_894 : vector<16xi32>
    %get3A_896 = arith.constant 7 : i32
    %get3A_897 = arith.index_cast %get3A_896 : i32 to index
    %get3A_898 = arith.constant 48 : index
    %get3A_899 = tpu.vector_load %arg5[%get3A_897, %get3A_898] {strides = array<i32>} : memref<208x64xi32, #tpu.memory_space<vmem>>, vector<1x16xi32>,
    %get3A_900 = vector.shape_cast %get3A_899 : vector<1x16xi32> to vector<16xi32>
    %mul3A_901 = arith.constant 1000 : i32
    %mul3A_902 = vector.broadcast %mul3A_901 : i32 to vector<16xi32>
    %mul3A_903 = arith.muli %rem3A_895, %mul3A_902 : vector<16xi32>
    %add3A_904 = arith.addi %get3A_900, %mul3A_903 : vector<16xi32>
    %swap3A_905 = arith.constant 7 : i32
    %swap3A_906 = arith.index_cast %swap3A_905 : i32 to index
    %swap3A_907 = arith.constant 48 : index
    %swap3A_908 = tpu.vector_load %arg5[%swap3A_906, %swap3A_907] {strides = array<i32>} : memref<208x64xi32, #tpu.memory_space<vmem>>, vector<1x16xi32>,
    %swap3A_909 = vector.shape_cast %swap3A_908 : vector<1x16xi32> to vector<16xi32>
    %swap3A_910 = vector.shape_cast %add3A_904 : vector<16xi32> to vector<1x16xi32>
    tpu.vector_store %arg5[%swap3A_906, %swap3A_907], %swap3A_910 {strides = array<i32>} : memref<208x64xi32, #tpu.memory_space<vmem>>, vector<1x16xi32>,
    %dma_start3A_911 = arith.constant 7 : i32
    %dma_start3A_912 = arith.constant 0 : i32
    %dma_start3A_913 = tpu.memref_slice %arg5[%dma_start3A_911, %dma_start3A_912] : memref<208x64xi32, #tpu.memory_space<vmem>> -> memref<1x64xi32, #tpu.memory_space<vmem>>
    %dma_start3A_914 = tpu.memref_squeeze %dma_start3A_913 : memref<1x64xi32, #tpu.memory_space<vmem>> -> memref<64xi32, #tpu.memory_space<vmem>>
    %dma_start3A_915 = arith.constant 0 : i32
    %dma_start3A_916 = arith.constant 0 : i32
    %dma_start3A_917 = tpu.memref_slice %arg3[%dma_start3A_915, %dma_start3A_916] : memref<26000x128xf32, #tpu.memory_space<hbm>> -> memref<26000x128xf32, #tpu.memory_space<hbm>>
    tpu.enqueue_indirect_dma source(%dma_start3A_917 : memref<26000x128xf32, #tpu.memory_space<hbm>>) target(%arg13 : memref<64x128xf32, #tpu.memory_space<vmem>>) offsets(%dma_start3A_914 : memref<64xi32, #tpu.memory_space<vmem>>) semaphore(%arg21 : memref<!tpu.dma_semaphore, #tpu.memory_space<semaphore_mem>>)
    %scan3A = arith.constant 0 : i32
    %scan3A_918 = arith.constant 0 : i32
    %scan3A_919 = arith.constant 26 : i32
    %scan3A_920 = arith.addi %scan3A_918, %scan3A_919 : i32
    %scan3A_921 = arith.constant 1 : i32
    scf.for %scan3A_970 = %scan3A_918 to %scan3A_920 step %scan3A_921  : i32 {
      %mul3A_971 = arith.constant 8 : i32
      %mul3A_972 = arith.muli %scan3A_970, %mul3A_971 : i32
      %lt3A = arith.constant 25 : i32
      %lt3A_973 = arith.cmpi slt, %scan3A_970, %lt3A : i32
      %convert_element_type3A = arith.extui %lt3A_973 : i1 to i32
      %cond3A = arith.constant 0 : i32
      %cond3A_974 = arith.cmpi ne, %convert_element_type3A, %cond3A : i32
      scf.if %cond3A_974 {
        %dma_wait3A_979 = arith.constant 0 : i32
        %dma_wait3A_980 = arith.constant 0 : i32
        %dma_wait3A_981 = tpu.memref_slice %arg5[%dma_wait3A_979, %dma_wait3A_980] : memref<208x64xi32, #tpu.memory_space<vmem>> -> memref<1x64xi32, #tpu.memory_space<vmem>>
        %dma_wait3A_982 = tpu.memref_squeeze %dma_wait3A_981 : memref<1x64xi32, #tpu.memory_space<vmem>> -> memref<64xi32, #tpu.memory_space<vmem>>
        %dma_wait3A_983 = arith.constant 0 : i32
        %dma_wait3A_984 = arith.constant 0 : i32
        %dma_wait3A_985 = tpu.memref_slice %arg3[%dma_wait3A_983, %dma_wait3A_984] : memref<26000x128xf32, #tpu.memory_space<hbm>> -> memref<26000x128xf32, #tpu.memory_space<hbm>>
        tpu.wait_indirect_dma semaphore(%arg14 : memref<!tpu.dma_semaphore, #tpu.memory_space<semaphore_mem>>) src(%dma_wait3A_985 : memref<26000x128xf32, #tpu.memory_space<hbm>>) dst(%arg6 : memref<64x128xf32, #tpu.memory_space<vmem>>)
        %add3A_986 = arith.constant 0 : i32
        %add3A_987 = arith.addi %mul3A_972, %add3A_986 : i32
        %add3A_988 = arith.addi %mul3A_2, %add3A_987 : i32
        %mul3A_989 = arith.constant 64 : i32
        %mul3A_990 = arith.muli %add3A_988, %mul3A_989 : i32
        %dma_start3A_991 = arith.constant 0 : i32
        %dma_start3A_992 = tpu.memref_slice %arg4[%mul3A_990, %dma_start3A_991] : memref<425984x128xf32, #tpu.memory_space<hbm>> -> memref<64x128xf32, #tpu.memory_space<hbm>>
        %dma_start3A_993 = arith.constant 0 : i32
        %dma_start3A_994 = tpu.memref_slice %arg4[%mul3A_990, %dma_start3A_993] : memref<425984x128xf32, #tpu.memory_space<hbm>> -> memref<64x128xf32, #tpu.memory_space<hbm>>
        tpu.enqueue_dma source(%arg6 : memref<64x128xf32, #tpu.memory_space<vmem>>) target(%dma_start3A_994 : memref<64x128xf32, #tpu.memory_space<hbm>>) target_semaphore(%arg22 : memref<!tpu.dma_semaphore, #tpu.memory_space<semaphore_mem>>)
        %dma_wait3A_995 = arith.constant 0 : i32
        %dma_wait3A_996 = arith.constant 0 : i32
        %dma_wait3A_997 = tpu.memref_slice %arg5[%dma_wait3A_995, %dma_wait3A_996] : memref<208x64xi32, #tpu.memory_space<vmem>> -> memref<1x64xi32, #tpu.memory_space<vmem>>
        %dma_wait3A_998 = tpu.memref_squeeze %dma_wait3A_997 : memref<1x64xi32, #tpu.memory_space<vmem>> -> memref<64xi32, #tpu.memory_space<vmem>>
        %dma_wait3A_999 = arith.constant 0 : i32
        %dma_wait3A_1000 = arith.constant 0 : i32
        %dma_wait3A_1001 = tpu.memref_slice %arg3[%dma_wait3A_999, %dma_wait3A_1000] : memref<26000x128xf32, #tpu.memory_space<hbm>> -> memref<26000x128xf32, #tpu.memory_space<hbm>>
        tpu.wait_indirect_dma semaphore(%arg15 : memref<!tpu.dma_semaphore, #tpu.memory_space<semaphore_mem>>) src(%dma_wait3A_1001 : memref<26000x128xf32, #tpu.memory_space<hbm>>) dst(%arg7 : memref<64x128xf32, #tpu.memory_space<vmem>>)
        %add3A_1002 = arith.constant 1 : i32
        %add3A_1003 = arith.addi %mul3A_972, %add3A_1002 : i32
        %add3A_1004 = arith.addi %mul3A_2, %add3A_1003 : i32
        %mul3A_1005 = arith.constant 64 : i32
        %mul3A_1006 = arith.muli %add3A_1004, %mul3A_1005 : i32
        %dma_start3A_1007 = arith.constant 0 : i32
        %dma_start3A_1008 = tpu.memref_slice %arg4[%mul3A_1006, %dma_start3A_1007] : memref<425984x128xf32, #tpu.memory_space<hbm>> -> memref<64x128xf32, #tpu.memory_space<hbm>>
        %dma_start3A_1009 = arith.constant 0 : i32
        %dma_start3A_1010 = tpu.memref_slice %arg4[%mul3A_1006, %dma_start3A_1009] : memref<425984x128xf32, #tpu.memory_space<hbm>> -> memref<64x128xf32, #tpu.memory_space<hbm>>
        tpu.enqueue_dma source(%arg7 : memref<64x128xf32, #tpu.memory_space<vmem>>) target(%dma_start3A_1010 : memref<64x128xf32, #tpu.memory_space<hbm>>) target_semaphore(%arg23 : memref<!tpu.dma_semaphore, #tpu.memory_space<semaphore_mem>>)
        %dma_wait3A_1011 = arith.constant 0 : i32
        %dma_wait3A_1012 = arith.constant 0 : i32
        %dma_wait3A_1013 = tpu.memref_slice %arg5[%dma_wait3A_1011, %dma_wait3A_1012] : memref<208x64xi32, #tpu.memory_space<vmem>> -> memref<1x64xi32, #tpu.memory_space<vmem>>
        %dma_wait3A_1014 = tpu.memref_squeeze %dma_wait3A_1013 : memref<1x64xi32, #tpu.memory_space<vmem>> -> memref<64xi32, #tpu.memory_space<vmem>>
        %dma_wait3A_1015 = arith.constant 0 : i32
        %dma_wait3A_1016 = arith.constant 0 : i32
        %dma_wait3A_1017 = tpu.memref_slice %arg3[%dma_wait3A_1015, %dma_wait3A_1016] : memref<26000x128xf32, #tpu.memory_space<hbm>> -> memref<26000x128xf32, #tpu.memory_space<hbm>>
        tpu.wait_indirect_dma semaphore(%arg16 : memref<!tpu.dma_semaphore, #tpu.memory_space<semaphore_mem>>) src(%dma_wait3A_1017 : memref<26000x128xf32, #tpu.memory_space<hbm>>) dst(%arg8 : memref<64x128xf32, #tpu.memory_space<vmem>>)
        %add3A_1018 = arith.constant 2 : i32
        %add3A_1019 = arith.addi %mul3A_972, %add3A_1018 : i32
        %add3A_1020 = arith.addi %mul3A_2, %add3A_1019 : i32
        %mul3A_1021 = arith.constant 64 : i32
        %mul3A_1022 = arith.muli %add3A_1020, %mul3A_1021 : i32
        %dma_start3A_1023 = arith.constant 0 : i32
        %dma_start3A_1024 = tpu.memref_slice %arg4[%mul3A_1022, %dma_start3A_1023] : memref<425984x128xf32, #tpu.memory_space<hbm>> -> memref<64x128xf32, #tpu.memory_space<hbm>>
        %dma_start3A_1025 = arith.constant 0 : i32
        %dma_start3A_1026 = tpu.memref_slice %arg4[%mul3A_1022, %dma_start3A_1025] : memref<425984x128xf32, #tpu.memory_space<hbm>> -> memref<64x128xf32, #tpu.memory_space<hbm>>
        tpu.enqueue_dma source(%arg8 : memref<64x128xf32, #tpu.memory_space<vmem>>) target(%dma_start3A_1026 : memref<64x128xf32, #tpu.memory_space<hbm>>) target_semaphore(%arg24 : memref<!tpu.dma_semaphore, #tpu.memory_space<semaphore_mem>>)
        %dma_wait3A_1027 = arith.constant 0 : i32
        %dma_wait3A_1028 = arith.constant 0 : i32
        %dma_wait3A_1029 = tpu.memref_slice %arg5[%dma_wait3A_1027, %dma_wait3A_1028] : memref<208x64xi32, #tpu.memory_space<vmem>> -> memref<1x64xi32, #tpu.memory_space<vmem>>
        %dma_wait3A_1030 = tpu.memref_squeeze %dma_wait3A_1029 : memref<1x64xi32, #tpu.memory_space<vmem>> -> memref<64xi32, #tpu.memory_space<vmem>>
        %dma_wait3A_1031 = arith.constant 0 : i32
        %dma_wait3A_1032 = arith.constant 0 : i32
        %dma_wait3A_1033 = tpu.memref_slice %arg3[%dma_wait3A_1031, %dma_wait3A_1032] : memref<26000x128xf32, #tpu.memory_space<hbm>> -> memref<26000x128xf32, #tpu.memory_space<hbm>>
        tpu.wait_indirect_dma semaphore(%arg17 : memref<!tpu.dma_semaphore, #tpu.memory_space<semaphore_mem>>) src(%dma_wait3A_1033 : memref<26000x128xf32, #tpu.memory_space<hbm>>) dst(%arg9 : memref<64x128xf32, #tpu.memory_space<vmem>>)
        %add3A_1034 = arith.constant 3 : i32
        %add3A_1035 = arith.addi %mul3A_972, %add3A_1034 : i32
        %add3A_1036 = arith.addi %mul3A_2, %add3A_1035 : i32
        %mul3A_1037 = arith.constant 64 : i32
        %mul3A_1038 = arith.muli %add3A_1036, %mul3A_1037 : i32
        %dma_start3A_1039 = arith.constant 0 : i32
        %dma_start3A_1040 = tpu.memref_slice %arg4[%mul3A_1038, %dma_start3A_1039] : memref<425984x128xf32, #tpu.memory_space<hbm>> -> memref<64x128xf32, #tpu.memory_space<hbm>>
        %dma_start3A_1041 = arith.constant 0 : i32
        %dma_start3A_1042 = tpu.memref_slice %arg4[%mul3A_1038, %dma_start3A_1041] : memref<425984x128xf32, #tpu.memory_space<hbm>> -> memref<64x128xf32, #tpu.memory_space<hbm>>
        tpu.enqueue_dma source(%arg9 : memref<64x128xf32, #tpu.memory_space<vmem>>) target(%dma_start3A_1042 : memref<64x128xf32, #tpu.memory_space<hbm>>) target_semaphore(%arg25 : memref<!tpu.dma_semaphore, #tpu.memory_space<semaphore_mem>>)
        %dma_wait3A_1043 = arith.constant 0 : i32
        %dma_wait3A_1044 = arith.constant 0 : i32
        %dma_wait3A_1045 = tpu.memref_slice %arg5[%dma_wait3A_1043, %dma_wait3A_1044] : memref<208x64xi32, #tpu.memory_space<vmem>> -> memref<1x64xi32, #tpu.memory_space<vmem>>
        %dma_wait3A_1046 = tpu.memref_squeeze %dma_wait3A_1045 : memref<1x64xi32, #tpu.memory_space<vmem>> -> memref<64xi32, #tpu.memory_space<vmem>>
        %dma_wait3A_1047 = arith.constant 0 : i32
        %dma_wait3A_1048 = arith.constant 0 : i32
        %dma_wait3A_1049 = tpu.memref_slice %arg3[%dma_wait3A_1047, %dma_wait3A_1048] : memref<26000x128xf32, #tpu.memory_space<hbm>> -> memref<26000x128xf32, #tpu.memory_space<hbm>>
        tpu.wait_indirect_dma semaphore(%arg18 : memref<!tpu.dma_semaphore, #tpu.memory_space<semaphore_mem>>) src(%dma_wait3A_1049 : memref<26000x128xf32, #tpu.memory_space<hbm>>) dst(%arg10 : memref<64x128xf32, #tpu.memory_space<vmem>>)
        %add3A_1050 = arith.constant 4 : i32
        %add3A_1051 = arith.addi %mul3A_972, %add3A_1050 : i32
        %add3A_1052 = arith.addi %mul3A_2, %add3A_1051 : i32
        %mul3A_1053 = arith.constant 64 : i32
        %mul3A_1054 = arith.muli %add3A_1052, %mul3A_1053 : i32
        %dma_start3A_1055 = arith.constant 0 : i32
        %dma_start3A_1056 = tpu.memref_slice %arg4[%mul3A_1054, %dma_start3A_1055] : memref<425984x128xf32, #tpu.memory_space<hbm>> -> memref<64x128xf32, #tpu.memory_space<hbm>>
        %dma_start3A_1057 = arith.constant 0 : i32
        %dma_start3A_1058 = tpu.memref_slice %arg4[%mul3A_1054, %dma_start3A_1057] : memref<425984x128xf32, #tpu.memory_space<hbm>> -> memref<64x128xf32, #tpu.memory_space<hbm>>
        tpu.enqueue_dma source(%arg10 : memref<64x128xf32, #tpu.memory_space<vmem>>) target(%dma_start3A_1058 : memref<64x128xf32, #tpu.memory_space<hbm>>) target_semaphore(%arg26 : memref<!tpu.dma_semaphore, #tpu.memory_space<semaphore_mem>>)
        %add3A_1059 = arith.constant 8 : i32
        %add3A_1060 = arith.addi %mul3A_972, %add3A_1059 : i32
        %add3A_1061 = arith.constant 0 : i32
        %add3A_1062 = arith.addi %add3A_1060, %add3A_1061 : i32
        %add3A_1063 = arith.addi %mul3A_2, %add3A_1062 : i32
        %mul3A_1064 = arith.constant 64 : i32
        %mul3A_1065 = arith.muli %add3A_1063, %mul3A_1064 : i32
        %add3A_1066 = arith.constant 0 : i32
        %add3A_1067 = arith.addi %mul3A_1065, %add3A_1066 : i32
        %iota3A_1068 = tpu.iota {dimensions = array<i32: 0>} : vector<16xi32>
        %add3A_1069 = vector.broadcast %add3A_1067 : i32 to vector<16xi32>
        %add3A_1070 = arith.addi %add3A_1069, %iota3A_1068 : vector<16xi32>
        %rem3A_1071 = arith.constant 26 : i32
        %rem3A_1072 = vector.broadcast %rem3A_1071 : i32 to vector<16xi32>
        %rem3A_1073 = arith.remsi %add3A_1070, %rem3A_1072 : vector<16xi32>
        %get3A_1074 = arith.index_cast %add3A_1062 : i32 to index
        %get3A_1075 = arith.constant 0 : index
        %get3A_1076 = tpu.vector_load %arg5[%get3A_1074, %get3A_1075] {strides = array<i32>} : memref<208x64xi32, #tpu.memory_space<vmem>>, vector<1x16xi32>,
        %get3A_1077 = vector.shape_cast %get3A_1076 : vector<1x16xi32> to vector<16xi32>
        %mul3A_1078 = arith.constant 1000 : i32
        %mul3A_1079 = vector.broadcast %mul3A_1078 : i32 to vector<16xi32>
        %mul3A_1080 = arith.muli %rem3A_1073, %mul3A_1079 : vector<16xi32>
        %add3A_1081 = arith.addi %get3A_1077, %mul3A_1080 : vector<16xi32>
        %swap3A_1082 = arith.index_cast %add3A_1062 : i32 to index
        %swap3A_1083 = arith.constant 0 : index
        %swap3A_1084 = tpu.vector_load %arg5[%swap3A_1082, %swap3A_1083] {strides = array<i32>} : memref<208x64xi32, #tpu.memory_space<vmem>>, vector<1x16xi32>,
        %swap3A_1085 = vector.shape_cast %swap3A_1084 : vector<1x16xi32> to vector<16xi32>
        %swap3A_1086 = vector.shape_cast %add3A_1081 : vector<16xi32> to vector<1x16xi32>
        tpu.vector_store %arg5[%swap3A_1082, %swap3A_1083], %swap3A_1086 {strides = array<i32>} : memref<208x64xi32, #tpu.memory_space<vmem>>, vector<1x16xi32>,
        %add3A_1087 = arith.addi %mul3A_2, %add3A_1062 : i32
        %mul3A_1088 = arith.constant 64 : i32
        %mul3A_1089 = arith.muli %add3A_1087, %mul3A_1088 : i32
        %add3A_1090 = arith.constant 16 : i32
        %add3A_1091 = arith.addi %mul3A_1089, %add3A_1090 : i32
        %iota3A_1092 = tpu.iota {dimensions = array<i32: 0>} : vector<16xi32>
        %add3A_1093 = vector.broadcast %add3A_1091 : i32 to vector<16xi32>
        %add3A_1094 = arith.addi %add3A_1093, %iota3A_1092 : vector<16xi32>
        %rem3A_1095 = arith.constant 26 : i32
        %rem3A_1096 = vector.broadcast %rem3A_1095 : i32 to vector<16xi32>
        %rem3A_1097 = arith.remsi %add3A_1094, %rem3A_1096 : vector<16xi32>
        %get3A_1098 = arith.index_cast %add3A_1062 : i32 to index
        %get3A_1099 = arith.constant 16 : index
        %get3A_1100 = tpu.vector_load %arg5[%get3A_1098, %get3A_1099] {strides = array<i32>} : memref<208x64xi32, #tpu.memory_space<vmem>>, vector<1x16xi32>,
        %get3A_1101 = vector.shape_cast %get3A_1100 : vector<1x16xi32> to vector<16xi32>
        %mul3A_1102 = arith.constant 1000 : i32
        %mul3A_1103 = vector.broadcast %mul3A_1102 : i32 to vector<16xi32>
        %mul3A_1104 = arith.muli %rem3A_1097, %mul3A_1103 : vector<16xi32>
        %add3A_1105 = arith.addi %get3A_1101, %mul3A_1104 : vector<16xi32>
        %swap3A_1106 = arith.index_cast %add3A_1062 : i32 to index
        %swap3A_1107 = arith.constant 16 : index
        %swap3A_1108 = tpu.vector_load %arg5[%swap3A_1106, %swap3A_1107] {strides = array<i32>} : memref<208x64xi32, #tpu.memory_space<vmem>>, vector<1x16xi32>,
        %swap3A_1109 = vector.shape_cast %swap3A_1108 : vector<1x16xi32> to vector<16xi32>
        %swap3A_1110 = vector.shape_cast %add3A_1105 : vector<16xi32> to vector<1x16xi32>
        tpu.vector_store %arg5[%swap3A_1106, %swap3A_1107], %swap3A_1110 {strides = array<i32>} : memref<208x64xi32, #tpu.memory_space<vmem>>, vector<1x16xi32>,
        %add3A_1111 = arith.addi %mul3A_2, %add3A_1062 : i32
        %mul3A_1112 = arith.constant 64 : i32
        %mul3A_1113 = arith.muli %add3A_1111, %mul3A_1112 : i32
        %add3A_1114 = arith.constant 32 : i32
        %add3A_1115 = arith.addi %mul3A_1113, %add3A_1114 : i32
        %iota3A_1116 = tpu.iota {dimensions = array<i32: 0>} : vector<16xi32>
        %add3A_1117 = vector.broadcast %add3A_1115 : i32 to vector<16xi32>
        %add3A_1118 = arith.addi %add3A_1117, %iota3A_1116 : vector<16xi32>
        %rem3A_1119 = arith.constant 26 : i32
        %rem3A_1120 = vector.broadcast %rem3A_1119 : i32 to vector<16xi32>
        %rem3A_1121 = arith.remsi %add3A_1118, %rem3A_1120 : vector<16xi32>
        %get3A_1122 = arith.index_cast %add3A_1062 : i32 to index
        %get3A_1123 = arith.constant 32 : index
        %get3A_1124 = tpu.vector_load %arg5[%get3A_1122, %get3A_1123] {strides = array<i32>} : memref<208x64xi32, #tpu.memory_space<vmem>>, vector<1x16xi32>,
        %get3A_1125 = vector.shape_cast %get3A_1124 : vector<1x16xi32> to vector<16xi32>
        %mul3A_1126 = arith.constant 1000 : i32
        %mul3A_1127 = vector.broadcast %mul3A_1126 : i32 to vector<16xi32>
        %mul3A_1128 = arith.muli %rem3A_1121, %mul3A_1127 : vector<16xi32>
        %add3A_1129 = arith.addi %get3A_1125, %mul3A_1128 : vector<16xi32>
        %swap3A_1130 = arith.index_cast %add3A_1062 : i32 to index
        %swap3A_1131 = arith.constant 32 : index
        %swap3A_1132 = tpu.vector_load %arg5[%swap3A_1130, %swap3A_1131] {strides = array<i32>} : memref<208x64xi32, #tpu.memory_space<vmem>>, vector<1x16xi32>,
        %swap3A_1133 = vector.shape_cast %swap3A_1132 : vector<1x16xi32> to vector<16xi32>
        %swap3A_1134 = vector.shape_cast %add3A_1129 : vector<16xi32> to vector<1x16xi32>
        tpu.vector_store %arg5[%swap3A_1130, %swap3A_1131], %swap3A_1134 {strides = array<i32>} : memref<208x64xi32, #tpu.memory_space<vmem>>, vector<1x16xi32>,
        %add3A_1135 = arith.addi %mul3A_2, %add3A_1062 : i32
        %mul3A_1136 = arith.constant 64 : i32
        %mul3A_1137 = arith.muli %add3A_1135, %mul3A_1136 : i32
        %add3A_1138 = arith.constant 48 : i32
        %add3A_1139 = arith.addi %mul3A_1137, %add3A_1138 : i32
        %iota3A_1140 = tpu.iota {dimensions = array<i32: 0>} : vector<16xi32>
        %add3A_1141 = vector.broadcast %add3A_1139 : i32 to vector<16xi32>
        %add3A_1142 = arith.addi %add3A_1141, %iota3A_1140 : vector<16xi32>
        %rem3A_1143 = arith.constant 26 : i32
        %rem3A_1144 = vector.broadcast %rem3A_1143 : i32 to vector<16xi32>
        %rem3A_1145 = arith.remsi %add3A_1142, %rem3A_1144 : vector<16xi32>
        %get3A_1146 = arith.index_cast %add3A_1062 : i32 to index
        %get3A_1147 = arith.constant 48 : index
        %get3A_1148 = tpu.vector_load %arg5[%get3A_1146, %get3A_1147] {strides = array<i32>} : memref<208x64xi32, #tpu.memory_space<vmem>>, vector<1x16xi32>,
        %get3A_1149 = vector.shape_cast %get3A_1148 : vector<1x16xi32> to vector<16xi32>
        %mul3A_1150 = arith.constant 1000 : i32
        %mul3A_1151 = vector.broadcast %mul3A_1150 : i32 to vector<16xi32>
        %mul3A_1152 = arith.muli %rem3A_1145, %mul3A_1151 : vector<16xi32>
        %add3A_1153 = arith.addi %get3A_1149, %mul3A_1152 : vector<16xi32>
        %swap3A_1154 = arith.index_cast %add3A_1062 : i32 to index
        %swap3A_1155 = arith.constant 48 : index
        %swap3A_1156 = tpu.vector_load %arg5[%swap3A_1154, %swap3A_1155] {strides = array<i32>} : memref<208x64xi32, #tpu.memory_space<vmem>>, vector<1x16xi32>,
        %swap3A_1157 = vector.shape_cast %swap3A_1156 : vector<1x16xi32> to vector<16xi32>
        %swap3A_1158 = vector.shape_cast %add3A_1153 : vector<16xi32> to vector<1x16xi32>
        tpu.vector_store %arg5[%swap3A_1154, %swap3A_1155], %swap3A_1158 {strides = array<i32>} : memref<208x64xi32, #tpu.memory_space<vmem>>, vector<1x16xi32>,
        %dma_wait3A_1159 = arith.constant 0 : i32
        %dma_wait3A_1160 = arith.constant 0 : i32
        %dma_wait3A_1161 = tpu.memref_slice %arg4[%dma_wait3A_1159, %dma_wait3A_1160] : memref<425984x128xf32, #tpu.memory_space<hbm>> -> memref<64x128xf32, #tpu.memory_space<hbm>>
        %dma_wait3A_1162 = arith.constant 0 : i32
        %dma_wait3A_1163 = arith.constant 0 : i32
        %dma_wait3A_1164 = tpu.memref_slice %arg4[%dma_wait3A_1162, %dma_wait3A_1163] : memref<425984x128xf32, #tpu.memory_space<hbm>> -> memref<64x128xf32, #tpu.memory_space<hbm>>
        tpu.wait_dma2 semaphore(%arg22 : memref<!tpu.dma_semaphore, #tpu.memory_space<semaphore_mem>>) src(%arg6 : memref<64x128xf32, #tpu.memory_space<vmem>>) dst(%dma_wait3A_1164 : memref<64x128xf32, #tpu.memory_space<hbm>>)
        %add3A_1165 = arith.constant 8 : i32
        %add3A_1166 = arith.addi %mul3A_972, %add3A_1165 : i32
        %add3A_1167 = arith.constant 0 : i32
        %add3A_1168 = arith.addi %add3A_1166, %add3A_1167 : i32
        %dma_start3A_1169 = arith.constant 0 : i32
        %dma_start3A_1170 = tpu.memref_slice %arg5[%add3A_1168, %dma_start3A_1169] : memref<208x64xi32, #tpu.memory_space<vmem>> -> memref<1x64xi32, #tpu.memory_space<vmem>>
        %dma_start3A_1171 = tpu.memref_squeeze %dma_start3A_1170 : memref<1x64xi32, #tpu.memory_space<vmem>> -> memref<64xi32, #tpu.memory_space<vmem>>
        %dma_start3A_1172 = arith.constant 0 : i32
        %dma_start3A_1173 = arith.constant 0 : i32
        %dma_start3A_1174 = tpu.memref_slice %arg3[%dma_start3A_1172, %dma_start3A_1173] : memref<26000x128xf32, #tpu.memory_space<hbm>> -> memref<26000x128xf32, #tpu.memory_space<hbm>>
        tpu.enqueue_indirect_dma source(%dma_start3A_1174 : memref<26000x128xf32, #tpu.memory_space<hbm>>) target(%arg6 : memref<64x128xf32, #tpu.memory_space<vmem>>) offsets(%dma_start3A_1171 : memref<64xi32, #tpu.memory_space<vmem>>) semaphore(%arg14 : memref<!tpu.dma_semaphore, #tpu.memory_space<semaphore_mem>>)
        %dma_wait3A_1175 = arith.constant 0 : i32
        %dma_wait3A_1176 = arith.constant 0 : i32
        %dma_wait3A_1177 = tpu.memref_slice %arg5[%dma_wait3A_1175, %dma_wait3A_1176] : memref<208x64xi32, #tpu.memory_space<vmem>> -> memref<1x64xi32, #tpu.memory_space<vmem>>
        %dma_wait3A_1178 = tpu.memref_squeeze %dma_wait3A_1177 : memref<1x64xi32, #tpu.memory_space<vmem>> -> memref<64xi32, #tpu.memory_space<vmem>>
        %dma_wait3A_1179 = arith.constant 0 : i32
        %dma_wait3A_1180 = arith.constant 0 : i32
        %dma_wait3A_1181 = tpu.memref_slice %arg3[%dma_wait3A_1179, %dma_wait3A_1180] : memref<26000x128xf32, #tpu.memory_space<hbm>> -> memref<26000x128xf32, #tpu.memory_space<hbm>>
        tpu.wait_indirect_dma semaphore(%arg19 : memref<!tpu.dma_semaphore, #tpu.memory_space<semaphore_mem>>) src(%dma_wait3A_1181 : memref<26000x128xf32, #tpu.memory_space<hbm>>) dst(%arg11 : memref<64x128xf32, #tpu.memory_space<vmem>>)
        %add3A_1182 = arith.constant 5 : i32
        %add3A_1183 = arith.addi %mul3A_972, %add3A_1182 : i32
        %add3A_1184 = arith.addi %mul3A_2, %add3A_1183 : i32
        %mul3A_1185 = arith.constant 64 : i32
        %mul3A_1186 = arith.muli %add3A_1184, %mul3A_1185 : i32
        %dma_start3A_1187 = arith.constant 0 : i32
        %dma_start3A_1188 = tpu.memref_slice %arg4[%mul3A_1186, %dma_start3A_1187] : memref<425984x128xf32, #tpu.memory_space<hbm>> -> memref<64x128xf32, #tpu.memory_space<hbm>>
        %dma_start3A_1189 = arith.constant 0 : i32
        %dma_start3A_1190 = tpu.memref_slice %arg4[%mul3A_1186, %dma_start3A_1189] : memref<425984x128xf32, #tpu.memory_space<hbm>> -> memref<64x128xf32, #tpu.memory_space<hbm>>
        tpu.enqueue_dma source(%arg11 : memref<64x128xf32, #tpu.memory_space<vmem>>) target(%dma_start3A_1190 : memref<64x128xf32, #tpu.memory_space<hbm>>) target_semaphore(%arg27 : memref<!tpu.dma_semaphore, #tpu.memory_space<semaphore_mem>>)
        %add3A_1191 = arith.constant 8 : i32
        %add3A_1192 = arith.addi %mul3A_972, %add3A_1191 : i32
        %add3A_1193 = arith.constant 1 : i32
        %add3A_1194 = arith.addi %add3A_1192, %add3A_1193 : i32
        %add3A_1195 = arith.addi %mul3A_2, %add3A_1194 : i32
        %mul3A_1196 = arith.constant 64 : i32
        %mul3A_1197 = arith.muli %add3A_1195, %mul3A_1196 : i32
        %add3A_1198 = arith.constant 0 : i32
        %add3A_1199 = arith.addi %mul3A_1197, %add3A_1198 : i32
        %iota3A_1200 = tpu.iota {dimensions = array<i32: 0>} : vector<16xi32>
        %add3A_1201 = vector.broadcast %add3A_1199 : i32 to vector<16xi32>
        %add3A_1202 = arith.addi %add3A_1201, %iota3A_1200 : vector<16xi32>
        %rem3A_1203 = arith.constant 26 : i32
        %rem3A_1204 = vector.broadcast %rem3A_1203 : i32 to vector<16xi32>
        %rem3A_1205 = arith.remsi %add3A_1202, %rem3A_1204 : vector<16xi32>
        %get3A_1206 = arith.index_cast %add3A_1194 : i32 to index
        %get3A_1207 = arith.constant 0 : index
        %get3A_1208 = tpu.vector_load %arg5[%get3A_1206, %get3A_1207] {strides = array<i32>} : memref<208x64xi32, #tpu.memory_space<vmem>>, vector<1x16xi32>,
        %get3A_1209 = vector.shape_cast %get3A_1208 : vector<1x16xi32> to vector<16xi32>
        %mul3A_1210 = arith.constant 1000 : i32
        %mul3A_1211 = vector.broadcast %mul3A_1210 : i32 to vector<16xi32>
        %mul3A_1212 = arith.muli %rem3A_1205, %mul3A_1211 : vector<16xi32>
        %add3A_1213 = arith.addi %get3A_1209, %mul3A_1212 : vector<16xi32>
        %swap3A_1214 = arith.index_cast %add3A_1194 : i32 to index
        %swap3A_1215 = arith.constant 0 : index
        %swap3A_1216 = tpu.vector_load %arg5[%swap3A_1214, %swap3A_1215] {strides = array<i32>} : memref<208x64xi32, #tpu.memory_space<vmem>>, vector<1x16xi32>,
        %swap3A_1217 = vector.shape_cast %swap3A_1216 : vector<1x16xi32> to vector<16xi32>
        %swap3A_1218 = vector.shape_cast %add3A_1213 : vector<16xi32> to vector<1x16xi32>
        tpu.vector_store %arg5[%swap3A_1214, %swap3A_1215], %swap3A_1218 {strides = array<i32>} : memref<208x64xi32, #tpu.memory_space<vmem>>, vector<1x16xi32>,
        %add3A_1219 = arith.addi %mul3A_2, %add3A_1194 : i32
        %mul3A_1220 = arith.constant 64 : i32
        %mul3A_1221 = arith.muli %add3A_1219, %mul3A_1220 : i32
        %add3A_1222 = arith.constant 16 : i32
        %add3A_1223 = arith.addi %mul3A_1221, %add3A_1222 : i32
        %iota3A_1224 = tpu.iota {dimensions = array<i32: 0>} : vector<16xi32>
        %add3A_1225 = vector.broadcast %add3A_1223 : i32 to vector<16xi32>
        %add3A_1226 = arith.addi %add3A_1225, %iota3A_1224 : vector<16xi32>
        %rem3A_1227 = arith.constant 26 : i32
        %rem3A_1228 = vector.broadcast %rem3A_1227 : i32 to vector<16xi32>
        %rem3A_1229 = arith.remsi %add3A_1226, %rem3A_1228 : vector<16xi32>
        %get3A_1230 = arith.index_cast %add3A_1194 : i32 to index
        %get3A_1231 = arith.constant 16 : index
        %get3A_1232 = tpu.vector_load %arg5[%get3A_1230, %get3A_1231] {strides = array<i32>} : memref<208x64xi32, #tpu.memory_space<vmem>>, vector<1x16xi32>,
        %get3A_1233 = vector.shape_cast %get3A_1232 : vector<1x16xi32> to vector<16xi32>
        %mul3A_1234 = arith.constant 1000 : i32
        %mul3A_1235 = vector.broadcast %mul3A_1234 : i32 to vector<16xi32>
        %mul3A_1236 = arith.muli %rem3A_1229, %mul3A_1235 : vector<16xi32>
        %add3A_1237 = arith.addi %get3A_1233, %mul3A_1236 : vector<16xi32>
        %swap3A_1238 = arith.index_cast %add3A_1194 : i32 to index
        %swap3A_1239 = arith.constant 16 : index
        %swap3A_1240 = tpu.vector_load %arg5[%swap3A_1238, %swap3A_1239] {strides = array<i32>} : memref<208x64xi32, #tpu.memory_space<vmem>>, vector<1x16xi32>,
        %swap3A_1241 = vector.shape_cast %swap3A_1240 : vector<1x16xi32> to vector<16xi32>
        %swap3A_1242 = vector.shape_cast %add3A_1237 : vector<16xi32> to vector<1x16xi32>
        tpu.vector_store %arg5[%swap3A_1238, %swap3A_1239], %swap3A_1242 {strides = array<i32>} : memref<208x64xi32, #tpu.memory_space<vmem>>, vector<1x16xi32>,
        %add3A_1243 = arith.addi %mul3A_2, %add3A_1194 : i32
        %mul3A_1244 = arith.constant 64 : i32
        %mul3A_1245 = arith.muli %add3A_1243, %mul3A_1244 : i32
        %add3A_1246 = arith.constant 32 : i32
        %add3A_1247 = arith.addi %mul3A_1245, %add3A_1246 : i32
        %iota3A_1248 = tpu.iota {dimensions = array<i32: 0>} : vector<16xi32>
        %add3A_1249 = vector.broadcast %add3A_1247 : i32 to vector<16xi32>
        %add3A_1250 = arith.addi %add3A_1249, %iota3A_1248 : vector<16xi32>
        %rem3A_1251 = arith.constant 26 : i32
        %rem3A_1252 = vector.broadcast %rem3A_1251 : i32 to vector<16xi32>
        %rem3A_1253 = arith.remsi %add3A_1250, %rem3A_1252 : vector<16xi32>
        %get3A_1254 = arith.index_cast %add3A_1194 : i32 to index
        %get3A_1255 = arith.constant 32 : index
        %get3A_1256 = tpu.vector_load %arg5[%get3A_1254, %get3A_1255] {strides = array<i32>} : memref<208x64xi32, #tpu.memory_space<vmem>>, vector<1x16xi32>,
        %get3A_1257 = vector.shape_cast %get3A_1256 : vector<1x16xi32> to vector<16xi32>
        %mul3A_1258 = arith.constant 1000 : i32
        %mul3A_1259 = vector.broadcast %mul3A_1258 : i32 to vector<16xi32>
        %mul3A_1260 = arith.muli %rem3A_1253, %mul3A_1259 : vector<16xi32>
        %add3A_1261 = arith.addi %get3A_1257, %mul3A_1260 : vector<16xi32>
        %swap3A_1262 = arith.index_cast %add3A_1194 : i32 to index
        %swap3A_1263 = arith.constant 32 : index
        %swap3A_1264 = tpu.vector_load %arg5[%swap3A_1262, %swap3A_1263] {strides = array<i32>} : memref<208x64xi32, #tpu.memory_space<vmem>>, vector<1x16xi32>,
        %swap3A_1265 = vector.shape_cast %swap3A_1264 : vector<1x16xi32> to vector<16xi32>
        %swap3A_1266 = vector.shape_cast %add3A_1261 : vector<16xi32> to vector<1x16xi32>
        tpu.vector_store %arg5[%swap3A_1262, %swap3A_1263], %swap3A_1266 {strides = array<i32>} : memref<208x64xi32, #tpu.memory_space<vmem>>, vector<1x16xi32>,
        %add3A_1267 = arith.addi %mul3A_2, %add3A_1194 : i32
        %mul3A_1268 = arith.constant 64 : i32
        %mul3A_1269 = arith.muli %add3A_1267, %mul3A_1268 : i32
        %add3A_1270 = arith.constant 48 : i32
        %add3A_1271 = arith.addi %mul3A_1269, %add3A_1270 : i32
        %iota3A_1272 = tpu.iota {dimensions = array<i32: 0>} : vector<16xi32>
        %add3A_1273 = vector.broadcast %add3A_1271 : i32 to vector<16xi32>
        %add3A_1274 = arith.addi %add3A_1273, %iota3A_1272 : vector<16xi32>
        %rem3A_1275 = arith.constant 26 : i32
        %rem3A_1276 = vector.broadcast %rem3A_1275 : i32 to vector<16xi32>
        %rem3A_1277 = arith.remsi %add3A_1274, %rem3A_1276 : vector<16xi32>
        %get3A_1278 = arith.index_cast %add3A_1194 : i32 to index
        %get3A_1279 = arith.constant 48 : index
        %get3A_1280 = tpu.vector_load %arg5[%get3A_1278, %get3A_1279] {strides = array<i32>} : memref<208x64xi32, #tpu.memory_space<vmem>>, vector<1x16xi32>,
        %get3A_1281 = vector.shape_cast %get3A_1280 : vector<1x16xi32> to vector<16xi32>
        %mul3A_1282 = arith.constant 1000 : i32
        %mul3A_1283 = vector.broadcast %mul3A_1282 : i32 to vector<16xi32>
        %mul3A_1284 = arith.muli %rem3A_1277, %mul3A_1283 : vector<16xi32>
        %add3A_1285 = arith.addi %get3A_1281, %mul3A_1284 : vector<16xi32>
        %swap3A_1286 = arith.index_cast %add3A_1194 : i32 to index
        %swap3A_1287 = arith.constant 48 : index
        %swap3A_1288 = tpu.vector_load %arg5[%swap3A_1286, %swap3A_1287] {strides = array<i32>} : memref<208x64xi32, #tpu.memory_space<vmem>>, vector<1x16xi32>,
        %swap3A_1289 = vector.shape_cast %swap3A_1288 : vector<1x16xi32> to vector<16xi32>
        %swap3A_1290 = vector.shape_cast %add3A_1285 : vector<16xi32> to vector<1x16xi32>
        tpu.vector_store %arg5[%swap3A_1286, %swap3A_1287], %swap3A_1290 {strides = array<i32>} : memref<208x64xi32, #tpu.memory_space<vmem>>, vector<1x16xi32>,
        %dma_wait3A_1291 = arith.constant 0 : i32
        %dma_wait3A_1292 = arith.constant 0 : i32
        %dma_wait3A_1293 = tpu.memref_slice %arg4[%dma_wait3A_1291, %dma_wait3A_1292] : memref<425984x128xf32, #tpu.memory_space<hbm>> -> memref<64x128xf32, #tpu.memory_space<hbm>>
        %dma_wait3A_1294 = arith.constant 0 : i32
        %dma_wait3A_1295 = arith.constant 0 : i32
        %dma_wait3A_1296 = tpu.memref_slice %arg4[%dma_wait3A_1294, %dma_wait3A_1295] : memref<425984x128xf32, #tpu.memory_space<hbm>> -> memref<64x128xf32, #tpu.memory_space<hbm>>
        tpu.wait_dma2 semaphore(%arg23 : memref<!tpu.dma_semaphore, #tpu.memory_space<semaphore_mem>>) src(%arg7 : memref<64x128xf32, #tpu.memory_space<vmem>>) dst(%dma_wait3A_1296 : memref<64x128xf32, #tpu.memory_space<hbm>>)
        %add3A_1297 = arith.constant 8 : i32
        %add3A_1298 = arith.addi %mul3A_972, %add3A_1297 : i32
        %add3A_1299 = arith.constant 1 : i32
        %add3A_1300 = arith.addi %add3A_1298, %add3A_1299 : i32
        %dma_start3A_1301 = arith.constant 0 : i32
        %dma_start3A_1302 = tpu.memref_slice %arg5[%add3A_1300, %dma_start3A_1301] : memref<208x64xi32, #tpu.memory_space<vmem>> -> memref<1x64xi32, #tpu.memory_space<vmem>>
        %dma_start3A_1303 = tpu.memref_squeeze %dma_start3A_1302 : memref<1x64xi32, #tpu.memory_space<vmem>> -> memref<64xi32, #tpu.memory_space<vmem>>
        %dma_start3A_1304 = arith.constant 0 : i32
        %dma_start3A_1305 = arith.constant 0 : i32
        %dma_start3A_1306 = tpu.memref_slice %arg3[%dma_start3A_1304, %dma_start3A_1305] : memref<26000x128xf32, #tpu.memory_space<hbm>> -> memref<26000x128xf32, #tpu.memory_space<hbm>>
        tpu.enqueue_indirect_dma source(%dma_start3A_1306 : memref<26000x128xf32, #tpu.memory_space<hbm>>) target(%arg7 : memref<64x128xf32, #tpu.memory_space<vmem>>) offsets(%dma_start3A_1303 : memref<64xi32, #tpu.memory_space<vmem>>) semaphore(%arg15 : memref<!tpu.dma_semaphore, #tpu.memory_space<semaphore_mem>>)
        %dma_wait3A_1307 = arith.constant 0 : i32
        %dma_wait3A_1308 = arith.constant 0 : i32
        %dma_wait3A_1309 = tpu.memref_slice %arg5[%dma_wait3A_1307, %dma_wait3A_1308] : memref<208x64xi32, #tpu.memory_space<vmem>> -> memref<1x64xi32, #tpu.memory_space<vmem>>
        %dma_wait3A_1310 = tpu.memref_squeeze %dma_wait3A_1309 : memref<1x64xi32, #tpu.memory_space<vmem>> -> memref<64xi32, #tpu.memory_space<vmem>>
        %dma_wait3A_1311 = arith.constant 0 : i32
        %dma_wait3A_1312 = arith.constant 0 : i32
        %dma_wait3A_1313 = tpu.memref_slice %arg3[%dma_wait3A_1311, %dma_wait3A_1312] : memref<26000x128xf32, #tpu.memory_space<hbm>> -> memref<26000x128xf32, #tpu.memory_space<hbm>>
        tpu.wait_indirect_dma semaphore(%arg20 : memref<!tpu.dma_semaphore, #tpu.memory_space<semaphore_mem>>) src(%dma_wait3A_1313 : memref<26000x128xf32, #tpu.memory_space<hbm>>) dst(%arg12 : memref<64x128xf32, #tpu.memory_space<vmem>>)
        %add3A_1314 = arith.constant 6 : i32
        %add3A_1315 = arith.addi %mul3A_972, %add3A_1314 : i32
        %add3A_1316 = arith.addi %mul3A_2, %add3A_1315 : i32
        %mul3A_1317 = arith.constant 64 : i32
        %mul3A_1318 = arith.muli %add3A_1316, %mul3A_1317 : i32
        %dma_start3A_1319 = arith.constant 0 : i32
        %dma_start3A_1320 = tpu.memref_slice %arg4[%mul3A_1318, %dma_start3A_1319] : memref<425984x128xf32, #tpu.memory_space<hbm>> -> memref<64x128xf32, #tpu.memory_space<hbm>>
        %dma_start3A_1321 = arith.constant 0 : i32
        %dma_start3A_1322 = tpu.memref_slice %arg4[%mul3A_1318, %dma_start3A_1321] : memref<425984x128xf32, #tpu.memory_space<hbm>> -> memref<64x128xf32, #tpu.memory_space<hbm>>
        tpu.enqueue_dma source(%arg12 : memref<64x128xf32, #tpu.memory_space<vmem>>) target(%dma_start3A_1322 : memref<64x128xf32, #tpu.memory_space<hbm>>) target_semaphore(%arg28 : memref<!tpu.dma_semaphore, #tpu.memory_space<semaphore_mem>>)
        %add3A_1323 = arith.constant 8 : i32
        %add3A_1324 = arith.addi %mul3A_972, %add3A_1323 : i32
        %add3A_1325 = arith.constant 2 : i32
        %add3A_1326 = arith.addi %add3A_1324, %add3A_1325 : i32
        %add3A_1327 = arith.addi %mul3A_2, %add3A_1326 : i32
        %mul3A_1328 = arith.constant 64 : i32
        %mul3A_1329 = arith.muli %add3A_1327, %mul3A_1328 : i32
        %add3A_1330 = arith.constant 0 : i32
        %add3A_1331 = arith.addi %mul3A_1329, %add3A_1330 : i32
        %iota3A_1332 = tpu.iota {dimensions = array<i32: 0>} : vector<16xi32>
        %add3A_1333 = vector.broadcast %add3A_1331 : i32 to vector<16xi32>
        %add3A_1334 = arith.addi %add3A_1333, %iota3A_1332 : vector<16xi32>
        %rem3A_1335 = arith.constant 26 : i32
        %rem3A_1336 = vector.broadcast %rem3A_1335 : i32 to vector<16xi32>
        %rem3A_1337 = arith.remsi %add3A_1334, %rem3A_1336 : vector<16xi32>
        %get3A_1338 = arith.index_cast %add3A_1326 : i32 to index
        %get3A_1339 = arith.constant 0 : index
        %get3A_1340 = tpu.vector_load %arg5[%get3A_1338, %get3A_1339] {strides = array<i32>} : memref<208x64xi32, #tpu.memory_space<vmem>>, vector<1x16xi32>,
        %get3A_1341 = vector.shape_cast %get3A_1340 : vector<1x16xi32> to vector<16xi32>
        %mul3A_1342 = arith.constant 1000 : i32
        %mul3A_1343 = vector.broadcast %mul3A_1342 : i32 to vector<16xi32>
        %mul3A_1344 = arith.muli %rem3A_1337, %mul3A_1343 : vector<16xi32>
        %add3A_1345 = arith.addi %get3A_1341, %mul3A_1344 : vector<16xi32>
        %swap3A_1346 = arith.index_cast %add3A_1326 : i32 to index
        %swap3A_1347 = arith.constant 0 : index
        %swap3A_1348 = tpu.vector_load %arg5[%swap3A_1346, %swap3A_1347] {strides = array<i32>} : memref<208x64xi32, #tpu.memory_space<vmem>>, vector<1x16xi32>,
        %swap3A_1349 = vector.shape_cast %swap3A_1348 : vector<1x16xi32> to vector<16xi32>
        %swap3A_1350 = vector.shape_cast %add3A_1345 : vector<16xi32> to vector<1x16xi32>
        tpu.vector_store %arg5[%swap3A_1346, %swap3A_1347], %swap3A_1350 {strides = array<i32>} : memref<208x64xi32, #tpu.memory_space<vmem>>, vector<1x16xi32>,
        %add3A_1351 = arith.addi %mul3A_2, %add3A_1326 : i32
        %mul3A_1352 = arith.constant 64 : i32
        %mul3A_1353 = arith.muli %add3A_1351, %mul3A_1352 : i32
        %add3A_1354 = arith.constant 16 : i32
        %add3A_1355 = arith.addi %mul3A_1353, %add3A_1354 : i32
        %iota3A_1356 = tpu.iota {dimensions = array<i32: 0>} : vector<16xi32>
        %add3A_1357 = vector.broadcast %add3A_1355 : i32 to vector<16xi32>
        %add3A_1358 = arith.addi %add3A_1357, %iota3A_1356 : vector<16xi32>
        %rem3A_1359 = arith.constant 26 : i32
        %rem3A_1360 = vector.broadcast %rem3A_1359 : i32 to vector<16xi32>
        %rem3A_1361 = arith.remsi %add3A_1358, %rem3A_1360 : vector<16xi32>
        %get3A_1362 = arith.index_cast %add3A_1326 : i32 to index
        %get3A_1363 = arith.constant 16 : index
        %get3A_1364 = tpu.vector_load %arg5[%get3A_1362, %get3A_1363] {strides = array<i32>} : memref<208x64xi32, #tpu.memory_space<vmem>>, vector<1x16xi32>,
        %get3A_1365 = vector.shape_cast %get3A_1364 : vector<1x16xi32> to vector<16xi32>
        %mul3A_1366 = arith.constant 1000 : i32
        %mul3A_1367 = vector.broadcast %mul3A_1366 : i32 to vector<16xi32>
        %mul3A_1368 = arith.muli %rem3A_1361, %mul3A_1367 : vector<16xi32>
        %add3A_1369 = arith.addi %get3A_1365, %mul3A_1368 : vector<16xi32>
        %swap3A_1370 = arith.index_cast %add3A_1326 : i32 to index
        %swap3A_1371 = arith.constant 16 : index
        %swap3A_1372 = tpu.vector_load %arg5[%swap3A_1370, %swap3A_1371] {strides = array<i32>} : memref<208x64xi32, #tpu.memory_space<vmem>>, vector<1x16xi32>,
        %swap3A_1373 = vector.shape_cast %swap3A_1372 : vector<1x16xi32> to vector<16xi32>
        %swap3A_1374 = vector.shape_cast %add3A_1369 : vector<16xi32> to vector<1x16xi32>
        tpu.vector_store %arg5[%swap3A_1370, %swap3A_1371], %swap3A_1374 {strides = array<i32>} : memref<208x64xi32, #tpu.memory_space<vmem>>, vector<1x16xi32>,
        %add3A_1375 = arith.addi %mul3A_2, %add3A_1326 : i32
        %mul3A_1376 = arith.constant 64 : i32
        %mul3A_1377 = arith.muli %add3A_1375, %mul3A_1376 : i32
        %add3A_1378 = arith.constant 32 : i32
        %add3A_1379 = arith.addi %mul3A_1377, %add3A_1378 : i32
        %iota3A_1380 = tpu.iota {dimensions = array<i32: 0>} : vector<16xi32>
        %add3A_1381 = vector.broadcast %add3A_1379 : i32 to vector<16xi32>
        %add3A_1382 = arith.addi %add3A_1381, %iota3A_1380 : vector<16xi32>
        %rem3A_1383 = arith.constant 26 : i32
        %rem3A_1384 = vector.broadcast %rem3A_1383 : i32 to vector<16xi32>
        %rem3A_1385 = arith.remsi %add3A_1382, %rem3A_1384 : vector<16xi32>
        %get3A_1386 = arith.index_cast %add3A_1326 : i32 to index
        %get3A_1387 = arith.constant 32 : index
        %get3A_1388 = tpu.vector_load %arg5[%get3A_1386, %get3A_1387] {strides = array<i32>} : memref<208x64xi32, #tpu.memory_space<vmem>>, vector<1x16xi32>,
        %get3A_1389 = vector.shape_cast %get3A_1388 : vector<1x16xi32> to vector<16xi32>
        %mul3A_1390 = arith.constant 1000 : i32
        %mul3A_1391 = vector.broadcast %mul3A_1390 : i32 to vector<16xi32>
        %mul3A_1392 = arith.muli %rem3A_1385, %mul3A_1391 : vector<16xi32>
        %add3A_1393 = arith.addi %get3A_1389, %mul3A_1392 : vector<16xi32>
        %swap3A_1394 = arith.index_cast %add3A_1326 : i32 to index
        %swap3A_1395 = arith.constant 32 : index
        %swap3A_1396 = tpu.vector_load %arg5[%swap3A_1394, %swap3A_1395] {strides = array<i32>} : memref<208x64xi32, #tpu.memory_space<vmem>>, vector<1x16xi32>,
        %swap3A_1397 = vector.shape_cast %swap3A_1396 : vector<1x16xi32> to vector<16xi32>
        %swap3A_1398 = vector.shape_cast %add3A_1393 : vector<16xi32> to vector<1x16xi32>
        tpu.vector_store %arg5[%swap3A_1394, %swap3A_1395], %swap3A_1398 {strides = array<i32>} : memref<208x64xi32, #tpu.memory_space<vmem>>, vector<1x16xi32>,
        %add3A_1399 = arith.addi %mul3A_2, %add3A_1326 : i32
        %mul3A_1400 = arith.constant 64 : i32
        %mul3A_1401 = arith.muli %add3A_1399, %mul3A_1400 : i32
        %add3A_1402 = arith.constant 48 : i32
        %add3A_1403 = arith.addi %mul3A_1401, %add3A_1402 : i32
        %iota3A_1404 = tpu.iota {dimensions = array<i32: 0>} : vector<16xi32>
        %add3A_1405 = vector.broadcast %add3A_1403 : i32 to vector<16xi32>
        %add3A_1406 = arith.addi %add3A_1405, %iota3A_1404 : vector<16xi32>
        %rem3A_1407 = arith.constant 26 : i32
        %rem3A_1408 = vector.broadcast %rem3A_1407 : i32 to vector<16xi32>
        %rem3A_1409 = arith.remsi %add3A_1406, %rem3A_1408 : vector<16xi32>
        %get3A_1410 = arith.index_cast %add3A_1326 : i32 to index
        %get3A_1411 = arith.constant 48 : index
        %get3A_1412 = tpu.vector_load %arg5[%get3A_1410, %get3A_1411] {strides = array<i32>} : memref<208x64xi32, #tpu.memory_space<vmem>>, vector<1x16xi32>,
        %get3A_1413 = vector.shape_cast %get3A_1412 : vector<1x16xi32> to vector<16xi32>
        %mul3A_1414 = arith.constant 1000 : i32
        %mul3A_1415 = vector.broadcast %mul3A_1414 : i32 to vector<16xi32>
        %mul3A_1416 = arith.muli %rem3A_1409, %mul3A_1415 : vector<16xi32>
        %add3A_1417 = arith.addi %get3A_1413, %mul3A_1416 : vector<16xi32>
        %swap3A_1418 = arith.index_cast %add3A_1326 : i32 to index
        %swap3A_1419 = arith.constant 48 : index
        %swap3A_1420 = tpu.vector_load %arg5[%swap3A_1418, %swap3A_1419] {strides = array<i32>} : memref<208x64xi32, #tpu.memory_space<vmem>>, vector<1x16xi32>,
        %swap3A_1421 = vector.shape_cast %swap3A_1420 : vector<1x16xi32> to vector<16xi32>
        %swap3A_1422 = vector.shape_cast %add3A_1417 : vector<16xi32> to vector<1x16xi32>
        tpu.vector_store %arg5[%swap3A_1418, %swap3A_1419], %swap3A_1422 {strides = array<i32>} : memref<208x64xi32, #tpu.memory_space<vmem>>, vector<1x16xi32>,
        %dma_wait3A_1423 = arith.constant 0 : i32
        %dma_wait3A_1424 = arith.constant 0 : i32
        %dma_wait3A_1425 = tpu.memref_slice %arg4[%dma_wait3A_1423, %dma_wait3A_1424] : memref<425984x128xf32, #tpu.memory_space<hbm>> -> memref<64x128xf32, #tpu.memory_space<hbm>>
        %dma_wait3A_1426 = arith.constant 0 : i32
        %dma_wait3A_1427 = arith.constant 0 : i32
        %dma_wait3A_1428 = tpu.memref_slice %arg4[%dma_wait3A_1426, %dma_wait3A_1427] : memref<425984x128xf32, #tpu.memory_space<hbm>> -> memref<64x128xf32, #tpu.memory_space<hbm>>
        tpu.wait_dma2 semaphore(%arg24 : memref<!tpu.dma_semaphore, #tpu.memory_space<semaphore_mem>>) src(%arg8 : memref<64x128xf32, #tpu.memory_space<vmem>>) dst(%dma_wait3A_1428 : memref<64x128xf32, #tpu.memory_space<hbm>>)
        %add3A_1429 = arith.constant 8 : i32
        %add3A_1430 = arith.addi %mul3A_972, %add3A_1429 : i32
        %add3A_1431 = arith.constant 2 : i32
        %add3A_1432 = arith.addi %add3A_1430, %add3A_1431 : i32
        %dma_start3A_1433 = arith.constant 0 : i32
        %dma_start3A_1434 = tpu.memref_slice %arg5[%add3A_1432, %dma_start3A_1433] : memref<208x64xi32, #tpu.memory_space<vmem>> -> memref<1x64xi32, #tpu.memory_space<vmem>>
        %dma_start3A_1435 = tpu.memref_squeeze %dma_start3A_1434 : memref<1x64xi32, #tpu.memory_space<vmem>> -> memref<64xi32, #tpu.memory_space<vmem>>
        %dma_start3A_1436 = arith.constant 0 : i32
        %dma_start3A_1437 = arith.constant 0 : i32
        %dma_start3A_1438 = tpu.memref_slice %arg3[%dma_start3A_1436, %dma_start3A_1437] : memref<26000x128xf32, #tpu.memory_space<hbm>> -> memref<26000x128xf32, #tpu.memory_space<hbm>>
        tpu.enqueue_indirect_dma source(%dma_start3A_1438 : memref<26000x128xf32, #tpu.memory_space<hbm>>) target(%arg8 : memref<64x128xf32, #tpu.memory_space<vmem>>) offsets(%dma_start3A_1435 : memref<64xi32, #tpu.memory_space<vmem>>) semaphore(%arg16 : memref<!tpu.dma_semaphore, #tpu.memory_space<semaphore_mem>>)
        %dma_wait3A_1439 = arith.constant 0 : i32
        %dma_wait3A_1440 = arith.constant 0 : i32
        %dma_wait3A_1441 = tpu.memref_slice %arg5[%dma_wait3A_1439, %dma_wait3A_1440] : memref<208x64xi32, #tpu.memory_space<vmem>> -> memref<1x64xi32, #tpu.memory_space<vmem>>
        %dma_wait3A_1442 = tpu.memref_squeeze %dma_wait3A_1441 : memref<1x64xi32, #tpu.memory_space<vmem>> -> memref<64xi32, #tpu.memory_space<vmem>>
        %dma_wait3A_1443 = arith.constant 0 : i32
        %dma_wait3A_1444 = arith.constant 0 : i32
        %dma_wait3A_1445 = tpu.memref_slice %arg3[%dma_wait3A_1443, %dma_wait3A_1444] : memref<26000x128xf32, #tpu.memory_space<hbm>> -> memref<26000x128xf32, #tpu.memory_space<hbm>>
        tpu.wait_indirect_dma semaphore(%arg21 : memref<!tpu.dma_semaphore, #tpu.memory_space<semaphore_mem>>) src(%dma_wait3A_1445 : memref<26000x128xf32, #tpu.memory_space<hbm>>) dst(%arg13 : memref<64x128xf32, #tpu.memory_space<vmem>>)
        %add3A_1446 = arith.constant 7 : i32
        %add3A_1447 = arith.addi %mul3A_972, %add3A_1446 : i32
        %add3A_1448 = arith.addi %mul3A_2, %add3A_1447 : i32
        %mul3A_1449 = arith.constant 64 : i32
        %mul3A_1450 = arith.muli %add3A_1448, %mul3A_1449 : i32
        %dma_start3A_1451 = arith.constant 0 : i32
        %dma_start3A_1452 = tpu.memref_slice %arg4[%mul3A_1450, %dma_start3A_1451] : memref<425984x128xf32, #tpu.memory_space<hbm>> -> memref<64x128xf32, #tpu.memory_space<hbm>>
        %dma_start3A_1453 = arith.constant 0 : i32
        %dma_start3A_1454 = tpu.memref_slice %arg4[%mul3A_1450, %dma_start3A_1453] : memref<425984x128xf32, #tpu.memory_space<hbm>> -> memref<64x128xf32, #tpu.memory_space<hbm>>
        tpu.enqueue_dma source(%arg13 : memref<64x128xf32, #tpu.memory_space<vmem>>) target(%dma_start3A_1454 : memref<64x128xf32, #tpu.memory_space<hbm>>) target_semaphore(%arg29 : memref<!tpu.dma_semaphore, #tpu.memory_space<semaphore_mem>>)
        %add3A_1455 = arith.constant 8 : i32
        %add3A_1456 = arith.addi %mul3A_972, %add3A_1455 : i32
        %add3A_1457 = arith.constant 3 : i32
        %add3A_1458 = arith.addi %add3A_1456, %add3A_1457 : i32
        %add3A_1459 = arith.addi %mul3A_2, %add3A_1458 : i32
        %mul3A_1460 = arith.constant 64 : i32
        %mul3A_1461 = arith.muli %add3A_1459, %mul3A_1460 : i32
        %add3A_1462 = arith.constant 0 : i32
        %add3A_1463 = arith.addi %mul3A_1461, %add3A_1462 : i32
        %iota3A_1464 = tpu.iota {dimensions = array<i32: 0>} : vector<16xi32>
        %add3A_1465 = vector.broadcast %add3A_1463 : i32 to vector<16xi32>
        %add3A_1466 = arith.addi %add3A_1465, %iota3A_1464 : vector<16xi32>
        %rem3A_1467 = arith.constant 26 : i32
        %rem3A_1468 = vector.broadcast %rem3A_1467 : i32 to vector<16xi32>
        %rem3A_1469 = arith.remsi %add3A_1466, %rem3A_1468 : vector<16xi32>
        %get3A_1470 = arith.index_cast %add3A_1458 : i32 to index
        %get3A_1471 = arith.constant 0 : index
        %get3A_1472 = tpu.vector_load %arg5[%get3A_1470, %get3A_1471] {strides = array<i32>} : memref<208x64xi32, #tpu.memory_space<vmem>>, vector<1x16xi32>,
        %get3A_1473 = vector.shape_cast %get3A_1472 : vector<1x16xi32> to vector<16xi32>
        %mul3A_1474 = arith.constant 1000 : i32
        %mul3A_1475 = vector.broadcast %mul3A_1474 : i32 to vector<16xi32>
        %mul3A_1476 = arith.muli %rem3A_1469, %mul3A_1475 : vector<16xi32>
        %add3A_1477 = arith.addi %get3A_1473, %mul3A_1476 : vector<16xi32>
        %swap3A_1478 = arith.index_cast %add3A_1458 : i32 to index
        %swap3A_1479 = arith.constant 0 : index
        %swap3A_1480 = tpu.vector_load %arg5[%swap3A_1478, %swap3A_1479] {strides = array<i32>} : memref<208x64xi32, #tpu.memory_space<vmem>>, vector<1x16xi32>,
        %swap3A_1481 = vector.shape_cast %swap3A_1480 : vector<1x16xi32> to vector<16xi32>
        %swap3A_1482 = vector.shape_cast %add3A_1477 : vector<16xi32> to vector<1x16xi32>
        tpu.vector_store %arg5[%swap3A_1478, %swap3A_1479], %swap3A_1482 {strides = array<i32>} : memref<208x64xi32, #tpu.memory_space<vmem>>, vector<1x16xi32>,
        %add3A_1483 = arith.addi %mul3A_2, %add3A_1458 : i32
        %mul3A_1484 = arith.constant 64 : i32
        %mul3A_1485 = arith.muli %add3A_1483, %mul3A_1484 : i32
        %add3A_1486 = arith.constant 16 : i32
        %add3A_1487 = arith.addi %mul3A_1485, %add3A_1486 : i32
        %iota3A_1488 = tpu.iota {dimensions = array<i32: 0>} : vector<16xi32>
        %add3A_1489 = vector.broadcast %add3A_1487 : i32 to vector<16xi32>
        %add3A_1490 = arith.addi %add3A_1489, %iota3A_1488 : vector<16xi32>
        %rem3A_1491 = arith.constant 26 : i32
        %rem3A_1492 = vector.broadcast %rem3A_1491 : i32 to vector<16xi32>
        %rem3A_1493 = arith.remsi %add3A_1490, %rem3A_1492 : vector<16xi32>
        %get3A_1494 = arith.index_cast %add3A_1458 : i32 to index
        %get3A_1495 = arith.constant 16 : index
        %get3A_1496 = tpu.vector_load %arg5[%get3A_1494, %get3A_1495] {strides = array<i32>} : memref<208x64xi32, #tpu.memory_space<vmem>>, vector<1x16xi32>,
        %get3A_1497 = vector.shape_cast %get3A_1496 : vector<1x16xi32> to vector<16xi32>
        %mul3A_1498 = arith.constant 1000 : i32
        %mul3A_1499 = vector.broadcast %mul3A_1498 : i32 to vector<16xi32>
        %mul3A_1500 = arith.muli %rem3A_1493, %mul3A_1499 : vector<16xi32>
        %add3A_1501 = arith.addi %get3A_1497, %mul3A_1500 : vector<16xi32>
        %swap3A_1502 = arith.index_cast %add3A_1458 : i32 to index
        %swap3A_1503 = arith.constant 16 : index
        %swap3A_1504 = tpu.vector_load %arg5[%swap3A_1502, %swap3A_1503] {strides = array<i32>} : memref<208x64xi32, #tpu.memory_space<vmem>>, vector<1x16xi32>,
        %swap3A_1505 = vector.shape_cast %swap3A_1504 : vector<1x16xi32> to vector<16xi32>
        %swap3A_1506 = vector.shape_cast %add3A_1501 : vector<16xi32> to vector<1x16xi32>
        tpu.vector_store %arg5[%swap3A_1502, %swap3A_1503], %swap3A_1506 {strides = array<i32>} : memref<208x64xi32, #tpu.memory_space<vmem>>, vector<1x16xi32>,
        %add3A_1507 = arith.addi %mul3A_2, %add3A_1458 : i32
        %mul3A_1508 = arith.constant 64 : i32
        %mul3A_1509 = arith.muli %add3A_1507, %mul3A_1508 : i32
        %add3A_1510 = arith.constant 32 : i32
        %add3A_1511 = arith.addi %mul3A_1509, %add3A_1510 : i32
        %iota3A_1512 = tpu.iota {dimensions = array<i32: 0>} : vector<16xi32>
        %add3A_1513 = vector.broadcast %add3A_1511 : i32 to vector<16xi32>
        %add3A_1514 = arith.addi %add3A_1513, %iota3A_1512 : vector<16xi32>
        %rem3A_1515 = arith.constant 26 : i32
        %rem3A_1516 = vector.broadcast %rem3A_1515 : i32 to vector<16xi32>
        %rem3A_1517 = arith.remsi %add3A_1514, %rem3A_1516 : vector<16xi32>
        %get3A_1518 = arith.index_cast %add3A_1458 : i32 to index
        %get3A_1519 = arith.constant 32 : index
        %get3A_1520 = tpu.vector_load %arg5[%get3A_1518, %get3A_1519] {strides = array<i32>} : memref<208x64xi32, #tpu.memory_space<vmem>>, vector<1x16xi32>,
        %get3A_1521 = vector.shape_cast %get3A_1520 : vector<1x16xi32> to vector<16xi32>
        %mul3A_1522 = arith.constant 1000 : i32
        %mul3A_1523 = vector.broadcast %mul3A_1522 : i32 to vector<16xi32>
        %mul3A_1524 = arith.muli %rem3A_1517, %mul3A_1523 : vector<16xi32>
        %add3A_1525 = arith.addi %get3A_1521, %mul3A_1524 : vector<16xi32>
        %swap3A_1526 = arith.index_cast %add3A_1458 : i32 to index
        %swap3A_1527 = arith.constant 32 : index
        %swap3A_1528 = tpu.vector_load %arg5[%swap3A_1526, %swap3A_1527] {strides = array<i32>} : memref<208x64xi32, #tpu.memory_space<vmem>>, vector<1x16xi32>,
        %swap3A_1529 = vector.shape_cast %swap3A_1528 : vector<1x16xi32> to vector<16xi32>
        %swap3A_1530 = vector.shape_cast %add3A_1525 : vector<16xi32> to vector<1x16xi32>
        tpu.vector_store %arg5[%swap3A_1526, %swap3A_1527], %swap3A_1530 {strides = array<i32>} : memref<208x64xi32, #tpu.memory_space<vmem>>, vector<1x16xi32>,
        %add3A_1531 = arith.addi %mul3A_2, %add3A_1458 : i32
        %mul3A_1532 = arith.constant 64 : i32
        %mul3A_1533 = arith.muli %add3A_1531, %mul3A_1532 : i32
        %add3A_1534 = arith.constant 48 : i32
        %add3A_1535 = arith.addi %mul3A_1533, %add3A_1534 : i32
        %iota3A_1536 = tpu.iota {dimensions = array<i32: 0>} : vector<16xi32>
        %add3A_1537 = vector.broadcast %add3A_1535 : i32 to vector<16xi32>
        %add3A_1538 = arith.addi %add3A_1537, %iota3A_1536 : vector<16xi32>
        %rem3A_1539 = arith.constant 26 : i32
        %rem3A_1540 = vector.broadcast %rem3A_1539 : i32 to vector<16xi32>
        %rem3A_1541 = arith.remsi %add3A_1538, %rem3A_1540 : vector<16xi32>
        %get3A_1542 = arith.index_cast %add3A_1458 : i32 to index
        %get3A_1543 = arith.constant 48 : index
        %get3A_1544 = tpu.vector_load %arg5[%get3A_1542, %get3A_1543] {strides = array<i32>} : memref<208x64xi32, #tpu.memory_space<vmem>>, vector<1x16xi32>,
        %get3A_1545 = vector.shape_cast %get3A_1544 : vector<1x16xi32> to vector<16xi32>
        %mul3A_1546 = arith.constant 1000 : i32
        %mul3A_1547 = vector.broadcast %mul3A_1546 : i32 to vector<16xi32>
        %mul3A_1548 = arith.muli %rem3A_1541, %mul3A_1547 : vector<16xi32>
        %add3A_1549 = arith.addi %get3A_1545, %mul3A_1548 : vector<16xi32>
        %swap3A_1550 = arith.index_cast %add3A_1458 : i32 to index
        %swap3A_1551 = arith.constant 48 : index
        %swap3A_1552 = tpu.vector_load %arg5[%swap3A_1550, %swap3A_1551] {strides = array<i32>} : memref<208x64xi32, #tpu.memory_space<vmem>>, vector<1x16xi32>,
        %swap3A_1553 = vector.shape_cast %swap3A_1552 : vector<1x16xi32> to vector<16xi32>
        %swap3A_1554 = vector.shape_cast %add3A_1549 : vector<16xi32> to vector<1x16xi32>
        tpu.vector_store %arg5[%swap3A_1550, %swap3A_1551], %swap3A_1554 {strides = array<i32>} : memref<208x64xi32, #tpu.memory_space<vmem>>, vector<1x16xi32>,
        %dma_wait3A_1555 = arith.constant 0 : i32
        %dma_wait3A_1556 = arith.constant 0 : i32
        %dma_wait3A_1557 = tpu.memref_slice %arg4[%dma_wait3A_1555, %dma_wait3A_1556] : memref<425984x128xf32, #tpu.memory_space<hbm>> -> memref<64x128xf32, #tpu.memory_space<hbm>>
        %dma_wait3A_1558 = arith.constant 0 : i32
        %dma_wait3A_1559 = arith.constant 0 : i32
        %dma_wait3A_1560 = tpu.memref_slice %arg4[%dma_wait3A_1558, %dma_wait3A_1559] : memref<425984x128xf32, #tpu.memory_space<hbm>> -> memref<64x128xf32, #tpu.memory_space<hbm>>
        tpu.wait_dma2 semaphore(%arg25 : memref<!tpu.dma_semaphore, #tpu.memory_space<semaphore_mem>>) src(%arg9 : memref<64x128xf32, #tpu.memory_space<vmem>>) dst(%dma_wait3A_1560 : memref<64x128xf32, #tpu.memory_space<hbm>>)
        %add3A_1561 = arith.constant 8 : i32
        %add3A_1562 = arith.addi %mul3A_972, %add3A_1561 : i32
        %add3A_1563 = arith.constant 3 : i32
        %add3A_1564 = arith.addi %add3A_1562, %add3A_1563 : i32
        %dma_start3A_1565 = arith.constant 0 : i32
        %dma_start3A_1566 = tpu.memref_slice %arg5[%add3A_1564, %dma_start3A_1565] : memref<208x64xi32, #tpu.memory_space<vmem>> -> memref<1x64xi32, #tpu.memory_space<vmem>>
        %dma_start3A_1567 = tpu.memref_squeeze %dma_start3A_1566 : memref<1x64xi32, #tpu.memory_space<vmem>> -> memref<64xi32, #tpu.memory_space<vmem>>
        %dma_start3A_1568 = arith.constant 0 : i32
        %dma_start3A_1569 = arith.constant 0 : i32
        %dma_start3A_1570 = tpu.memref_slice %arg3[%dma_start3A_1568, %dma_start3A_1569] : memref<26000x128xf32, #tpu.memory_space<hbm>> -> memref<26000x128xf32, #tpu.memory_space<hbm>>
        tpu.enqueue_indirect_dma source(%dma_start3A_1570 : memref<26000x128xf32, #tpu.memory_space<hbm>>) target(%arg9 : memref<64x128xf32, #tpu.memory_space<vmem>>) offsets(%dma_start3A_1567 : memref<64xi32, #tpu.memory_space<vmem>>) semaphore(%arg17 : memref<!tpu.dma_semaphore, #tpu.memory_space<semaphore_mem>>)
        %add3A_1571 = arith.constant 8 : i32
        %add3A_1572 = arith.addi %mul3A_972, %add3A_1571 : i32
        %add3A_1573 = arith.constant 4 : i32
        %add3A_1574 = arith.addi %add3A_1572, %add3A_1573 : i32
        %add3A_1575 = arith.addi %mul3A_2, %add3A_1574 : i32
        %mul3A_1576 = arith.constant 64 : i32
        %mul3A_1577 = arith.muli %add3A_1575, %mul3A_1576 : i32
        %add3A_1578 = arith.constant 0 : i32
        %add3A_1579 = arith.addi %mul3A_1577, %add3A_1578 : i32
        %iota3A_1580 = tpu.iota {dimensions = array<i32: 0>} : vector<16xi32>
        %add3A_1581 = vector.broadcast %add3A_1579 : i32 to vector<16xi32>
        %add3A_1582 = arith.addi %add3A_1581, %iota3A_1580 : vector<16xi32>
        %rem3A_1583 = arith.constant 26 : i32
        %rem3A_1584 = vector.broadcast %rem3A_1583 : i32 to vector<16xi32>
        %rem3A_1585 = arith.remsi %add3A_1582, %rem3A_1584 : vector<16xi32>
        %get3A_1586 = arith.index_cast %add3A_1574 : i32 to index
        %get3A_1587 = arith.constant 0 : index
        %get3A_1588 = tpu.vector_load %arg5[%get3A_1586, %get3A_1587] {strides = array<i32>} : memref<208x64xi32, #tpu.memory_space<vmem>>, vector<1x16xi32>,
        %get3A_1589 = vector.shape_cast %get3A_1588 : vector<1x16xi32> to vector<16xi32>
        %mul3A_1590 = arith.constant 1000 : i32
        %mul3A_1591 = vector.broadcast %mul3A_1590 : i32 to vector<16xi32>
        %mul3A_1592 = arith.muli %rem3A_1585, %mul3A_1591 : vector<16xi32>
        %add3A_1593 = arith.addi %get3A_1589, %mul3A_1592 : vector<16xi32>
        %swap3A_1594 = arith.index_cast %add3A_1574 : i32 to index
        %swap3A_1595 = arith.constant 0 : index
        %swap3A_1596 = tpu.vector_load %arg5[%swap3A_1594, %swap3A_1595] {strides = array<i32>} : memref<208x64xi32, #tpu.memory_space<vmem>>, vector<1x16xi32>,
        %swap3A_1597 = vector.shape_cast %swap3A_1596 : vector<1x16xi32> to vector<16xi32>
        %swap3A_1598 = vector.shape_cast %add3A_1593 : vector<16xi32> to vector<1x16xi32>
        tpu.vector_store %arg5[%swap3A_1594, %swap3A_1595], %swap3A_1598 {strides = array<i32>} : memref<208x64xi32, #tpu.memory_space<vmem>>, vector<1x16xi32>,
        %add3A_1599 = arith.addi %mul3A_2, %add3A_1574 : i32
        %mul3A_1600 = arith.constant 64 : i32
        %mul3A_1601 = arith.muli %add3A_1599, %mul3A_1600 : i32
        %add3A_1602 = arith.constant 16 : i32
        %add3A_1603 = arith.addi %mul3A_1601, %add3A_1602 : i32
        %iota3A_1604 = tpu.iota {dimensions = array<i32: 0>} : vector<16xi32>
        %add3A_1605 = vector.broadcast %add3A_1603 : i32 to vector<16xi32>
        %add3A_1606 = arith.addi %add3A_1605, %iota3A_1604 : vector<16xi32>
        %rem3A_1607 = arith.constant 26 : i32
        %rem3A_1608 = vector.broadcast %rem3A_1607 : i32 to vector<16xi32>
        %rem3A_1609 = arith.remsi %add3A_1606, %rem3A_1608 : vector<16xi32>
        %get3A_1610 = arith.index_cast %add3A_1574 : i32 to index
        %get3A_1611 = arith.constant 16 : index
        %get3A_1612 = tpu.vector_load %arg5[%get3A_1610, %get3A_1611] {strides = array<i32>} : memref<208x64xi32, #tpu.memory_space<vmem>>, vector<1x16xi32>,
        %get3A_1613 = vector.shape_cast %get3A_1612 : vector<1x16xi32> to vector<16xi32>
        %mul3A_1614 = arith.constant 1000 : i32
        %mul3A_1615 = vector.broadcast %mul3A_1614 : i32 to vector<16xi32>
        %mul3A_1616 = arith.muli %rem3A_1609, %mul3A_1615 : vector<16xi32>
        %add3A_1617 = arith.addi %get3A_1613, %mul3A_1616 : vector<16xi32>
        %swap3A_1618 = arith.index_cast %add3A_1574 : i32 to index
        %swap3A_1619 = arith.constant 16 : index
        %swap3A_1620 = tpu.vector_load %arg5[%swap3A_1618, %swap3A_1619] {strides = array<i32>} : memref<208x64xi32, #tpu.memory_space<vmem>>, vector<1x16xi32>,
        %swap3A_1621 = vector.shape_cast %swap3A_1620 : vector<1x16xi32> to vector<16xi32>
        %swap3A_1622 = vector.shape_cast %add3A_1617 : vector<16xi32> to vector<1x16xi32>
        tpu.vector_store %arg5[%swap3A_1618, %swap3A_1619], %swap3A_1622 {strides = array<i32>} : memref<208x64xi32, #tpu.memory_space<vmem>>, vector<1x16xi32>,
        %add3A_1623 = arith.addi %mul3A_2, %add3A_1574 : i32
        %mul3A_1624 = arith.constant 64 : i32
        %mul3A_1625 = arith.muli %add3A_1623, %mul3A_1624 : i32
        %add3A_1626 = arith.constant 32 : i32
        %add3A_1627 = arith.addi %mul3A_1625, %add3A_1626 : i32
        %iota3A_1628 = tpu.iota {dimensions = array<i32: 0>} : vector<16xi32>
        %add3A_1629 = vector.broadcast %add3A_1627 : i32 to vector<16xi32>
        %add3A_1630 = arith.addi %add3A_1629, %iota3A_1628 : vector<16xi32>
        %rem3A_1631 = arith.constant 26 : i32
        %rem3A_1632 = vector.broadcast %rem3A_1631 : i32 to vector<16xi32>
        %rem3A_1633 = arith.remsi %add3A_1630, %rem3A_1632 : vector<16xi32>
        %get3A_1634 = arith.index_cast %add3A_1574 : i32 to index
        %get3A_1635 = arith.constant 32 : index
        %get3A_1636 = tpu.vector_load %arg5[%get3A_1634, %get3A_1635] {strides = array<i32>} : memref<208x64xi32, #tpu.memory_space<vmem>>, vector<1x16xi32>,
        %get3A_1637 = vector.shape_cast %get3A_1636 : vector<1x16xi32> to vector<16xi32>
        %mul3A_1638 = arith.constant 1000 : i32
        %mul3A_1639 = vector.broadcast %mul3A_1638 : i32 to vector<16xi32>
        %mul3A_1640 = arith.muli %rem3A_1633, %mul3A_1639 : vector<16xi32>
        %add3A_1641 = arith.addi %get3A_1637, %mul3A_1640 : vector<16xi32>
        %swap3A_1642 = arith.index_cast %add3A_1574 : i32 to index
        %swap3A_1643 = arith.constant 32 : index
        %swap3A_1644 = tpu.vector_load %arg5[%swap3A_1642, %swap3A_1643] {strides = array<i32>} : memref<208x64xi32, #tpu.memory_space<vmem>>, vector<1x16xi32>,
        %swap3A_1645 = vector.shape_cast %swap3A_1644 : vector<1x16xi32> to vector<16xi32>
        %swap3A_1646 = vector.shape_cast %add3A_1641 : vector<16xi32> to vector<1x16xi32>
        tpu.vector_store %arg5[%swap3A_1642, %swap3A_1643], %swap3A_1646 {strides = array<i32>} : memref<208x64xi32, #tpu.memory_space<vmem>>, vector<1x16xi32>,
        %add3A_1647 = arith.addi %mul3A_2, %add3A_1574 : i32
        %mul3A_1648 = arith.constant 64 : i32
        %mul3A_1649 = arith.muli %add3A_1647, %mul3A_1648 : i32
        %add3A_1650 = arith.constant 48 : i32
        %add3A_1651 = arith.addi %mul3A_1649, %add3A_1650 : i32
        %iota3A_1652 = tpu.iota {dimensions = array<i32: 0>} : vector<16xi32>
        %add3A_1653 = vector.broadcast %add3A_1651 : i32 to vector<16xi32>
        %add3A_1654 = arith.addi %add3A_1653, %iota3A_1652 : vector<16xi32>
        %rem3A_1655 = arith.constant 26 : i32
        %rem3A_1656 = vector.broadcast %rem3A_1655 : i32 to vector<16xi32>
        %rem3A_1657 = arith.remsi %add3A_1654, %rem3A_1656 : vector<16xi32>
        %get3A_1658 = arith.index_cast %add3A_1574 : i32 to index
        %get3A_1659 = arith.constant 48 : index
        %get3A_1660 = tpu.vector_load %arg5[%get3A_1658, %get3A_1659] {strides = array<i32>} : memref<208x64xi32, #tpu.memory_space<vmem>>, vector<1x16xi32>,
        %get3A_1661 = vector.shape_cast %get3A_1660 : vector<1x16xi32> to vector<16xi32>
        %mul3A_1662 = arith.constant 1000 : i32
        %mul3A_1663 = vector.broadcast %mul3A_1662 : i32 to vector<16xi32>
        %mul3A_1664 = arith.muli %rem3A_1657, %mul3A_1663 : vector<16xi32>
        %add3A_1665 = arith.addi %get3A_1661, %mul3A_1664 : vector<16xi32>
        %swap3A_1666 = arith.index_cast %add3A_1574 : i32 to index
        %swap3A_1667 = arith.constant 48 : index
        %swap3A_1668 = tpu.vector_load %arg5[%swap3A_1666, %swap3A_1667] {strides = array<i32>} : memref<208x64xi32, #tpu.memory_space<vmem>>, vector<1x16xi32>,
        %swap3A_1669 = vector.shape_cast %swap3A_1668 : vector<1x16xi32> to vector<16xi32>
        %swap3A_1670 = vector.shape_cast %add3A_1665 : vector<16xi32> to vector<1x16xi32>
        tpu.vector_store %arg5[%swap3A_1666, %swap3A_1667], %swap3A_1670 {strides = array<i32>} : memref<208x64xi32, #tpu.memory_space<vmem>>, vector<1x16xi32>,
        %dma_wait3A_1671 = arith.constant 0 : i32
        %dma_wait3A_1672 = arith.constant 0 : i32
        %dma_wait3A_1673 = tpu.memref_slice %arg4[%dma_wait3A_1671, %dma_wait3A_1672] : memref<425984x128xf32, #tpu.memory_space<hbm>> -> memref<64x128xf32, #tpu.memory_space<hbm>>
        %dma_wait3A_1674 = arith.constant 0 : i32
        %dma_wait3A_1675 = arith.constant 0 : i32
        %dma_wait3A_1676 = tpu.memref_slice %arg4[%dma_wait3A_1674, %dma_wait3A_1675] : memref<425984x128xf32, #tpu.memory_space<hbm>> -> memref<64x128xf32, #tpu.memory_space<hbm>>
        tpu.wait_dma2 semaphore(%arg26 : memref<!tpu.dma_semaphore, #tpu.memory_space<semaphore_mem>>) src(%arg10 : memref<64x128xf32, #tpu.memory_space<vmem>>) dst(%dma_wait3A_1676 : memref<64x128xf32, #tpu.memory_space<hbm>>)
        %add3A_1677 = arith.constant 8 : i32
        %add3A_1678 = arith.addi %mul3A_972, %add3A_1677 : i32
        %add3A_1679 = arith.constant 4 : i32
        %add3A_1680 = arith.addi %add3A_1678, %add3A_1679 : i32
        %dma_start3A_1681 = arith.constant 0 : i32
        %dma_start3A_1682 = tpu.memref_slice %arg5[%add3A_1680, %dma_start3A_1681] : memref<208x64xi32, #tpu.memory_space<vmem>> -> memref<1x64xi32, #tpu.memory_space<vmem>>
        %dma_start3A_1683 = tpu.memref_squeeze %dma_start3A_1682 : memref<1x64xi32, #tpu.memory_space<vmem>> -> memref<64xi32, #tpu.memory_space<vmem>>
        %dma_start3A_1684 = arith.constant 0 : i32
        %dma_start3A_1685 = arith.constant 0 : i32
        %dma_start3A_1686 = tpu.memref_slice %arg3[%dma_start3A_1684, %dma_start3A_1685] : memref<26000x128xf32, #tpu.memory_space<hbm>> -> memref<26000x128xf32, #tpu.memory_space<hbm>>
        tpu.enqueue_indirect_dma source(%dma_start3A_1686 : memref<26000x128xf32, #tpu.memory_space<hbm>>) target(%arg10 : memref<64x128xf32, #tpu.memory_space<vmem>>) offsets(%dma_start3A_1683 : memref<64xi32, #tpu.memory_space<vmem>>) semaphore(%arg18 : memref<!tpu.dma_semaphore, #tpu.memory_space<semaphore_mem>>)
        %add3A_1687 = arith.constant 8 : i32
        %add3A_1688 = arith.addi %mul3A_972, %add3A_1687 : i32
        %add3A_1689 = arith.constant 5 : i32
        %add3A_1690 = arith.addi %add3A_1688, %add3A_1689 : i32
        %add3A_1691 = arith.addi %mul3A_2, %add3A_1690 : i32
        %mul3A_1692 = arith.constant 64 : i32
        %mul3A_1693 = arith.muli %add3A_1691, %mul3A_1692 : i32
        %add3A_1694 = arith.constant 0 : i32
        %add3A_1695 = arith.addi %mul3A_1693, %add3A_1694 : i32
        %iota3A_1696 = tpu.iota {dimensions = array<i32: 0>} : vector<16xi32>
        %add3A_1697 = vector.broadcast %add3A_1695 : i32 to vector<16xi32>
        %add3A_1698 = arith.addi %add3A_1697, %iota3A_1696 : vector<16xi32>
        %rem3A_1699 = arith.constant 26 : i32
        %rem3A_1700 = vector.broadcast %rem3A_1699 : i32 to vector<16xi32>
        %rem3A_1701 = arith.remsi %add3A_1698, %rem3A_1700 : vector<16xi32>
        %get3A_1702 = arith.index_cast %add3A_1690 : i32 to index
        %get3A_1703 = arith.constant 0 : index
        %get3A_1704 = tpu.vector_load %arg5[%get3A_1702, %get3A_1703] {strides = array<i32>} : memref<208x64xi32, #tpu.memory_space<vmem>>, vector<1x16xi32>,
        %get3A_1705 = vector.shape_cast %get3A_1704 : vector<1x16xi32> to vector<16xi32>
        %mul3A_1706 = arith.constant 1000 : i32
        %mul3A_1707 = vector.broadcast %mul3A_1706 : i32 to vector<16xi32>
        %mul3A_1708 = arith.muli %rem3A_1701, %mul3A_1707 : vector<16xi32>
        %add3A_1709 = arith.addi %get3A_1705, %mul3A_1708 : vector<16xi32>
        %swap3A_1710 = arith.index_cast %add3A_1690 : i32 to index
        %swap3A_1711 = arith.constant 0 : index
        %swap3A_1712 = tpu.vector_load %arg5[%swap3A_1710, %swap3A_1711] {strides = array<i32>} : memref<208x64xi32, #tpu.memory_space<vmem>>, vector<1x16xi32>,
        %swap3A_1713 = vector.shape_cast %swap3A_1712 : vector<1x16xi32> to vector<16xi32>
        %swap3A_1714 = vector.shape_cast %add3A_1709 : vector<16xi32> to vector<1x16xi32>
        tpu.vector_store %arg5[%swap3A_1710, %swap3A_1711], %swap3A_1714 {strides = array<i32>} : memref<208x64xi32, #tpu.memory_space<vmem>>, vector<1x16xi32>,
        %add3A_1715 = arith.addi %mul3A_2, %add3A_1690 : i32
        %mul3A_1716 = arith.constant 64 : i32
        %mul3A_1717 = arith.muli %add3A_1715, %mul3A_1716 : i32
        %add3A_1718 = arith.constant 16 : i32
        %add3A_1719 = arith.addi %mul3A_1717, %add3A_1718 : i32
        %iota3A_1720 = tpu.iota {dimensions = array<i32: 0>} : vector<16xi32>
        %add3A_1721 = vector.broadcast %add3A_1719 : i32 to vector<16xi32>
        %add3A_1722 = arith.addi %add3A_1721, %iota3A_1720 : vector<16xi32>
        %rem3A_1723 = arith.constant 26 : i32
        %rem3A_1724 = vector.broadcast %rem3A_1723 : i32 to vector<16xi32>
        %rem3A_1725 = arith.remsi %add3A_1722, %rem3A_1724 : vector<16xi32>
        %get3A_1726 = arith.index_cast %add3A_1690 : i32 to index
        %get3A_1727 = arith.constant 16 : index
        %get3A_1728 = tpu.vector_load %arg5[%get3A_1726, %get3A_1727] {strides = array<i32>} : memref<208x64xi32, #tpu.memory_space<vmem>>, vector<1x16xi32>,
        %get3A_1729 = vector.shape_cast %get3A_1728 : vector<1x16xi32> to vector<16xi32>
        %mul3A_1730 = arith.constant 1000 : i32
        %mul3A_1731 = vector.broadcast %mul3A_1730 : i32 to vector<16xi32>
        %mul3A_1732 = arith.muli %rem3A_1725, %mul3A_1731 : vector<16xi32>
        %add3A_1733 = arith.addi %get3A_1729, %mul3A_1732 : vector<16xi32>
        %swap3A_1734 = arith.index_cast %add3A_1690 : i32 to index
        %swap3A_1735 = arith.constant 16 : index
        %swap3A_1736 = tpu.vector_load %arg5[%swap3A_1734, %swap3A_1735] {strides = array<i32>} : memref<208x64xi32, #tpu.memory_space<vmem>>, vector<1x16xi32>,
        %swap3A_1737 = vector.shape_cast %swap3A_1736 : vector<1x16xi32> to vector<16xi32>
        %swap3A_1738 = vector.shape_cast %add3A_1733 : vector<16xi32> to vector<1x16xi32>
        tpu.vector_store %arg5[%swap3A_1734, %swap3A_1735], %swap3A_1738 {strides = array<i32>} : memref<208x64xi32, #tpu.memory_space<vmem>>, vector<1x16xi32>,
        %add3A_1739 = arith.addi %mul3A_2, %add3A_1690 : i32
        %mul3A_1740 = arith.constant 64 : i32
        %mul3A_1741 = arith.muli %add3A_1739, %mul3A_1740 : i32
        %add3A_1742 = arith.constant 32 : i32
        %add3A_1743 = arith.addi %mul3A_1741, %add3A_1742 : i32
        %iota3A_1744 = tpu.iota {dimensions = array<i32: 0>} : vector<16xi32>
        %add3A_1745 = vector.broadcast %add3A_1743 : i32 to vector<16xi32>
        %add3A_1746 = arith.addi %add3A_1745, %iota3A_1744 : vector<16xi32>
        %rem3A_1747 = arith.constant 26 : i32
        %rem3A_1748 = vector.broadcast %rem3A_1747 : i32 to vector<16xi32>
        %rem3A_1749 = arith.remsi %add3A_1746, %rem3A_1748 : vector<16xi32>
        %get3A_1750 = arith.index_cast %add3A_1690 : i32 to index
        %get3A_1751 = arith.constant 32 : index
        %get3A_1752 = tpu.vector_load %arg5[%get3A_1750, %get3A_1751] {strides = array<i32>} : memref<208x64xi32, #tpu.memory_space<vmem>>, vector<1x16xi32>,
        %get3A_1753 = vector.shape_cast %get3A_1752 : vector<1x16xi32> to vector<16xi32>
        %mul3A_1754 = arith.constant 1000 : i32
        %mul3A_1755 = vector.broadcast %mul3A_1754 : i32 to vector<16xi32>
        %mul3A_1756 = arith.muli %rem3A_1749, %mul3A_1755 : vector<16xi32>
        %add3A_1757 = arith.addi %get3A_1753, %mul3A_1756 : vector<16xi32>
        %swap3A_1758 = arith.index_cast %add3A_1690 : i32 to index
        %swap3A_1759 = arith.constant 32 : index
        %swap3A_1760 = tpu.vector_load %arg5[%swap3A_1758, %swap3A_1759] {strides = array<i32>} : memref<208x64xi32, #tpu.memory_space<vmem>>, vector<1x16xi32>,
        %swap3A_1761 = vector.shape_cast %swap3A_1760 : vector<1x16xi32> to vector<16xi32>
        %swap3A_1762 = vector.shape_cast %add3A_1757 : vector<16xi32> to vector<1x16xi32>
        tpu.vector_store %arg5[%swap3A_1758, %swap3A_1759], %swap3A_1762 {strides = array<i32>} : memref<208x64xi32, #tpu.memory_space<vmem>>, vector<1x16xi32>,
        %add3A_1763 = arith.addi %mul3A_2, %add3A_1690 : i32
        %mul3A_1764 = arith.constant 64 : i32
        %mul3A_1765 = arith.muli %add3A_1763, %mul3A_1764 : i32
        %add3A_1766 = arith.constant 48 : i32
        %add3A_1767 = arith.addi %mul3A_1765, %add3A_1766 : i32
        %iota3A_1768 = tpu.iota {dimensions = array<i32: 0>} : vector<16xi32>
        %add3A_1769 = vector.broadcast %add3A_1767 : i32 to vector<16xi32>
        %add3A_1770 = arith.addi %add3A_1769, %iota3A_1768 : vector<16xi32>
        %rem3A_1771 = arith.constant 26 : i32
        %rem3A_1772 = vector.broadcast %rem3A_1771 : i32 to vector<16xi32>
        %rem3A_1773 = arith.remsi %add3A_1770, %rem3A_1772 : vector<16xi32>
        %get3A_1774 = arith.index_cast %add3A_1690 : i32 to index
        %get3A_1775 = arith.constant 48 : index
        %get3A_1776 = tpu.vector_load %arg5[%get3A_1774, %get3A_1775] {strides = array<i32>} : memref<208x64xi32, #tpu.memory_space<vmem>>, vector<1x16xi32>,
        %get3A_1777 = vector.shape_cast %get3A_1776 : vector<1x16xi32> to vector<16xi32>
        %mul3A_1778 = arith.constant 1000 : i32
        %mul3A_1779 = vector.broadcast %mul3A_1778 : i32 to vector<16xi32>
        %mul3A_1780 = arith.muli %rem3A_1773, %mul3A_1779 : vector<16xi32>
        %add3A_1781 = arith.addi %get3A_1777, %mul3A_1780 : vector<16xi32>
        %swap3A_1782 = arith.index_cast %add3A_1690 : i32 to index
        %swap3A_1783 = arith.constant 48 : index
        %swap3A_1784 = tpu.vector_load %arg5[%swap3A_1782, %swap3A_1783] {strides = array<i32>} : memref<208x64xi32, #tpu.memory_space<vmem>>, vector<1x16xi32>,
        %swap3A_1785 = vector.shape_cast %swap3A_1784 : vector<1x16xi32> to vector<16xi32>
        %swap3A_1786 = vector.shape_cast %add3A_1781 : vector<16xi32> to vector<1x16xi32>
        tpu.vector_store %arg5[%swap3A_1782, %swap3A_1783], %swap3A_1786 {strides = array<i32>} : memref<208x64xi32, #tpu.memory_space<vmem>>, vector<1x16xi32>,
        %dma_wait3A_1787 = arith.constant 0 : i32
        %dma_wait3A_1788 = arith.constant 0 : i32
        %dma_wait3A_1789 = tpu.memref_slice %arg4[%dma_wait3A_1787, %dma_wait3A_1788] : memref<425984x128xf32, #tpu.memory_space<hbm>> -> memref<64x128xf32, #tpu.memory_space<hbm>>
        %dma_wait3A_1790 = arith.constant 0 : i32
        %dma_wait3A_1791 = arith.constant 0 : i32
        %dma_wait3A_1792 = tpu.memref_slice %arg4[%dma_wait3A_1790, %dma_wait3A_1791] : memref<425984x128xf32, #tpu.memory_space<hbm>> -> memref<64x128xf32, #tpu.memory_space<hbm>>
        tpu.wait_dma2 semaphore(%arg27 : memref<!tpu.dma_semaphore, #tpu.memory_space<semaphore_mem>>) src(%arg11 : memref<64x128xf32, #tpu.memory_space<vmem>>) dst(%dma_wait3A_1792 : memref<64x128xf32, #tpu.memory_space<hbm>>)
        %add3A_1793 = arith.constant 8 : i32
        %add3A_1794 = arith.addi %mul3A_972, %add3A_1793 : i32
        %add3A_1795 = arith.constant 5 : i32
        %add3A_1796 = arith.addi %add3A_1794, %add3A_1795 : i32
        %dma_start3A_1797 = arith.constant 0 : i32
        %dma_start3A_1798 = tpu.memref_slice %arg5[%add3A_1796, %dma_start3A_1797] : memref<208x64xi32, #tpu.memory_space<vmem>> -> memref<1x64xi32, #tpu.memory_space<vmem>>
        %dma_start3A_1799 = tpu.memref_squeeze %dma_start3A_1798 : memref<1x64xi32, #tpu.memory_space<vmem>> -> memref<64xi32, #tpu.memory_space<vmem>>
        %dma_start3A_1800 = arith.constant 0 : i32
        %dma_start3A_1801 = arith.constant 0 : i32
        %dma_start3A_1802 = tpu.memref_slice %arg3[%dma_start3A_1800, %dma_start3A_1801] : memref<26000x128xf32, #tpu.memory_space<hbm>> -> memref<26000x128xf32, #tpu.memory_space<hbm>>
        tpu.enqueue_indirect_dma source(%dma_start3A_1802 : memref<26000x128xf32, #tpu.memory_space<hbm>>) target(%arg11 : memref<64x128xf32, #tpu.memory_space<vmem>>) offsets(%dma_start3A_1799 : memref<64xi32, #tpu.memory_space<vmem>>) semaphore(%arg19 : memref<!tpu.dma_semaphore, #tpu.memory_space<semaphore_mem>>)
        %add3A_1803 = arith.constant 8 : i32
        %add3A_1804 = arith.addi %mul3A_972, %add3A_1803 : i32
        %add3A_1805 = arith.constant 6 : i32
        %add3A_1806 = arith.addi %add3A_1804, %add3A_1805 : i32
        %add3A_1807 = arith.addi %mul3A_2, %add3A_1806 : i32
        %mul3A_1808 = arith.constant 64 : i32
        %mul3A_1809 = arith.muli %add3A_1807, %mul3A_1808 : i32
        %add3A_1810 = arith.constant 0 : i32
        %add3A_1811 = arith.addi %mul3A_1809, %add3A_1810 : i32
        %iota3A_1812 = tpu.iota {dimensions = array<i32: 0>} : vector<16xi32>
        %add3A_1813 = vector.broadcast %add3A_1811 : i32 to vector<16xi32>
        %add3A_1814 = arith.addi %add3A_1813, %iota3A_1812 : vector<16xi32>
        %rem3A_1815 = arith.constant 26 : i32
        %rem3A_1816 = vector.broadcast %rem3A_1815 : i32 to vector<16xi32>
        %rem3A_1817 = arith.remsi %add3A_1814, %rem3A_1816 : vector<16xi32>
        %get3A_1818 = arith.index_cast %add3A_1806 : i32 to index
        %get3A_1819 = arith.constant 0 : index
        %get3A_1820 = tpu.vector_load %arg5[%get3A_1818, %get3A_1819] {strides = array<i32>} : memref<208x64xi32, #tpu.memory_space<vmem>>, vector<1x16xi32>,
        %get3A_1821 = vector.shape_cast %get3A_1820 : vector<1x16xi32> to vector<16xi32>
        %mul3A_1822 = arith.constant 1000 : i32
        %mul3A_1823 = vector.broadcast %mul3A_1822 : i32 to vector<16xi32>
        %mul3A_1824 = arith.muli %rem3A_1817, %mul3A_1823 : vector<16xi32>
        %add3A_1825 = arith.addi %get3A_1821, %mul3A_1824 : vector<16xi32>
        %swap3A_1826 = arith.index_cast %add3A_1806 : i32 to index
        %swap3A_1827 = arith.constant 0 : index
        %swap3A_1828 = tpu.vector_load %arg5[%swap3A_1826, %swap3A_1827] {strides = array<i32>} : memref<208x64xi32, #tpu.memory_space<vmem>>, vector<1x16xi32>,
        %swap3A_1829 = vector.shape_cast %swap3A_1828 : vector<1x16xi32> to vector<16xi32>
        %swap3A_1830 = vector.shape_cast %add3A_1825 : vector<16xi32> to vector<1x16xi32>
        tpu.vector_store %arg5[%swap3A_1826, %swap3A_1827], %swap3A_1830 {strides = array<i32>} : memref<208x64xi32, #tpu.memory_space<vmem>>, vector<1x16xi32>,
        %add3A_1831 = arith.addi %mul3A_2, %add3A_1806 : i32
        %mul3A_1832 = arith.constant 64 : i32
        %mul3A_1833 = arith.muli %add3A_1831, %mul3A_1832 : i32
        %add3A_1834 = arith.constant 16 : i32
        %add3A_1835 = arith.addi %mul3A_1833, %add3A_1834 : i32
        %iota3A_1836 = tpu.iota {dimensions = array<i32: 0>} : vector<16xi32>
        %add3A_1837 = vector.broadcast %add3A_1835 : i32 to vector<16xi32>
        %add3A_1838 = arith.addi %add3A_1837, %iota3A_1836 : vector<16xi32>
        %rem3A_1839 = arith.constant 26 : i32
        %rem3A_1840 = vector.broadcast %rem3A_1839 : i32 to vector<16xi32>
        %rem3A_1841 = arith.remsi %add3A_1838, %rem3A_1840 : vector<16xi32>
        %get3A_1842 = arith.index_cast %add3A_1806 : i32 to index
        %get3A_1843 = arith.constant 16 : index
        %get3A_1844 = tpu.vector_load %arg5[%get3A_1842, %get3A_1843] {strides = array<i32>} : memref<208x64xi32, #tpu.memory_space<vmem>>, vector<1x16xi32>,
        %get3A_1845 = vector.shape_cast %get3A_1844 : vector<1x16xi32> to vector<16xi32>
        %mul3A_1846 = arith.constant 1000 : i32
        %mul3A_1847 = vector.broadcast %mul3A_1846 : i32 to vector<16xi32>
        %mul3A_1848 = arith.muli %rem3A_1841, %mul3A_1847 : vector<16xi32>
        %add3A_1849 = arith.addi %get3A_1845, %mul3A_1848 : vector<16xi32>
        %swap3A_1850 = arith.index_cast %add3A_1806 : i32 to index
        %swap3A_1851 = arith.constant 16 : index
        %swap3A_1852 = tpu.vector_load %arg5[%swap3A_1850, %swap3A_1851] {strides = array<i32>} : memref<208x64xi32, #tpu.memory_space<vmem>>, vector<1x16xi32>,
        %swap3A_1853 = vector.shape_cast %swap3A_1852 : vector<1x16xi32> to vector<16xi32>
        %swap3A_1854 = vector.shape_cast %add3A_1849 : vector<16xi32> to vector<1x16xi32>
        tpu.vector_store %arg5[%swap3A_1850, %swap3A_1851], %swap3A_1854 {strides = array<i32>} : memref<208x64xi32, #tpu.memory_space<vmem>>, vector<1x16xi32>,
        %add3A_1855 = arith.addi %mul3A_2, %add3A_1806 : i32
        %mul3A_1856 = arith.constant 64 : i32
        %mul3A_1857 = arith.muli %add3A_1855, %mul3A_1856 : i32
        %add3A_1858 = arith.constant 32 : i32
        %add3A_1859 = arith.addi %mul3A_1857, %add3A_1858 : i32
        %iota3A_1860 = tpu.iota {dimensions = array<i32: 0>} : vector<16xi32>
        %add3A_1861 = vector.broadcast %add3A_1859 : i32 to vector<16xi32>
        %add3A_1862 = arith.addi %add3A_1861, %iota3A_1860 : vector<16xi32>
        %rem3A_1863 = arith.constant 26 : i32
        %rem3A_1864 = vector.broadcast %rem3A_1863 : i32 to vector<16xi32>
        %rem3A_1865 = arith.remsi %add3A_1862, %rem3A_1864 : vector<16xi32>
        %get3A_1866 = arith.index_cast %add3A_1806 : i32 to index
        %get3A_1867 = arith.constant 32 : index
        %get3A_1868 = tpu.vector_load %arg5[%get3A_1866, %get3A_1867] {strides = array<i32>} : memref<208x64xi32, #tpu.memory_space<vmem>>, vector<1x16xi32>,
        %get3A_1869 = vector.shape_cast %get3A_1868 : vector<1x16xi32> to vector<16xi32>
        %mul3A_1870 = arith.constant 1000 : i32
        %mul3A_1871 = vector.broadcast %mul3A_1870 : i32 to vector<16xi32>
        %mul3A_1872 = arith.muli %rem3A_1865, %mul3A_1871 : vector<16xi32>
        %add3A_1873 = arith.addi %get3A_1869, %mul3A_1872 : vector<16xi32>
        %swap3A_1874 = arith.index_cast %add3A_1806 : i32 to index
        %swap3A_1875 = arith.constant 32 : index
        %swap3A_1876 = tpu.vector_load %arg5[%swap3A_1874, %swap3A_1875] {strides = array<i32>} : memref<208x64xi32, #tpu.memory_space<vmem>>, vector<1x16xi32>,
        %swap3A_1877 = vector.shape_cast %swap3A_1876 : vector<1x16xi32> to vector<16xi32>
        %swap3A_1878 = vector.shape_cast %add3A_1873 : vector<16xi32> to vector<1x16xi32>
        tpu.vector_store %arg5[%swap3A_1874, %swap3A_1875], %swap3A_1878 {strides = array<i32>} : memref<208x64xi32, #tpu.memory_space<vmem>>, vector<1x16xi32>,
        %add3A_1879 = arith.addi %mul3A_2, %add3A_1806 : i32
        %mul3A_1880 = arith.constant 64 : i32
        %mul3A_1881 = arith.muli %add3A_1879, %mul3A_1880 : i32
        %add3A_1882 = arith.constant 48 : i32
        %add3A_1883 = arith.addi %mul3A_1881, %add3A_1882 : i32
        %iota3A_1884 = tpu.iota {dimensions = array<i32: 0>} : vector<16xi32>
        %add3A_1885 = vector.broadcast %add3A_1883 : i32 to vector<16xi32>
        %add3A_1886 = arith.addi %add3A_1885, %iota3A_1884 : vector<16xi32>
        %rem3A_1887 = arith.constant 26 : i32
        %rem3A_1888 = vector.broadcast %rem3A_1887 : i32 to vector<16xi32>
        %rem3A_1889 = arith.remsi %add3A_1886, %rem3A_1888 : vector<16xi32>
        %get3A_1890 = arith.index_cast %add3A_1806 : i32 to index
        %get3A_1891 = arith.constant 48 : index
        %get3A_1892 = tpu.vector_load %arg5[%get3A_1890, %get3A_1891] {strides = array<i32>} : memref<208x64xi32, #tpu.memory_space<vmem>>, vector<1x16xi32>,
        %get3A_1893 = vector.shape_cast %get3A_1892 : vector<1x16xi32> to vector<16xi32>
        %mul3A_1894 = arith.constant 1000 : i32
        %mul3A_1895 = vector.broadcast %mul3A_1894 : i32 to vector<16xi32>
        %mul3A_1896 = arith.muli %rem3A_1889, %mul3A_1895 : vector<16xi32>
        %add3A_1897 = arith.addi %get3A_1893, %mul3A_1896 : vector<16xi32>
        %swap3A_1898 = arith.index_cast %add3A_1806 : i32 to index
        %swap3A_1899 = arith.constant 48 : index
        %swap3A_1900 = tpu.vector_load %arg5[%swap3A_1898, %swap3A_1899] {strides = array<i32>} : memref<208x64xi32, #tpu.memory_space<vmem>>, vector<1x16xi32>,
        %swap3A_1901 = vector.shape_cast %swap3A_1900 : vector<1x16xi32> to vector<16xi32>
        %swap3A_1902 = vector.shape_cast %add3A_1897 : vector<16xi32> to vector<1x16xi32>
        tpu.vector_store %arg5[%swap3A_1898, %swap3A_1899], %swap3A_1902 {strides = array<i32>} : memref<208x64xi32, #tpu.memory_space<vmem>>, vector<1x16xi32>,
        %dma_wait3A_1903 = arith.constant 0 : i32
        %dma_wait3A_1904 = arith.constant 0 : i32
        %dma_wait3A_1905 = tpu.memref_slice %arg4[%dma_wait3A_1903, %dma_wait3A_1904] : memref<425984x128xf32, #tpu.memory_space<hbm>> -> memref<64x128xf32, #tpu.memory_space<hbm>>
        %dma_wait3A_1906 = arith.constant 0 : i32
        %dma_wait3A_1907 = arith.constant 0 : i32
        %dma_wait3A_1908 = tpu.memref_slice %arg4[%dma_wait3A_1906, %dma_wait3A_1907] : memref<425984x128xf32, #tpu.memory_space<hbm>> -> memref<64x128xf32, #tpu.memory_space<hbm>>
        tpu.wait_dma2 semaphore(%arg28 : memref<!tpu.dma_semaphore, #tpu.memory_space<semaphore_mem>>) src(%arg12 : memref<64x128xf32, #tpu.memory_space<vmem>>) dst(%dma_wait3A_1908 : memref<64x128xf32, #tpu.memory_space<hbm>>)
        %add3A_1909 = arith.constant 8 : i32
        %add3A_1910 = arith.addi %mul3A_972, %add3A_1909 : i32
        %add3A_1911 = arith.constant 6 : i32
        %add3A_1912 = arith.addi %add3A_1910, %add3A_1911 : i32
        %dma_start3A_1913 = arith.constant 0 : i32
        %dma_start3A_1914 = tpu.memref_slice %arg5[%add3A_1912, %dma_start3A_1913] : memref<208x64xi32, #tpu.memory_space<vmem>> -> memref<1x64xi32, #tpu.memory_space<vmem>>
        %dma_start3A_1915 = tpu.memref_squeeze %dma_start3A_1914 : memref<1x64xi32, #tpu.memory_space<vmem>> -> memref<64xi32, #tpu.memory_space<vmem>>
        %dma_start3A_1916 = arith.constant 0 : i32
        %dma_start3A_1917 = arith.constant 0 : i32
        %dma_start3A_1918 = tpu.memref_slice %arg3[%dma_start3A_1916, %dma_start3A_1917] : memref<26000x128xf32, #tpu.memory_space<hbm>> -> memref<26000x128xf32, #tpu.memory_space<hbm>>
        tpu.enqueue_indirect_dma source(%dma_start3A_1918 : memref<26000x128xf32, #tpu.memory_space<hbm>>) target(%arg12 : memref<64x128xf32, #tpu.memory_space<vmem>>) offsets(%dma_start3A_1915 : memref<64xi32, #tpu.memory_space<vmem>>) semaphore(%arg20 : memref<!tpu.dma_semaphore, #tpu.memory_space<semaphore_mem>>)
        %add3A_1919 = arith.constant 8 : i32
        %add3A_1920 = arith.addi %mul3A_972, %add3A_1919 : i32
        %add3A_1921 = arith.constant 7 : i32
        %add3A_1922 = arith.addi %add3A_1920, %add3A_1921 : i32
        %add3A_1923 = arith.addi %mul3A_2, %add3A_1922 : i32
        %mul3A_1924 = arith.constant 64 : i32
        %mul3A_1925 = arith.muli %add3A_1923, %mul3A_1924 : i32
        %add3A_1926 = arith.constant 0 : i32
        %add3A_1927 = arith.addi %mul3A_1925, %add3A_1926 : i32
        %iota3A_1928 = tpu.iota {dimensions = array<i32: 0>} : vector<16xi32>
        %add3A_1929 = vector.broadcast %add3A_1927 : i32 to vector<16xi32>
        %add3A_1930 = arith.addi %add3A_1929, %iota3A_1928 : vector<16xi32>
        %rem3A_1931 = arith.constant 26 : i32
        %rem3A_1932 = vector.broadcast %rem3A_1931 : i32 to vector<16xi32>
        %rem3A_1933 = arith.remsi %add3A_1930, %rem3A_1932 : vector<16xi32>
        %get3A_1934 = arith.index_cast %add3A_1922 : i32 to index
        %get3A_1935 = arith.constant 0 : index
        %get3A_1936 = tpu.vector_load %arg5[%get3A_1934, %get3A_1935] {strides = array<i32>} : memref<208x64xi32, #tpu.memory_space<vmem>>, vector<1x16xi32>,
        %get3A_1937 = vector.shape_cast %get3A_1936 : vector<1x16xi32> to vector<16xi32>
        %mul3A_1938 = arith.constant 1000 : i32
        %mul3A_1939 = vector.broadcast %mul3A_1938 : i32 to vector<16xi32>
        %mul3A_1940 = arith.muli %rem3A_1933, %mul3A_1939 : vector<16xi32>
        %add3A_1941 = arith.addi %get3A_1937, %mul3A_1940 : vector<16xi32>
        %swap3A_1942 = arith.index_cast %add3A_1922 : i32 to index
        %swap3A_1943 = arith.constant 0 : index
        %swap3A_1944 = tpu.vector_load %arg5[%swap3A_1942, %swap3A_1943] {strides = array<i32>} : memref<208x64xi32, #tpu.memory_space<vmem>>, vector<1x16xi32>,
        %swap3A_1945 = vector.shape_cast %swap3A_1944 : vector<1x16xi32> to vector<16xi32>
        %swap3A_1946 = vector.shape_cast %add3A_1941 : vector<16xi32> to vector<1x16xi32>
        tpu.vector_store %arg5[%swap3A_1942, %swap3A_1943], %swap3A_1946 {strides = array<i32>} : memref<208x64xi32, #tpu.memory_space<vmem>>, vector<1x16xi32>,
        %add3A_1947 = arith.addi %mul3A_2, %add3A_1922 : i32
        %mul3A_1948 = arith.constant 64 : i32
        %mul3A_1949 = arith.muli %add3A_1947, %mul3A_1948 : i32
        %add3A_1950 = arith.constant 16 : i32
        %add3A_1951 = arith.addi %mul3A_1949, %add3A_1950 : i32
        %iota3A_1952 = tpu.iota {dimensions = array<i32: 0>} : vector<16xi32>
        %add3A_1953 = vector.broadcast %add3A_1951 : i32 to vector<16xi32>
        %add3A_1954 = arith.addi %add3A_1953, %iota3A_1952 : vector<16xi32>
        %rem3A_1955 = arith.constant 26 : i32
        %rem3A_1956 = vector.broadcast %rem3A_1955 : i32 to vector<16xi32>
        %rem3A_1957 = arith.remsi %add3A_1954, %rem3A_1956 : vector<16xi32>
        %get3A_1958 = arith.index_cast %add3A_1922 : i32 to index
        %get3A_1959 = arith.constant 16 : index
        %get3A_1960 = tpu.vector_load %arg5[%get3A_1958, %get3A_1959] {strides = array<i32>} : memref<208x64xi32, #tpu.memory_space<vmem>>, vector<1x16xi32>,
        %get3A_1961 = vector.shape_cast %get3A_1960 : vector<1x16xi32> to vector<16xi32>
        %mul3A_1962 = arith.constant 1000 : i32
        %mul3A_1963 = vector.broadcast %mul3A_1962 : i32 to vector<16xi32>
        %mul3A_1964 = arith.muli %rem3A_1957, %mul3A_1963 : vector<16xi32>
        %add3A_1965 = arith.addi %get3A_1961, %mul3A_1964 : vector<16xi32>
        %swap3A_1966 = arith.index_cast %add3A_1922 : i32 to index
        %swap3A_1967 = arith.constant 16 : index
        %swap3A_1968 = tpu.vector_load %arg5[%swap3A_1966, %swap3A_1967] {strides = array<i32>} : memref<208x64xi32, #tpu.memory_space<vmem>>, vector<1x16xi32>,
        %swap3A_1969 = vector.shape_cast %swap3A_1968 : vector<1x16xi32> to vector<16xi32>
        %swap3A_1970 = vector.shape_cast %add3A_1965 : vector<16xi32> to vector<1x16xi32>
        tpu.vector_store %arg5[%swap3A_1966, %swap3A_1967], %swap3A_1970 {strides = array<i32>} : memref<208x64xi32, #tpu.memory_space<vmem>>, vector<1x16xi32>,
        %add3A_1971 = arith.addi %mul3A_2, %add3A_1922 : i32
        %mul3A_1972 = arith.constant 64 : i32
        %mul3A_1973 = arith.muli %add3A_1971, %mul3A_1972 : i32
        %add3A_1974 = arith.constant 32 : i32
        %add3A_1975 = arith.addi %mul3A_1973, %add3A_1974 : i32
        %iota3A_1976 = tpu.iota {dimensions = array<i32: 0>} : vector<16xi32>
        %add3A_1977 = vector.broadcast %add3A_1975 : i32 to vector<16xi32>
        %add3A_1978 = arith.addi %add3A_1977, %iota3A_1976 : vector<16xi32>
        %rem3A_1979 = arith.constant 26 : i32
        %rem3A_1980 = vector.broadcast %rem3A_1979 : i32 to vector<16xi32>
        %rem3A_1981 = arith.remsi %add3A_1978, %rem3A_1980 : vector<16xi32>
        %get3A_1982 = arith.index_cast %add3A_1922 : i32 to index
        %get3A_1983 = arith.constant 32 : index
        %get3A_1984 = tpu.vector_load %arg5[%get3A_1982, %get3A_1983] {strides = array<i32>} : memref<208x64xi32, #tpu.memory_space<vmem>>, vector<1x16xi32>,
        %get3A_1985 = vector.shape_cast %get3A_1984 : vector<1x16xi32> to vector<16xi32>
        %mul3A_1986 = arith.constant 1000 : i32
        %mul3A_1987 = vector.broadcast %mul3A_1986 : i32 to vector<16xi32>
        %mul3A_1988 = arith.muli %rem3A_1981, %mul3A_1987 : vector<16xi32>
        %add3A_1989 = arith.addi %get3A_1985, %mul3A_1988 : vector<16xi32>
        %swap3A_1990 = arith.index_cast %add3A_1922 : i32 to index
        %swap3A_1991 = arith.constant 32 : index
        %swap3A_1992 = tpu.vector_load %arg5[%swap3A_1990, %swap3A_1991] {strides = array<i32>} : memref<208x64xi32, #tpu.memory_space<vmem>>, vector<1x16xi32>,
        %swap3A_1993 = vector.shape_cast %swap3A_1992 : vector<1x16xi32> to vector<16xi32>
        %swap3A_1994 = vector.shape_cast %add3A_1989 : vector<16xi32> to vector<1x16xi32>
        tpu.vector_store %arg5[%swap3A_1990, %swap3A_1991], %swap3A_1994 {strides = array<i32>} : memref<208x64xi32, #tpu.memory_space<vmem>>, vector<1x16xi32>,
        %add3A_1995 = arith.addi %mul3A_2, %add3A_1922 : i32
        %mul3A_1996 = arith.constant 64 : i32
        %mul3A_1997 = arith.muli %add3A_1995, %mul3A_1996 : i32
        %add3A_1998 = arith.constant 48 : i32
        %add3A_1999 = arith.addi %mul3A_1997, %add3A_1998 : i32
        %iota3A_2000 = tpu.iota {dimensions = array<i32: 0>} : vector<16xi32>
        %add3A_2001 = vector.broadcast %add3A_1999 : i32 to vector<16xi32>
        %add3A_2002 = arith.addi %add3A_2001, %iota3A_2000 : vector<16xi32>
        %rem3A_2003 = arith.constant 26 : i32
        %rem3A_2004 = vector.broadcast %rem3A_2003 : i32 to vector<16xi32>
        %rem3A_2005 = arith.remsi %add3A_2002, %rem3A_2004 : vector<16xi32>
        %get3A_2006 = arith.index_cast %add3A_1922 : i32 to index
        %get3A_2007 = arith.constant 48 : index
        %get3A_2008 = tpu.vector_load %arg5[%get3A_2006, %get3A_2007] {strides = array<i32>} : memref<208x64xi32, #tpu.memory_space<vmem>>, vector<1x16xi32>,
        %get3A_2009 = vector.shape_cast %get3A_2008 : vector<1x16xi32> to vector<16xi32>
        %mul3A_2010 = arith.constant 1000 : i32
        %mul3A_2011 = vector.broadcast %mul3A_2010 : i32 to vector<16xi32>
        %mul3A_2012 = arith.muli %rem3A_2005, %mul3A_2011 : vector<16xi32>
        %add3A_2013 = arith.addi %get3A_2009, %mul3A_2012 : vector<16xi32>
        %swap3A_2014 = arith.index_cast %add3A_1922 : i32 to index
        %swap3A_2015 = arith.constant 48 : index
        %swap3A_2016 = tpu.vector_load %arg5[%swap3A_2014, %swap3A_2015] {strides = array<i32>} : memref<208x64xi32, #tpu.memory_space<vmem>>, vector<1x16xi32>,
        %swap3A_2017 = vector.shape_cast %swap3A_2016 : vector<1x16xi32> to vector<16xi32>
        %swap3A_2018 = vector.shape_cast %add3A_2013 : vector<16xi32> to vector<1x16xi32>
        tpu.vector_store %arg5[%swap3A_2014, %swap3A_2015], %swap3A_2018 {strides = array<i32>} : memref<208x64xi32, #tpu.memory_space<vmem>>, vector<1x16xi32>,
        %dma_wait3A_2019 = arith.constant 0 : i32
        %dma_wait3A_2020 = arith.constant 0 : i32
        %dma_wait3A_2021 = tpu.memref_slice %arg4[%dma_wait3A_2019, %dma_wait3A_2020] : memref<425984x128xf32, #tpu.memory_space<hbm>> -> memref<64x128xf32, #tpu.memory_space<hbm>>
        %dma_wait3A_2022 = arith.constant 0 : i32
        %dma_wait3A_2023 = arith.constant 0 : i32
        %dma_wait3A_2024 = tpu.memref_slice %arg4[%dma_wait3A_2022, %dma_wait3A_2023] : memref<425984x128xf32, #tpu.memory_space<hbm>> -> memref<64x128xf32, #tpu.memory_space<hbm>>
        tpu.wait_dma2 semaphore(%arg29 : memref<!tpu.dma_semaphore, #tpu.memory_space<semaphore_mem>>) src(%arg13 : memref<64x128xf32, #tpu.memory_space<vmem>>) dst(%dma_wait3A_2024 : memref<64x128xf32, #tpu.memory_space<hbm>>)
        %add3A_2025 = arith.constant 8 : i32
        %add3A_2026 = arith.addi %mul3A_972, %add3A_2025 : i32
        %add3A_2027 = arith.constant 7 : i32
        %add3A_2028 = arith.addi %add3A_2026, %add3A_2027 : i32
        %dma_start3A_2029 = arith.constant 0 : i32
        %dma_start3A_2030 = tpu.memref_slice %arg5[%add3A_2028, %dma_start3A_2029] : memref<208x64xi32, #tpu.memory_space<vmem>> -> memref<1x64xi32, #tpu.memory_space<vmem>>
        %dma_start3A_2031 = tpu.memref_squeeze %dma_start3A_2030 : memref<1x64xi32, #tpu.memory_space<vmem>> -> memref<64xi32, #tpu.memory_space<vmem>>
        %dma_start3A_2032 = arith.constant 0 : i32
        %dma_start3A_2033 = arith.constant 0 : i32
        %dma_start3A_2034 = tpu.memref_slice %arg3[%dma_start3A_2032, %dma_start3A_2033] : memref<26000x128xf32, #tpu.memory_space<hbm>> -> memref<26000x128xf32, #tpu.memory_space<hbm>>
        tpu.enqueue_indirect_dma source(%dma_start3A_2034 : memref<26000x128xf32, #tpu.memory_space<hbm>>) target(%arg13 : memref<64x128xf32, #tpu.memory_space<vmem>>) offsets(%dma_start3A_2031 : memref<64xi32, #tpu.memory_space<vmem>>) semaphore(%arg21 : memref<!tpu.dma_semaphore, #tpu.memory_space<semaphore_mem>>)
      } else {
      }
      %eq3A = arith.constant 25 : i32
      %eq3A_975 = arith.cmpi eq, %scan3A_970, %eq3A : i32
      %convert_element_type3A_976 = arith.extui %eq3A_975 : i1 to i32
      %cond3A_977 = arith.constant 0 : i32
      %cond3A_978 = arith.cmpi ne, %convert_element_type3A_976, %cond3A_977 : i32
      scf.if %cond3A_978 {
        %dma_wait3A_979 = arith.constant 0 : i32
        %dma_wait3A_980 = arith.constant 0 : i32
        %dma_wait3A_981 = tpu.memref_slice %arg5[%dma_wait3A_979, %dma_wait3A_980] : memref<208x64xi32, #tpu.memory_space<vmem>> -> memref<1x64xi32, #tpu.memory_space<vmem>>
        %dma_wait3A_982 = tpu.memref_squeeze %dma_wait3A_981 : memref<1x64xi32, #tpu.memory_space<vmem>> -> memref<64xi32, #tpu.memory_space<vmem>>
        %dma_wait3A_983 = arith.constant 0 : i32
        %dma_wait3A_984 = arith.constant 0 : i32
        %dma_wait3A_985 = tpu.memref_slice %arg3[%dma_wait3A_983, %dma_wait3A_984] : memref<26000x128xf32, #tpu.memory_space<hbm>> -> memref<26000x128xf32, #tpu.memory_space<hbm>>
        tpu.wait_indirect_dma semaphore(%arg14 : memref<!tpu.dma_semaphore, #tpu.memory_space<semaphore_mem>>) src(%dma_wait3A_985 : memref<26000x128xf32, #tpu.memory_space<hbm>>) dst(%arg6 : memref<64x128xf32, #tpu.memory_space<vmem>>)
        %add3A_986 = arith.constant 0 : i32
        %add3A_987 = arith.addi %mul3A_972, %add3A_986 : i32
        %add3A_988 = arith.addi %mul3A_2, %add3A_987 : i32
        %mul3A_989 = arith.constant 64 : i32
        %mul3A_990 = arith.muli %add3A_988, %mul3A_989 : i32
        %dma_start3A_991 = arith.constant 0 : i32
        %dma_start3A_992 = tpu.memref_slice %arg4[%mul3A_990, %dma_start3A_991] : memref<425984x128xf32, #tpu.memory_space<hbm>> -> memref<64x128xf32, #tpu.memory_space<hbm>>
        %dma_start3A_993 = arith.constant 0 : i32
        %dma_start3A_994 = tpu.memref_slice %arg4[%mul3A_990, %dma_start3A_993] : memref<425984x128xf32, #tpu.memory_space<hbm>> -> memref<64x128xf32, #tpu.memory_space<hbm>>
        tpu.enqueue_dma source(%arg6 : memref<64x128xf32, #tpu.memory_space<vmem>>) target(%dma_start3A_994 : memref<64x128xf32, #tpu.memory_space<hbm>>) target_semaphore(%arg22 : memref<!tpu.dma_semaphore, #tpu.memory_space<semaphore_mem>>)
        %dma_wait3A_995 = arith.constant 0 : i32
        %dma_wait3A_996 = arith.constant 0 : i32
        %dma_wait3A_997 = tpu.memref_slice %arg5[%dma_wait3A_995, %dma_wait3A_996] : memref<208x64xi32, #tpu.memory_space<vmem>> -> memref<1x64xi32, #tpu.memory_space<vmem>>
        %dma_wait3A_998 = tpu.memref_squeeze %dma_wait3A_997 : memref<1x64xi32, #tpu.memory_space<vmem>> -> memref<64xi32, #tpu.memory_space<vmem>>
        %dma_wait3A_999 = arith.constant 0 : i32
        %dma_wait3A_1000 = arith.constant 0 : i32
        %dma_wait3A_1001 = tpu.memref_slice %arg3[%dma_wait3A_999, %dma_wait3A_1000] : memref<26000x128xf32, #tpu.memory_space<hbm>> -> memref<26000x128xf32, #tpu.memory_space<hbm>>
        tpu.wait_indirect_dma semaphore(%arg15 : memref<!tpu.dma_semaphore, #tpu.memory_space<semaphore_mem>>) src(%dma_wait3A_1001 : memref<26000x128xf32, #tpu.memory_space<hbm>>) dst(%arg7 : memref<64x128xf32, #tpu.memory_space<vmem>>)
        %add3A_1002 = arith.constant 1 : i32
        %add3A_1003 = arith.addi %mul3A_972, %add3A_1002 : i32
        %add3A_1004 = arith.addi %mul3A_2, %add3A_1003 : i32
        %mul3A_1005 = arith.constant 64 : i32
        %mul3A_1006 = arith.muli %add3A_1004, %mul3A_1005 : i32
        %dma_start3A_1007 = arith.constant 0 : i32
        %dma_start3A_1008 = tpu.memref_slice %arg4[%mul3A_1006, %dma_start3A_1007] : memref<425984x128xf32, #tpu.memory_space<hbm>> -> memref<64x128xf32, #tpu.memory_space<hbm>>
        %dma_start3A_1009 = arith.constant 0 : i32
        %dma_start3A_1010 = tpu.memref_slice %arg4[%mul3A_1006, %dma_start3A_1009] : memref<425984x128xf32, #tpu.memory_space<hbm>> -> memref<64x128xf32, #tpu.memory_space<hbm>>
        tpu.enqueue_dma source(%arg7 : memref<64x128xf32, #tpu.memory_space<vmem>>) target(%dma_start3A_1010 : memref<64x128xf32, #tpu.memory_space<hbm>>) target_semaphore(%arg23 : memref<!tpu.dma_semaphore, #tpu.memory_space<semaphore_mem>>)
        %dma_wait3A_1011 = arith.constant 0 : i32
        %dma_wait3A_1012 = arith.constant 0 : i32
        %dma_wait3A_1013 = tpu.memref_slice %arg5[%dma_wait3A_1011, %dma_wait3A_1012] : memref<208x64xi32, #tpu.memory_space<vmem>> -> memref<1x64xi32, #tpu.memory_space<vmem>>
        %dma_wait3A_1014 = tpu.memref_squeeze %dma_wait3A_1013 : memref<1x64xi32, #tpu.memory_space<vmem>> -> memref<64xi32, #tpu.memory_space<vmem>>
        %dma_wait3A_1015 = arith.constant 0 : i32
        %dma_wait3A_1016 = arith.constant 0 : i32
        %dma_wait3A_1017 = tpu.memref_slice %arg3[%dma_wait3A_1015, %dma_wait3A_1016] : memref<26000x128xf32, #tpu.memory_space<hbm>> -> memref<26000x128xf32, #tpu.memory_space<hbm>>
        tpu.wait_indirect_dma semaphore(%arg16 : memref<!tpu.dma_semaphore, #tpu.memory_space<semaphore_mem>>) src(%dma_wait3A_1017 : memref<26000x128xf32, #tpu.memory_space<hbm>>) dst(%arg8 : memref<64x128xf32, #tpu.memory_space<vmem>>)
        %add3A_1018 = arith.constant 2 : i32
        %add3A_1019 = arith.addi %mul3A_972, %add3A_1018 : i32
        %add3A_1020 = arith.addi %mul3A_2, %add3A_1019 : i32
        %mul3A_1021 = arith.constant 64 : i32
        %mul3A_1022 = arith.muli %add3A_1020, %mul3A_1021 : i32
        %dma_start3A_1023 = arith.constant 0 : i32
        %dma_start3A_1024 = tpu.memref_slice %arg4[%mul3A_1022, %dma_start3A_1023] : memref<425984x128xf32, #tpu.memory_space<hbm>> -> memref<64x128xf32, #tpu.memory_space<hbm>>
        %dma_start3A_1025 = arith.constant 0 : i32
        %dma_start3A_1026 = tpu.memref_slice %arg4[%mul3A_1022, %dma_start3A_1025] : memref<425984x128xf32, #tpu.memory_space<hbm>> -> memref<64x128xf32, #tpu.memory_space<hbm>>
        tpu.enqueue_dma source(%arg8 : memref<64x128xf32, #tpu.memory_space<vmem>>) target(%dma_start3A_1026 : memref<64x128xf32, #tpu.memory_space<hbm>>) target_semaphore(%arg24 : memref<!tpu.dma_semaphore, #tpu.memory_space<semaphore_mem>>)
        %dma_wait3A_1027 = arith.constant 0 : i32
        %dma_wait3A_1028 = arith.constant 0 : i32
        %dma_wait3A_1029 = tpu.memref_slice %arg5[%dma_wait3A_1027, %dma_wait3A_1028] : memref<208x64xi32, #tpu.memory_space<vmem>> -> memref<1x64xi32, #tpu.memory_space<vmem>>
        %dma_wait3A_1030 = tpu.memref_squeeze %dma_wait3A_1029 : memref<1x64xi32, #tpu.memory_space<vmem>> -> memref<64xi32, #tpu.memory_space<vmem>>
        %dma_wait3A_1031 = arith.constant 0 : i32
        %dma_wait3A_1032 = arith.constant 0 : i32
        %dma_wait3A_1033 = tpu.memref_slice %arg3[%dma_wait3A_1031, %dma_wait3A_1032] : memref<26000x128xf32, #tpu.memory_space<hbm>> -> memref<26000x128xf32, #tpu.memory_space<hbm>>
        tpu.wait_indirect_dma semaphore(%arg17 : memref<!tpu.dma_semaphore, #tpu.memory_space<semaphore_mem>>) src(%dma_wait3A_1033 : memref<26000x128xf32, #tpu.memory_space<hbm>>) dst(%arg9 : memref<64x128xf32, #tpu.memory_space<vmem>>)
        %add3A_1034 = arith.constant 3 : i32
        %add3A_1035 = arith.addi %mul3A_972, %add3A_1034 : i32
        %add3A_1036 = arith.addi %mul3A_2, %add3A_1035 : i32
        %mul3A_1037 = arith.constant 64 : i32
        %mul3A_1038 = arith.muli %add3A_1036, %mul3A_1037 : i32
        %dma_start3A_1039 = arith.constant 0 : i32
        %dma_start3A_1040 = tpu.memref_slice %arg4[%mul3A_1038, %dma_start3A_1039] : memref<425984x128xf32, #tpu.memory_space<hbm>> -> memref<64x128xf32, #tpu.memory_space<hbm>>
        %dma_start3A_1041 = arith.constant 0 : i32
        %dma_start3A_1042 = tpu.memref_slice %arg4[%mul3A_1038, %dma_start3A_1041] : memref<425984x128xf32, #tpu.memory_space<hbm>> -> memref<64x128xf32, #tpu.memory_space<hbm>>
        tpu.enqueue_dma source(%arg9 : memref<64x128xf32, #tpu.memory_space<vmem>>) target(%dma_start3A_1042 : memref<64x128xf32, #tpu.memory_space<hbm>>) target_semaphore(%arg25 : memref<!tpu.dma_semaphore, #tpu.memory_space<semaphore_mem>>)
        %dma_wait3A_1043 = arith.constant 0 : i32
        %dma_wait3A_1044 = arith.constant 0 : i32
        %dma_wait3A_1045 = tpu.memref_slice %arg5[%dma_wait3A_1043, %dma_wait3A_1044] : memref<208x64xi32, #tpu.memory_space<vmem>> -> memref<1x64xi32, #tpu.memory_space<vmem>>
        %dma_wait3A_1046 = tpu.memref_squeeze %dma_wait3A_1045 : memref<1x64xi32, #tpu.memory_space<vmem>> -> memref<64xi32, #tpu.memory_space<vmem>>
        %dma_wait3A_1047 = arith.constant 0 : i32
        %dma_wait3A_1048 = arith.constant 0 : i32
        %dma_wait3A_1049 = tpu.memref_slice %arg3[%dma_wait3A_1047, %dma_wait3A_1048] : memref<26000x128xf32, #tpu.memory_space<hbm>> -> memref<26000x128xf32, #tpu.memory_space<hbm>>
        tpu.wait_indirect_dma semaphore(%arg18 : memref<!tpu.dma_semaphore, #tpu.memory_space<semaphore_mem>>) src(%dma_wait3A_1049 : memref<26000x128xf32, #tpu.memory_space<hbm>>) dst(%arg10 : memref<64x128xf32, #tpu.memory_space<vmem>>)
        %add3A_1050 = arith.constant 4 : i32
        %add3A_1051 = arith.addi %mul3A_972, %add3A_1050 : i32
        %add3A_1052 = arith.addi %mul3A_2, %add3A_1051 : i32
        %mul3A_1053 = arith.constant 64 : i32
        %mul3A_1054 = arith.muli %add3A_1052, %mul3A_1053 : i32
        %dma_start3A_1055 = arith.constant 0 : i32
        %dma_start3A_1056 = tpu.memref_slice %arg4[%mul3A_1054, %dma_start3A_1055] : memref<425984x128xf32, #tpu.memory_space<hbm>> -> memref<64x128xf32, #tpu.memory_space<hbm>>
        %dma_start3A_1057 = arith.constant 0 : i32
        %dma_start3A_1058 = tpu.memref_slice %arg4[%mul3A_1054, %dma_start3A_1057] : memref<425984x128xf32, #tpu.memory_space<hbm>> -> memref<64x128xf32, #tpu.memory_space<hbm>>
        tpu.enqueue_dma source(%arg10 : memref<64x128xf32, #tpu.memory_space<vmem>>) target(%dma_start3A_1058 : memref<64x128xf32, #tpu.memory_space<hbm>>) target_semaphore(%arg26 : memref<!tpu.dma_semaphore, #tpu.memory_space<semaphore_mem>>)
        %dma_wait3A_1059 = arith.constant 0 : i32
        %dma_wait3A_1060 = arith.constant 0 : i32
        %dma_wait3A_1061 = tpu.memref_slice %arg5[%dma_wait3A_1059, %dma_wait3A_1060] : memref<208x64xi32, #tpu.memory_space<vmem>> -> memref<1x64xi32, #tpu.memory_space<vmem>>
        %dma_wait3A_1062 = tpu.memref_squeeze %dma_wait3A_1061 : memref<1x64xi32, #tpu.memory_space<vmem>> -> memref<64xi32, #tpu.memory_space<vmem>>
        %dma_wait3A_1063 = arith.constant 0 : i32
        %dma_wait3A_1064 = arith.constant 0 : i32
        %dma_wait3A_1065 = tpu.memref_slice %arg3[%dma_wait3A_1063, %dma_wait3A_1064] : memref<26000x128xf32, #tpu.memory_space<hbm>> -> memref<26000x128xf32, #tpu.memory_space<hbm>>
        tpu.wait_indirect_dma semaphore(%arg19 : memref<!tpu.dma_semaphore, #tpu.memory_space<semaphore_mem>>) src(%dma_wait3A_1065 : memref<26000x128xf32, #tpu.memory_space<hbm>>) dst(%arg11 : memref<64x128xf32, #tpu.memory_space<vmem>>)
        %add3A_1066 = arith.constant 5 : i32
        %add3A_1067 = arith.addi %mul3A_972, %add3A_1066 : i32
        %add3A_1068 = arith.addi %mul3A_2, %add3A_1067 : i32
        %mul3A_1069 = arith.constant 64 : i32
        %mul3A_1070 = arith.muli %add3A_1068, %mul3A_1069 : i32
        %dma_start3A_1071 = arith.constant 0 : i32
        %dma_start3A_1072 = tpu.memref_slice %arg4[%mul3A_1070, %dma_start3A_1071] : memref<425984x128xf32, #tpu.memory_space<hbm>> -> memref<64x128xf32, #tpu.memory_space<hbm>>
        %dma_start3A_1073 = arith.constant 0 : i32
        %dma_start3A_1074 = tpu.memref_slice %arg4[%mul3A_1070, %dma_start3A_1073] : memref<425984x128xf32, #tpu.memory_space<hbm>> -> memref<64x128xf32, #tpu.memory_space<hbm>>
        tpu.enqueue_dma source(%arg11 : memref<64x128xf32, #tpu.memory_space<vmem>>) target(%dma_start3A_1074 : memref<64x128xf32, #tpu.memory_space<hbm>>) target_semaphore(%arg27 : memref<!tpu.dma_semaphore, #tpu.memory_space<semaphore_mem>>)
        %dma_wait3A_1075 = arith.constant 0 : i32
        %dma_wait3A_1076 = arith.constant 0 : i32
        %dma_wait3A_1077 = tpu.memref_slice %arg5[%dma_wait3A_1075, %dma_wait3A_1076] : memref<208x64xi32, #tpu.memory_space<vmem>> -> memref<1x64xi32, #tpu.memory_space<vmem>>
        %dma_wait3A_1078 = tpu.memref_squeeze %dma_wait3A_1077 : memref<1x64xi32, #tpu.memory_space<vmem>> -> memref<64xi32, #tpu.memory_space<vmem>>
        %dma_wait3A_1079 = arith.constant 0 : i32
        %dma_wait3A_1080 = arith.constant 0 : i32
        %dma_wait3A_1081 = tpu.memref_slice %arg3[%dma_wait3A_1079, %dma_wait3A_1080] : memref<26000x128xf32, #tpu.memory_space<hbm>> -> memref<26000x128xf32, #tpu.memory_space<hbm>>
        tpu.wait_indirect_dma semaphore(%arg20 : memref<!tpu.dma_semaphore, #tpu.memory_space<semaphore_mem>>) src(%dma_wait3A_1081 : memref<26000x128xf32, #tpu.memory_space<hbm>>) dst(%arg12 : memref<64x128xf32, #tpu.memory_space<vmem>>)
        %add3A_1082 = arith.constant 6 : i32
        %add3A_1083 = arith.addi %mul3A_972, %add3A_1082 : i32
        %add3A_1084 = arith.addi %mul3A_2, %add3A_1083 : i32
        %mul3A_1085 = arith.constant 64 : i32
        %mul3A_1086 = arith.muli %add3A_1084, %mul3A_1085 : i32
        %dma_start3A_1087 = arith.constant 0 : i32
        %dma_start3A_1088 = tpu.memref_slice %arg4[%mul3A_1086, %dma_start3A_1087] : memref<425984x128xf32, #tpu.memory_space<hbm>> -> memref<64x128xf32, #tpu.memory_space<hbm>>
        %dma_start3A_1089 = arith.constant 0 : i32
        %dma_start3A_1090 = tpu.memref_slice %arg4[%mul3A_1086, %dma_start3A_1089] : memref<425984x128xf32, #tpu.memory_space<hbm>> -> memref<64x128xf32, #tpu.memory_space<hbm>>
        tpu.enqueue_dma source(%arg12 : memref<64x128xf32, #tpu.memory_space<vmem>>) target(%dma_start3A_1090 : memref<64x128xf32, #tpu.memory_space<hbm>>) target_semaphore(%arg28 : memref<!tpu.dma_semaphore, #tpu.memory_space<semaphore_mem>>)
        %dma_wait3A_1091 = arith.constant 0 : i32
        %dma_wait3A_1092 = arith.constant 0 : i32
        %dma_wait3A_1093 = tpu.memref_slice %arg5[%dma_wait3A_1091, %dma_wait3A_1092] : memref<208x64xi32, #tpu.memory_space<vmem>> -> memref<1x64xi32, #tpu.memory_space<vmem>>
        %dma_wait3A_1094 = tpu.memref_squeeze %dma_wait3A_1093 : memref<1x64xi32, #tpu.memory_space<vmem>> -> memref<64xi32, #tpu.memory_space<vmem>>
        %dma_wait3A_1095 = arith.constant 0 : i32
        %dma_wait3A_1096 = arith.constant 0 : i32
        %dma_wait3A_1097 = tpu.memref_slice %arg3[%dma_wait3A_1095, %dma_wait3A_1096] : memref<26000x128xf32, #tpu.memory_space<hbm>> -> memref<26000x128xf32, #tpu.memory_space<hbm>>
        tpu.wait_indirect_dma semaphore(%arg21 : memref<!tpu.dma_semaphore, #tpu.memory_space<semaphore_mem>>) src(%dma_wait3A_1097 : memref<26000x128xf32, #tpu.memory_space<hbm>>) dst(%arg13 : memref<64x128xf32, #tpu.memory_space<vmem>>)
        %add3A_1098 = arith.constant 7 : i32
        %add3A_1099 = arith.addi %mul3A_972, %add3A_1098 : i32
        %add3A_1100 = arith.addi %mul3A_2, %add3A_1099 : i32
        %mul3A_1101 = arith.constant 64 : i32
        %mul3A_1102 = arith.muli %add3A_1100, %mul3A_1101 : i32
        %dma_start3A_1103 = arith.constant 0 : i32
        %dma_start3A_1104 = tpu.memref_slice %arg4[%mul3A_1102, %dma_start3A_1103] : memref<425984x128xf32, #tpu.memory_space<hbm>> -> memref<64x128xf32, #tpu.memory_space<hbm>>
        %dma_start3A_1105 = arith.constant 0 : i32
        %dma_start3A_1106 = tpu.memref_slice %arg4[%mul3A_1102, %dma_start3A_1105] : memref<425984x128xf32, #tpu.memory_space<hbm>> -> memref<64x128xf32, #tpu.memory_space<hbm>>
        tpu.enqueue_dma source(%arg13 : memref<64x128xf32, #tpu.memory_space<vmem>>) target(%dma_start3A_1106 : memref<64x128xf32, #tpu.memory_space<hbm>>) target_semaphore(%arg29 : memref<!tpu.dma_semaphore, #tpu.memory_space<semaphore_mem>>)
      } else {
      }
    }
    %scan3A_922 = arith.constant 26 : i32
    %dma_wait3A = arith.constant 0 : i32
    %dma_wait3A_923 = arith.constant 0 : i32
    %dma_wait3A_924 = tpu.memref_slice %arg4[%dma_wait3A, %dma_wait3A_923] : memref<425984x128xf32, #tpu.memory_space<hbm>> -> memref<64x128xf32, #tpu.memory_space<hbm>>
    %dma_wait3A_925 = arith.constant 0 : i32
    %dma_wait3A_926 = arith.constant 0 : i32
    %dma_wait3A_927 = tpu.memref_slice %arg4[%dma_wait3A_925, %dma_wait3A_926] : memref<425984x128xf32, #tpu.memory_space<hbm>> -> memref<64x128xf32, #tpu.memory_space<hbm>>
    tpu.wait_dma2 semaphore(%arg22 : memref<!tpu.dma_semaphore, #tpu.memory_space<semaphore_mem>>) src(%arg6 : memref<64x128xf32, #tpu.memory_space<vmem>>) dst(%dma_wait3A_927 : memref<64x128xf32, #tpu.memory_space<hbm>>)
    %dma_wait3A_928 = arith.constant 0 : i32
    %dma_wait3A_929 = arith.constant 0 : i32
    %dma_wait3A_930 = tpu.memref_slice %arg4[%dma_wait3A_928, %dma_wait3A_929] : memref<425984x128xf32, #tpu.memory_space<hbm>> -> memref<64x128xf32, #tpu.memory_space<hbm>>
    %dma_wait3A_931 = arith.constant 0 : i32
    %dma_wait3A_932 = arith.constant 0 : i32
    %dma_wait3A_933 = tpu.memref_slice %arg4[%dma_wait3A_931, %dma_wait3A_932] : memref<425984x128xf32, #tpu.memory_space<hbm>> -> memref<64x128xf32, #tpu.memory_space<hbm>>
    tpu.wait_dma2 semaphore(%arg23 : memref<!tpu.dma_semaphore, #tpu.memory_space<semaphore_mem>>) src(%arg7 : memref<64x128xf32, #tpu.memory_space<vmem>>) dst(%dma_wait3A_933 : memref<64x128xf32, #tpu.memory_space<hbm>>)
    %dma_wait3A_934 = arith.constant 0 : i32
    %dma_wait3A_935 = arith.constant 0 : i32
    %dma_wait3A_936 = tpu.memref_slice %arg4[%dma_wait3A_934, %dma_wait3A_935] : memref<425984x128xf32, #tpu.memory_space<hbm>> -> memref<64x128xf32, #tpu.memory_space<hbm>>
    %dma_wait3A_937 = arith.constant 0 : i32
    %dma_wait3A_938 = arith.constant 0 : i32
    %dma_wait3A_939 = tpu.memref_slice %arg4[%dma_wait3A_937, %dma_wait3A_938] : memref<425984x128xf32, #tpu.memory_space<hbm>> -> memref<64x128xf32, #tpu.memory_space<hbm>>
    tpu.wait_dma2 semaphore(%arg24 : memref<!tpu.dma_semaphore, #tpu.memory_space<semaphore_mem>>) src(%arg8 : memref<64x128xf32, #tpu.memory_space<vmem>>) dst(%dma_wait3A_939 : memref<64x128xf32, #tpu.memory_space<hbm>>)
    %dma_wait3A_940 = arith.constant 0 : i32
    %dma_wait3A_941 = arith.constant 0 : i32
    %dma_wait3A_942 = tpu.memref_slice %arg4[%dma_wait3A_940, %dma_wait3A_941] : memref<425984x128xf32, #tpu.memory_space<hbm>> -> memref<64x128xf32, #tpu.memory_space<hbm>>
    %dma_wait3A_943 = arith.constant 0 : i32
    %dma_wait3A_944 = arith.constant 0 : i32
    %dma_wait3A_945 = tpu.memref_slice %arg4[%dma_wait3A_943, %dma_wait3A_944] : memref<425984x128xf32, #tpu.memory_space<hbm>> -> memref<64x128xf32, #tpu.memory_space<hbm>>
    tpu.wait_dma2 semaphore(%arg25 : memref<!tpu.dma_semaphore, #tpu.memory_space<semaphore_mem>>) src(%arg9 : memref<64x128xf32, #tpu.memory_space<vmem>>) dst(%dma_wait3A_945 : memref<64x128xf32, #tpu.memory_space<hbm>>)
    %dma_wait3A_946 = arith.constant 0 : i32
    %dma_wait3A_947 = arith.constant 0 : i32
    %dma_wait3A_948 = tpu.memref_slice %arg4[%dma_wait3A_946, %dma_wait3A_947] : memref<425984x128xf32, #tpu.memory_space<hbm>> -> memref<64x128xf32, #tpu.memory_space<hbm>>
    %dma_wait3A_949 = arith.constant 0 : i32
    %dma_wait3A_950 = arith.constant 0 : i32
    %dma_wait3A_951 = tpu.memref_slice %arg4[%dma_wait3A_949, %dma_wait3A_950] : memref<425984x128xf32, #tpu.memory_space<hbm>> -> memref<64x128xf32, #tpu.memory_space<hbm>>
    tpu.wait_dma2 semaphore(%arg26 : memref<!tpu.dma_semaphore, #tpu.memory_space<semaphore_mem>>) src(%arg10 : memref<64x128xf32, #tpu.memory_space<vmem>>) dst(%dma_wait3A_951 : memref<64x128xf32, #tpu.memory_space<hbm>>)
    %dma_wait3A_952 = arith.constant 0 : i32
    %dma_wait3A_953 = arith.constant 0 : i32
    %dma_wait3A_954 = tpu.memref_slice %arg4[%dma_wait3A_952, %dma_wait3A_953] : memref<425984x128xf32, #tpu.memory_space<hbm>> -> memref<64x128xf32, #tpu.memory_space<hbm>>
    %dma_wait3A_955 = arith.constant 0 : i32
    %dma_wait3A_956 = arith.constant 0 : i32
    %dma_wait3A_957 = tpu.memref_slice %arg4[%dma_wait3A_955, %dma_wait3A_956] : memref<425984x128xf32, #tpu.memory_space<hbm>> -> memref<64x128xf32, #tpu.memory_space<hbm>>
    tpu.wait_dma2 semaphore(%arg27 : memref<!tpu.dma_semaphore, #tpu.memory_space<semaphore_mem>>) src(%arg11 : memref<64x128xf32, #tpu.memory_space<vmem>>) dst(%dma_wait3A_957 : memref<64x128xf32, #tpu.memory_space<hbm>>)
    %dma_wait3A_958 = arith.constant 0 : i32
    %dma_wait3A_959 = arith.constant 0 : i32
    %dma_wait3A_960 = tpu.memref_slice %arg4[%dma_wait3A_958, %dma_wait3A_959] : memref<425984x128xf32, #tpu.memory_space<hbm>> -> memref<64x128xf32, #tpu.memory_space<hbm>>
    %dma_wait3A_961 = arith.constant 0 : i32
    %dma_wait3A_962 = arith.constant 0 : i32
    %dma_wait3A_963 = tpu.memref_slice %arg4[%dma_wait3A_961, %dma_wait3A_962] : memref<425984x128xf32, #tpu.memory_space<hbm>> -> memref<64x128xf32, #tpu.memory_space<hbm>>
    tpu.wait_dma2 semaphore(%arg28 : memref<!tpu.dma_semaphore, #tpu.memory_space<semaphore_mem>>) src(%arg12 : memref<64x128xf32, #tpu.memory_space<vmem>>) dst(%dma_wait3A_963 : memref<64x128xf32, #tpu.memory_space<hbm>>)
    %dma_wait3A_964 = arith.constant 0 : i32
    %dma_wait3A_965 = arith.constant 0 : i32
    %dma_wait3A_966 = tpu.memref_slice %arg4[%dma_wait3A_964, %dma_wait3A_965] : memref<425984x128xf32, #tpu.memory_space<hbm>> -> memref<64x128xf32, #tpu.memory_space<hbm>>
    %dma_wait3A_967 = arith.constant 0 : i32
    %dma_wait3A_968 = arith.constant 0 : i32
    %dma_wait3A_969 = tpu.memref_slice %arg4[%dma_wait3A_967, %dma_wait3A_968] : memref<425984x128xf32, #tpu.memory_space<hbm>> -> memref<64x128xf32, #tpu.memory_space<hbm>>
    tpu.wait_dma2 semaphore(%arg29 : memref<!tpu.dma_semaphore, #tpu.memory_space<semaphore_mem>>) src(%arg13 : memref<64x128xf32, #tpu.memory_space<vmem>>) dst(%dma_wait3A_969 : memref<64x128xf32, #tpu.memory_space<hbm>>)
    return
  }
}

</mosaic_0001>

<sc_bundles>
// kernel: kernel.3.cloned.1.call-start
scs
__scs_entry_jumppad:
0x0: {  	(pc) =	sbr.rel $0x88, $3  }
0x1: {  	(tag) =	ssettag $0x0;
	lr =	simm.s32 $0x1  }
0x2: {  	[smem:$0x3F9F] =	sst lr;
	_ =	strace $0xD0000000  }
0x3: {  	_ = 	snop  }
0x4: {  	_ = 	snop  }
0x5: {  	_ = 	snop  }
0x6: {  	_ = 	snop  }
0x7: {  	_ = 	snop  }
__scs_overlays_trampoline_lowered:
0x8: {  	[smem:$0x3FAE] =	sst s0  }
0x9: {  	[smem:$0x3FAF] =	sst s1  }
0xa: {  	[smem:$0x3FB0] =	sst s2  }
0xb: {  	[smem:$0x3FB1] =	sst s3  }
0xc: {  	[smem:$0x3FB2] =	sst s4  }
0xd: {  	[smem:$0x3FB3] =	sst s5  }
0xe: {  	[smem:$0x3FB4] =	sst s6  }
0xf: {  	[smem:$0x3FB5] =	sst s7  }
0x10: {  	[smem:$0x3FB6] =	sst s8  }
0x11: {  	[smem:$0x3FB7] =	sst s9;
	s0 =	simm.s32 @!p0 $0x0  }
0x12: {  	s1 =	sld [smem:$0x3F9D];
	s0 =	simm.s32 @p0 $0x1  }
0x13: {  	[smem:$0x3FB8] =	sst s0;
	s0 =	simm.s32 @!p1 $0x0  }
0x14: {  	s2 =	sld [smem:$0x3F9C];
	s0 =	simm.s32 @p1 $0x1  }
0x15: {  	[smem:$0x3FB9] =	sst s0;
	s0 =	simm.s32 @!p2 $0x0  }
0x16: {  	s3 =	sld [smem:$0x3FDB];
	s0 =	simm.s32 @p2 $0x1  }
0x17: {  	s4 =	simm.s32 $0x1BF5;
	[smem:$0x3FBB] =	sst s0  }
0x18: {  	s0 =	sld [smem:$0x3F9E];
	_ =	swait.ge [sflag:s4], $0x0  }
0x19: {  	s7 =	sld [smem:$0x3F9F]  }
0x1a: {  	s8 =	sadd.s32 $0xFFFFE003, lr  }
0x1b: {  	s9 =	sadd.s32 $0xFFFFFEF7, lr;
	s5 =	simm.s32 $0xFFFFFFFF;
	p2 =	slt.u32 s8, $0xFFFFF086  }
0x1c: {  	p1 =	slt.u32 s9, $0xF7A;
	s5 =	simm.s32 @!p2 $0x0  }
0x1d: {  	s5 =	simm.s32 @p1 $0x1;
	p0 =	seq.s32 s7, s2  }
0x1e: {  	s7 =	smul.u32 @!p0 $0xF7A, s2;
	p2 =	seq.s32 @!p0 s5, $0x0  }
0x1f: {  	s9 =	smul.u32 $0xF7A, s1;
	s8 =	simm.s32 @!p0 $0x1BF5;
	p2 =	por !p2, p0  }
0x20: {  	[sflag:s8] =	ssyncset.s32 @!p0 $0xFFFFF086;
	s6 =	sadd.s32 @!p0 s3, s7;
	s7 =	simm.s32 @!p0 $0x108  }
0x21: {  	s3 =	sadd.s32 s3, s9;
	s6 =	sadd.s32 @!p0 $0x88, s6;
	s7 =	simm.s32 @p2 $0x1082  }
0x22: {  	[simem:s7], [sflag:s8] =	dma.local @!p0 [hbm:s6], $0xF7A  }
0x23: {  	s9 =	sor.u32 $0xD0000000, s2;
	s6 =	simm.s32 $0x108;
	_ =	swait.ge @!p0 [sflag:s8], $0x0  }
0x24: {  	s3 =	sadd.s32 $0x88, s3;
	s6 =	simm.s32 @!p1 $0x1082;
	[sflag:s4] =	ssyncset.s32 $0xFFFFF086  }
0x25: {  	[simem:s6], [sflag:s4] =	dma.local [hbm:s3], $0xF7A  }
0x26: {  	[smem:$0x3F9F] =	sst s1;
	(tag) =	ssettag s2;
	_ =	strace s9  }
0x27: {  	s1 =	sld [smem:$0x3FAF]  }
0x28: {  	s2 =	sld [smem:$0x3FB0]  }
0x29: {  	s4 =	sld [smem:$0x3FB2]  }
0x2a: {  	p0 =	seq.s32 s5, $0x0;
	s5 =	sld [smem:$0x3FB3]  }
0x2b: {  	s6 =	sld [smem:$0x3FB4]  }
0x2c: {  	s7 =	sld [smem:$0x3FB5]  }
0x2d: {  	s3 =	simm.s32 $0x108;
	s8 =	sld [smem:$0x3FB6]  }
0x2e: {  	s3 =	simm.s32 @!p0 $0x1082;
	s9 =	sld [smem:$0x3FB7]  }
0x2f: {  	lr =	sadd.s32 s0, s3;
	s0 =	sld [smem:$0x3FAE]  }
0x30: {  	s3 =	sld [smem:$0x3FB1]  }
0x31: {  	[smem:$0x3FBA] =	sst s10  }
0x32: {  	s10 =	sld [smem:$0x3FB8];
	_ =	sdelay $0x3  }
0x33: {  	p0 =	seq.s32 s10, $0x1;
	s10 =	sld [smem:$0x3FBA];
	_ =	sdelay $0x3  }
0x34: {  	[smem:$0x3FBA] =	sst s10  }
0x35: {  	s10 =	sld [smem:$0x3FB9];
	_ =	sdelay $0x3  }
0x36: {  	p1 =	seq.s32 s10, $0x1;
	s10 =	sld [smem:$0x3FBA];
	_ =	sdelay $0x3  }
0x37: {  	[smem:$0x3FBA] =	sst s10  }
0x38: {  	s10 =	sld [smem:$0x3FBB]  }
0x39: {  	_ = 	snop;
	(pc) =	sbr.ind lr, $3  }
0x3a: {  	_ = 	snop  }
0x3b: {  	_ = 	snop  }
0x3c: {  	p2 =	seq.s32 s10, $0x1;
	s10 =	sld [smem:$0x3FBA]  }
0x3d: {  	_ =	shalt  }
0x3e: {  	_ =	shalt  }
0x3f: {  	_ =	shalt  }
0x40: {  	_ =	shalt  }
0x41: {  	_ =	shalt  }
0x42: {  	_ =	shalt  }
0x43: {  	_ =	shalt  }
0x44: {  	_ =	shalt  }
0x45: {  	_ =	shalt  }
0x46: {  	_ =	shalt  }
0x47: {  	_ =	shalt  }
0x48: {  	_ =	shalt  }
0x49: {  	_ =	shalt  }
0x4a: {  	_ =	shalt  }
0x4b: {  	_ =	shalt  }
0x4c: {  	_ =	shalt  }
0x4d: {  	_ =	shalt  }
0x4e: {  	_ =	shalt  }
0x4f: {  	_ =	shalt  }
0x50: {  	_ =	shalt  }
0x51: {  	_ =	shalt  }
0x52: {  	_ =	shalt  }
0x53: {  	_ =	shalt  }
0x54: {  	_ =	shalt  }
0x55: {  	_ =	shalt  }
0x56: {  	_ =	shalt  }
0x57: {  	_ =	shalt  }
0x58: {  	_ =	shalt  }
0x59: {  	_ =	shalt  }
0x5a: {  	_ =	shalt  }
0x5b: {  	_ =	shalt  }
0x5c: {  	_ =	shalt  }
0x5d: {  	_ =	shalt  }
0x5e: {  	_ =	shalt  }
0x5f: {  	_ =	shalt  }
0x60: {  	_ =	shalt  }
0x61: {  	_ =	shalt  }
0x62: {  	_ =	shalt  }
0x63: {  	_ =	shalt  }
0x64: {  	_ =	shalt  }
0x65: {  	_ =	shalt  }
0x66: {  	_ =	shalt  }
0x67: {  	_ =	shalt  }
0x68: {  	_ =	shalt  }
0x69: {  	_ =	shalt  }
0x6a: {  	_ =	shalt  }
0x6b: {  	_ =	shalt  }
0x6c: {  	_ =	shalt  }
0x6d: {  	_ =	shalt  }
0x6e: {  	_ =	shalt  }
0x6f: {  	_ =	shalt  }
0x70: {  	_ =	shalt  }
0x71: {  	_ =	shalt  }
0x72: {  	_ =	shalt  }
0x73: {  	_ =	shalt  }
0x74: {  	_ =	shalt  }
0x75: {  	_ =	shalt  }
0x76: {  	_ =	shalt  }
0x77: {  	_ =	shalt  }
0x78: {  	_ =	shalt  }
0x79: {  	_ =	shalt  }
0x7a: {  	_ =	shalt  }
0x7b: {  	_ =	shalt  }
0x7c: {  	_ =	shalt  }
0x7d: {  	_ =	shalt  }
0x7e: {  	_ =	shalt  }
0x7f: {  	_ =	shalt  }
0x80: {  	_ =	shalt  }
0x81: {  	_ =	shalt  }
0x82: {  	_ =	shalt  }
0x83: {  	_ =	shalt  }
0x84: {  	_ =	shalt  }
0x85: {  	_ =	shalt  }
0x86: {  	_ =	shalt  }
0x87: {  	_ =	shalt  }
.Lfunc_end0:
.L_simem_size_0:
called_computation_lowered:
.L_overlay_start_0:
0x88: {  	s2 =	sld [smem:$0x3FD9]  }
0x89: {  	s3 =	sld [smem:$0x3FFE];
	_ =	sdelay $0x1  }
0x8a: {  	s1 =	srdreg.scid  }
0x8b: {  	s0 =	sand.u32 $0x1, s1  }
0x8c: {  	s17 =	sshll.u32 s0, $0xA;
	s2 =	sadd.s32 s3, s2  }
0x8d: {  	s2 =	sadd.s32 s2, s17  }
0x8e: {  	[smem:$0x3FC6] =	sst s2  }
0x8f: {  	_ = 	snop  }
0x90: {  	s2 =	sld [smem:$0x3FC8]  }
0x91: {  	s18 =	sld [smem:$0x3FD0];
	(tm) =	ssettm $0x1  }
0x92: {  	s4 =	sld [smem:$0x3FFB];
	_ =	sdelay $0x3  }
0x93: {  	_ =	strace s4  }
0x94: {  	s4 =	sld [smem:$0x3FFC];
	_ =	sdelay $0x3  }
0x95: {  	_ =	strace s4  }
0x96: {  	s4 =	sld [smem:$0x3FFD];
	_ =	sdelay $0x3  }
0x97: {  	_ =	strace s4  }
0x98: {  	_ =	strace $0x8FFFFFFF  }
0x99: {  	s19 =	sld [smem:$0x3FDB];
	_ =	sdelay $0x1  }
0x9a: {  	s5 =	simm.s32 $_scs_section_size  }
0x9b: {  	s6 =	simm.s32 $_size__tile_overlayer_lowered;
	s7 =	simm.s32 $_tile_overlayer_lowered  }
0x9c: {  	s22 =	simm.s32 $0x1BFF;
	s21 =	sshll.u32 s7, $0x1;
	s4 =	sadd.s32 s5, s19  }
0x9d: {  	s8 =	simm.s32 $0x0;
	s20 =	sshll.u32 s6, $0x1;
	s6 =	sadd.s32 s21, s4  }
0x9e: {  	[timem:s8], [sflag:s22] =	dma.local [hbm:s6], s20  }
0x9f: {  	_ =	swait.ge [sflag:s22], s20  }
0xa0: {  	s5 =	ssub.s32 $0x0, s20;
	[sflag:s22] =	ssyncset.done $0x0  }
0xa1: {  	[sflag:s22] =	ssyncadd.s32 s5;
	_ =	sdelay $0x1  }
0xa2: {  	s23 =	simm.s32 $0x1B8B  }
0xa3: {  	_ =	swait.ge [sflag:s23], $0x1  }
0xa4: {  	[sflag:s23] =	ssyncset.done $0x0  }
0xa5: {  	s25 =	simm.s32 $0x1B8E;
	s24 =	sld [smem:$0x3FFE];
	[sflag:s23] =	ssyncadd.s32 $0xFFFFFFFF  }
0xa6: {  	s26 =	simm.s32 $execute0_lowered;
	[smem:$0x3FD2] =	sst s25  }
0xa7: {  	s6 =	sshll.u32 s26, $0x1;
	_ =	strace $0x80000046;
	[dreg:$0x1] =	wrdreg $0xFFFFFFFF  }
0xa8: {  	s28 =	simm.s32 $_size_execute0_lowered;
	s4 =	sadd.s32 s4, s6;
	[dreg:$0x0] =	wrdreg $0x0  }
0xa9: {  	s6 =	sshll.u32 s28, $0x1;
	[dreg:$0x2] =	wrdreg s4  }
0xaa: {  	[dreg:$0x3] =	wrdreg s6  }
0xab: {  	[dreg:$0x4] =	wrdreg $0xC0  }
0xac: {  	_ =	task [dreg:s8], $0x5FFFF  }
0xad: {  	[dreg:$0x1] =	wrdreg $0xFFFFFFFF  }
0xae: {  	[dreg:$0x0] =	wrdreg $0x60  }
0xaf: {  	[dreg:$0x2] =	wrdreg s24  }
0xb0: {  	[dreg:$0x3] =	wrdreg s2  }
0xb1: {  	[dreg:$0x4] =	wrdreg s18  }
0xb2: {  	[dreg:$0x5] =	wrdreg $0x9  }
0xb3: {  	_ =	task.clear_ibuf [dreg:s8], $0x6FFFF;
	_ =	strace $0x90000046  }
0xb4: {  	s29 =	simm.s32 $0x9;
	_ =	strace $0x80000048  }
0xb5: {  	_ =	swait.ge [sflag:s29], $0x1  }
0xb6: {  	[sflag:s29] =	ssyncadd.s32 $0xFFFFFFFF  }
0xb7: {  	_ =	strace $0x90000048  }
0xb8: {  	_ =	sfence  }
0xb9: {  	s30 =	sld [smem:$0x0];
	_ =	sdelay $0x2  }
0xba: {  	s31 =	sshll.u32 s1, $0xD;
	s1 =	sshrl.u32 s1, $0x2  }
0xbb: {  	s3 =	sand.u32 $0x4000, s31;
	s1 =	sadd.s32 s1, s30  }
0xbc: {  	s0 =	sor.u32 s3, s0;
	s1 =	sshll.u32 s1, $0x11  }
0xbd: {  	s0 =	sor.u32 s1, s0  }
0xbe: {  	s0 =	sadd.s32 $0x8F2B, s0  }
0xbf: {  	[sflag:s0] =	ssyncadd.remote.s32 $0x1  }
0xc0: {  	_ =	sfence.sel $0xFFFF  }
0xc1: {  	[dreg:$0x0] =	wrdreg $0xFFFFFFFF;
	(pc) =	sbr.abs _section_cstart, $3  }
0xc2: {  	[dreg:$0x1] =	wrdreg $0xFFFFFFFF  }
0xc3: {  	_ =	task.clear_ibuf [dreg:s8], $0x2FFFF;
	_ =	strace $0x9FFFFFFF  }
0xc4: {  	(tm) =	ssettm $0x7FFFFFFF  }
0xc5: {  	_ =	shalt  }
tec
execute0_lowered:
.L_overlay_start_1:
0x0: {  	(tag) =	ssettag $0x1  }
0x1: {  	s0 =	srdreg.scid;
	s13 =	stileid.u32  }
0x2: {  	s0 =	sand.u32 $0x1, s0;
	s1 =	sshll.u32 s13, $0x1  }
0x3: {  	s3 =	sor.u32 s0, s1  }
0x4: {  	s2 =	smul.u32 $0x3400, s3  }
0x5: {  	v0 =	vlaneseq.u32  }
0x6: {  	v1 =	vor.u32 s2, v0;
	s17 =	sor.u32 $0x10, s2  }
0x7: {  	v2 =	vmulhi.u32 $0x4EC4EC4F, v1;
	v3 =	vor.u32 s17, v0  }
0x8: {  	s18 =	sor.u32 $0x20, s2;
	v4 =	vmulhi.u32 $0x4EC4EC4F, v3  }
0x9: {  	v5 =	vor.u32 s18, v0;
	v2 =	vshrl.u32 v2, $0x3  }
0xa: {  	v6 =	vmulhi.u32 $0x4EC4EC4F, v5;
	v2 =	vmul.u32 $0x1A, v2;
	v4 =	vshrl.u32 v4, $0x3  }
0xb: {  	s19 =	sor.u32 $0x30, s2;
	v4 =	vmul.u32 $0x1A, v4  }
0xc: {  	v1 =	vsub.s32 v1, v2;
	v2 =	vshrl.u32 v6, $0x3;
	v6 =	vor.u32 s19, v0  }
0xd: {  	s21 =	sor.u32 $0x50, s2;
	v3 =	vsub.s32 v3, v4;
	v4 =	vmul.u32 $0x1A, v2;
	v7 =	vmulhi.u32 $0x4EC4EC4F, v6  }
0xe: {  	s20 =	sor.u32 $0x40, s2;
	v8 =	vor.u32 s21, v0;
	v2 =	vmul.u32 $0x3E8, v3  }
0xf: {  	s22 =	sor.u32 $0x60, s2;
	v3 =	vsub.s32 v5, v4;
	v4 =	vshrl.u32 v7, $0x3;
	v5 =	vor.u32 s20, v0  }
0x10: {  	s23 =	sor.u32 $0x70, s2;
	s26 =	sor.u32 $0xA0, s2;
	v10 =	vor.u32 s22, v0;
	v4 =	vmul.u32 $0x1A, v4;
	v7 =	vmulhi.u32 $0x4EC4EC4F, v5  }
0x11: {  	s4 =	sor.u32 $0xB0, s2;
	v11 =	vor.u32 s23, v0;
	v13 =	vor.u32 s26, v0;
	v9 =	vmulhi.u32 $0x4EC4EC4F, v8  }
0x12: {  	v15 =	vor.u32 s4, v0;
	v4 =	vsub.s32 v6, v4;
	v6 =	vshrl.u32 v7, $0x3  }
0x13: {  	s5 =	sor.u32 $0xC0, s2;
	v9 =	vshrl.u32 v9, $0x3;
	v7 =	vmulhi.u32 $0x4EC4EC4F, v10;
	v6 =	vmul.u32 $0x1A, v6  }
0x14: {  	v16 =	vor.u32 s5, v0;
	v12 =	vmulhi.u32 $0x4EC4EC4F, v11;
	v9 =	vmul.u32 $0x1A, v9  }
0x15: {  	s24 =	sor.u32 $0x80, s2;
	v14 =	vmulhi.u32 $0x4EC4EC4F, v13;
	v7 =	vshrl.u32 v7, $0x3;
	v5 =	vsub.s32 v5, v6  }
0x16: {  	s7 =	sor.u32 $0xE0, s2;
	v6 =	vmul.u32 $0x1A, v7;
	v7 =	vsub.s32 v8, v9;
	v9 =	vor.u32 s24, v0  }
0x17: {  	v21 =	vor.u32 s7, v0;
	v8 =	vshrl.u32 v12, $0x3;
	v12 =	vmulhi.u32 $0x4EC4EC4F, v9  }
0x18: {  	v17 =	vmulhi.u32 $0x4EC4EC4F, v16;
	v8 =	vmul.u32 $0x1A, v8;
	v10 =	vsub.s32 v10, v6  }
0x19: {  	s25 =	sor.u32 $0x90, s2;
	v6 =	vmul.u32 $0x3E8, v7;
	v7 =	vmul.u32 $0x3E8, v10;
	v10 =	vshrl.u32 v12, $0x3  }
0x1a: {  	s10 =	sor.u32 $0x110, s2;
	s12 =	sor.u32 $0x130, s2;
	v8 =	vsub.s32 v11, v8;
	v11 =	vor.u32 s25, v0;
	v10 =	vmul.u32 $0x1A, v10  }
0x1b: {  	s15 =	sor.u32 $0x170, s2;
	v22 =	vor.u32 s10, v0;
	v24 =	vor.u32 s12, v0;
	v12 =	vmulhi.u32 $0x4EC4EC4F, v11  }
0x1c: {  	v27 =	vor.u32 s15, v0;
	v9 =	vsub.s32 v9, v10;
	v10 =	vmulhi.u32 $0x4EC4EC4F, v15  }
0x1d: {  	v25 =	vmulhi.u32 $0x4EC4EC4F, v24;
	v14 =	vshrl.u32 v14, $0x3;
	v12 =	vshrl.u32 v12, $0x3  }
0x1e: {  	s6 =	sor.u32 $0xD0, s2;
	v14 =	vmul.u32 $0x1A, v14;
	v12 =	vmul.u32 $0x1A, v12;
	v10 =	vshrl.u32 v10, $0x3  }
0x1f: {  	s4 =	sor.u32 $0x140, s2;
	v18 =	vmul.u32 $0x1A, v10;
	v10 =	vshrl.u32 v17, $0x3;
	v17 =	vor.u32 s6, v0  }
0x20: {  	v26 =	vor.u32 s4, v0;
	v19 =	vmul.u32 $0x1A, v10;
	v20 =	vmulhi.u32 $0x4EC4EC4F, v17  }
0x21: {  	v10 =	vsub.s32 v11, v12;
	v11 =	vsub.s32 v13, v14;
	v14 =	vmulhi.u32 $0x4EC4EC4F, v21  }
0x22: {  	s8 =	sor.u32 $0xF0, s2;
	v12 =	vsub.s32 v15, v18;
	v13 =	vsub.s32 v16, v19;
	v15 =	vshrl.u32 v20, $0x3  }
0x23: {  	s9 =	sor.u32 $0x100, s2;
	v14 =	vshrl.u32 v14, $0x3;
	v16 =	vor.u32 s8, v0;
	v15 =	vmul.u32 $0x1A, v15  }
0x24: {  	s17 =	sor.u32 $0x180, s2;
	v20 =	vor.u32 s9, v0;
	v18 =	vmul.u32 $0x1A, v14;
	v19 =	vmulhi.u32 $0x4EC4EC4F, v16  }
0x25: {  	s11 =	sor.u32 $0x120, s2;
	v28 =	vor.u32 s17, v0;
	v14 =	vsub.s32 v17, v15;
	v17 =	vmulhi.u32 $0x4EC4EC4F, v20  }
0x26: {  	s21 =	sor.u32 $0x1C0, s2;
	v15 =	vsub.s32 v21, v18;
	v18 =	vmulhi.u32 $0x4EC4EC4F, v22;
	v21 =	vor.u32 s11, v0  }
0x27: {  	s22 =	sor.u32 $0x1D0, s2;
	v33 =	vor.u32 s21, v0;
	v19 =	vshrl.u32 v19, $0x3;
	v23 =	vmulhi.u32 $0x4EC4EC4F, v21  }
0x28: {  	v62 =	vor.u32 s22, v0;
	v19 =	vmul.u32 $0x1A, v19;
	v17 =	vshrl.u32 v17, $0x3  }
0x29: {  	v18 =	vshrl.u32 v18, $0x3;
	v17 =	vmul.u32 $0x1A, v17;
	v23 =	vshrl.u32 v23, $0x3  }
0x2a: {  	v29 =	vmulhi.u32 $0x4EC4EC4F, v28;
	v18 =	vmul.u32 $0x1A, v18;
	v23 =	vmul.u32 $0x1A, v23  }
0x2b: {  	v16 =	vsub.s32 v16, v19;
	v17 =	vsub.s32 v20, v17;
	v20 =	vmulhi.u32 $0x4EC4EC4F, v26  }
0x2c: {  	s6 =	sor.u32 $0x150, s2;
	v18 =	vsub.s32 v22, v18;
	v19 =	vsub.s32 v21, v23;
	v21 =	vshrl.u32 v25, $0x3  }
0x2d: {  	s14 =	sor.u32 $0x160, s2;
	v22 =	vor.u32 s6, v0;
	v21 =	vmul.u32 $0x1A, v21;
	v20 =	vshrl.u32 v20, $0x3  }
0x2e: {  	s29 =	simm.s32 $0x8800;
	s31 =	simm.s32 $0x1;
	v23 =	vmulhi.u32 $0x4EC4EC4F, v22;
	v25 =	vor.u32 s14, v0;
	v20 =	vmul.u32 $0x1A, v20  }
0x2f: {  	s28 =	simm.s32 $0x4;
	s1 =	rddreg [dreg:$0x1];
	s7 =	smul.u32 $0xD00, s3;
	v1 =	vmul.u32 $0x3E8, v1;
	v21 =	vsub.s32 v24, v21;
	v24 =	vmulhi.u32 $0x4EC4EC4F, v25  }
0x30: {  	s5 =	rddreg [dreg:$0x0];
	s3 =	smul.u32 $0x1A0000, s3;
	s20 =	sor.u32 $0x1B0, s2;
	v26 =	vsub.s32 v26, v20;
	v20 =	vshrl.u32 v23, $0x3;
	v23 =	vmulhi.u32 $0x4EC4EC4F, v27  }
0x31: {  	s30 =	simm.s32 $0x5;
	s12 =	rddreg [dreg:$0x2];
	s10 =	smul.u32 $0x1A0, s13;
	v31 =	vor.u32 s20, v0;
	v20 =	vmul.u32 $0x1A, v20;
	v24 =	vshrl.u32 v24, $0x3  }
0x32: {  	s18 =	sor.u32 $0x190, s2;
	s23 =	smul.u32 $0xD0, s0;
	s3 =	sshrl.u32 s3, $0x3;
	v32 =	vmulhi.u32 $0x4EC4EC4F, v31;
	v24 =	vmul.u32 $0x1A, v24;
	v23 =	vshrl.u32 v23, $0x3  }
0x33: {  	s4 =	simm.s32 $0x0;
	s21 =	smul.u32 $0x6800, s13;
	s3 =	sadd.s32 s12, s3;
	v22 =	vsub.s32 v22, v20;
	v20 =	vmul.u32 $0x1A, v23;
	v23 =	vor.u32 s18, v0  }
0x34: {  	[smem:$0x7FF] =	sst s4;
	s26 =	sadd.s32 $0x32800, s3;
	s19 =	sor.u32 $0x1A0, s2;
	v24 =	vsub.s32 v25, v24;
	v25 =	vshrl.u32 v29, $0x3;
	v29 =	vmulhi.u32 $0x4EC4EC4F, v23  }
0x35: {  	_ =	strace $0x80000047;
	s15 =	sadd.s32 $0x33000, s3;
	[dreg:$0xc] =	wrdreg s26;
	v27 =	vsub.s32 v27, v20;
	v20 =	vmul.u32 $0x1A, v25;
	v25 =	vor.u32 s19, v0  }
0x36: {  	s16 =	sadd.s32 s7, s5;
	s17 =	sadd.s32 $0x33400, s3;
	[dreg:$0xe] =	wrdreg s15;
	v3 =	vmul.u32 $0x3E8, v3;
	v29 =	vshrl.u32 v29, $0x3;
	v30 =	vmulhi.u32 $0x4EC4EC4F, v25  }
0x37: {  	s7 =	simm.s32 $0x7;
	s12 =	simm.s32 $0xD;
	[dreg:$0xf] =	wrdreg s17;
	v4 =	vmul.u32 $0x3E8, v4;
	v5 =	vmul.u32 $0x3E8, v5;
	v29 =	vmul.u32 $0x1A, v29  }
0x38: {  	s17 =	simm.s32 $0x40;
	s24 =	sadd.s32 $0x32000, s3;
	s8 =	ssub.s32 $0x2, s0;
	v28 =	vsub.s32 v28, v20;
	v20 =	vshrl.u32 v30, $0x3;
	v30 =	vmulhi.u32 $0x4EC4EC4F, v33  }
0x39: {  	[dreg:$0xa] =	wrdreg s24;
	s25 =	sadd.s32 $0x32400, s3;
	s9 =	sshrl.u32 s8, $0x1;
	v29 =	vsub.s32 v23, v29;
	v20 =	vmul.u32 $0x1A, v20;
	v23 =	vshrl.u32 v32, $0x3  }
0x3a: {  	v8 =	vmul.u32 $0x3E8, v8;
	[dreg:$0xb] =	wrdreg s25;
	s5 =	ssub.s32 s8, s9;
	s8 =	sadd.s32 $0x32C00, s3;
	v23 =	vmul.u32 $0x1A, v23;
	v30 =	vshrl.u32 v30, $0x3  }
0x3b: {  	s9 =	simm.s32 $0x8;
	s11 =	sor.u32 $0x1E0, s2;
	s2 =	sor.u32 $0x1F0, s2;
	v34 =	vsub.s32 v25, v20;
	v20 =	vmul.u32 $0x1A, v30;
	v25 =	vmulhi.u32 $0x4EC4EC4F, v62  }
0x3c: {  	v9 =	vmul.u32 $0x3E8, v9;
	[dreg:$0xd] =	wrdreg s8;
	s26 =	smax.u32 s5, $0x1;
	s5 =	simm.s32 $0x6;
	v30 =	vsub.s32 v31, v23;
	v23 =	vor.u32 s11, v0  }
0x3d: {  	s8 =	simm.s32 $0xB;
	[dreg:$0x12] =	wrdreg s26;
	s26 =	simm.s32 $0x6800;
	v31 =	vsub.s32 v33, v20;
	v20 =	vshrl.u32 v25, $0x3;
	v25 =	vmulhi.u32 $0x4EC4EC4F, v23  }
0x3e: {  	v10 =	vmul.u32 $0x3E8, v10;
	v11 =	vmul.u32 $0x3E8, v11;
	s6 =	sadd.s32 $0x400, s16;
	s16 =	smul.u32 $0x68000, s13;
	s13 =	simm.s32 $0xE;
	v20 =	vmul.u32 $0x1A, v20  }
0x3f: {  	v12 =	vmul.u32 $0x3E8, v12;
	v13 =	vmul.u32 $0x3E8, v13;
	[dreg:$0x9] =	wrdreg s6;
	s14 =	sadd.s32 s23, s10;
	s23 =	sadd.s32 $0x33800, s3;
	v25 =	vshrl.u32 v25, $0x3  }
0x40: {  	v63 =	vor.u32 s2, v0;
	s3 =	sadd.s32 $0x33C00, s3;
	s6 =	simm.s32 $0xA;
	[dreg:$0x10] =	wrdreg s23;
	v32 =	vsub.s32 v62, v20;
	v20 =	vmul.u32 $0x1A, v25  }
0x41: {  	v14 =	vmul.u32 $0x3E8, v14;
	v15 =	vmul.u32 $0x3E8, v15;
	v16 =	vmul.u32 $0x3E8, v16;
	s10 =	simm.s32 $0xC;
	s24 =	sshll.u32 s14, $0xA;
	[dreg:$0x11] =	wrdreg s3  }
0x42: {  	v17 =	vmul.u32 $0x3E8, v17;
	s3 =	simm.s32 $0xE800;
	s23 =	simm.s32 $0x2;
	s20 =	sor.u32 $0x1000, s24;
	v35 =	vsub.s32 v23, v20;
	v23 =	vmulhi.u32 $0x4EC4EC4F, v63  }
0x43: {  	v18 =	vmul.u32 $0x3E8, v18;
	v19 =	vmul.u32 $0x3E8, v19;
	s22 =	sor.u32 $0x800, s24;
	[dreg:$0x5] =	wrdreg s20;
	v22 =	vmul.u32 $0x3E8, v22;
	s19 =	smul.u32 $0x34000, s0  }
0x44: {  	[dreg:$0x6] =	wrdreg s22;
	s18 =	sor.u32 $0x1800, s24;
	s0 =	smul.u32 $0x3400, s0;
	v20 =	vmul.u32 $0x3E8, v21;
	v21 =	vmul.u32 $0x3E8, v26;
	v25 =	vshrl.u32 v23, $0x3  }
0x45: {  	s22 =	simm.s32 $0xA800;
	s20 =	simm.s32 $0xC800;
	[dreg:$0x4] =	wrdreg s18;
	v26 =	vmul.u32 $0x3E8, v29;
	v29 =	vmul.u32 $0x3E8, v31;
	v36 =	vmul.u32 $0x1A, v25  }
0x46: {  	s18 =	simm.s32 $0x14800;
	s25 =	sadd.s32 s19, s16;
	s0 =	sadd.s32 s0, s21;
	v31 =	vmul.u32 $0x3E8, v35;
	v23 =	vmul.u32 $0x3E8, v24;
	v24 =	vmul.u32 $0x3E8, v27  }
0x47: {  	s19 =	simm.s32 $0x10800;
	s21 =	simm.s32 $0x12800;
	[dreg:$0x7] =	wrdreg s25;
	v27 =	vmul.u32 $0x3E8, v34;
	v25 =	vmul.u32 $0x3E8, v28;
	v33 =	vsub.s32 v63, v36  }
0x48: {  	[dreg:$0x8] =	wrdreg s0;
	s0 =	simm.s32 $0x0;
	s25 =	simm.s32 $0x3;
	v28 =	vmul.u32 $0x3E8, v30;
	v30 =	vmul.u32 $0x3E8, v32;
	v32 =	vmul.u32 $0x3E8, v33  }
.LBB2_1:
0x49: {  	[dreg:$0x13] =	wrdreg s0  }
0x4a: {  	s11 =	rddreg [dreg:$0x9];
	s2 =	simm.s32 $0x11  }
0x4b: {  	[tilespmem:s4], [sflag:$0x11] =	stream.linear.gather [hbm4b:s11+s4], $0x6800, $0x38;
	[tilespmem:$0x16800] =	vst v63  }
0x4c: {  	_ =	swait.ge [sflag:s2], $0x6800  }
0x4d: {  	[sflag:s2] =	ssyncset.done $0x0  }
0x4e: {  	[sflag:s2] =	ssyncadd.s32 $0xFFFF9800  }
0x4f: {  	v33 =	vld [tilespmem:$0x0]  }
0x50: {  	v34 =	vld [tilespmem:$0x10]  }
0x51: {  	v35 =	vld [tilespmem:$0x20]  }
0x52: {  	v36 =	vld [tilespmem:$0x30];
	_ =	sdelay $0x1  }
0x53: {  	v33 =	vadd.s32 v1, v33  }
0x54: {  	v60 =	vadd.s32 v2, v34;
	[tilespmem:$0x0] =	vst v33  }
0x55: {  	v61 =	vadd.s32 v3, v35;
	[tilespmem:$0x10] =	vst v60  }
0x56: {  	v62 =	vadd.s32 v4, v36;
	[tilespmem:$0x20] =	vst v61  }
0x57: {  	[tilespmem:$0x30] =	vst v62  }
0x58: {  	[tilespmem:s26], [sflag:$0x1] =	stream.indirect.gather [hbm4b:s1+s17], $0x80, s4, s17, $0xb8;
	[tilespmem:$0x16800] =	vst v63  }
0x59: {  	v63 =	vld [tilespmem:$0x80]  }
0x5a: {  	v40 =	vld [tilespmem:$0x90]  }
0x5b: {  	v41 =	vld [tilespmem:$0xA0]  }
0x5c: {  	v42 =	vld [tilespmem:$0xB0];
	_ =	sdelay $0x1  }
0x5d: {  	v33 =	vadd.s32 v5, v63  }
0x5e: {  	v43 =	vadd.s32 v6, v40;
	[tilespmem:$0x80] =	vst v33  }
0x5f: {  	v44 =	vadd.s32 v7, v41;
	[tilespmem:$0x90] =	vst v43  }
0x60: {  	v45 =	vadd.s32 v8, v42;
	[tilespmem:$0xA0] =	vst v44  }
0x61: {  	s14 =	simm.s32 $0x80;
	[tilespmem:$0xB0] =	vst v45  }
0x62: {  	[tilespmem:s29], [sflag:$0x2] =	stream.indirect.gather [hbm4b:s1+s17], $0x80, s14, s17, $0xb8;
	[tilespmem:$0x16800] =	vst v63  }
0x63: {  	v46 =	vld [tilespmem:$0x100]  }
0x64: {  	v47 =	vld [tilespmem:$0x110]  }
0x65: {  	v48 =	vld [tilespmem:$0x120]  }
0x66: {  	v49 =	vld [tilespmem:$0x130];
	_ =	sdelay $0x1  }
0x67: {  	v33 =	vadd.s32 v9, v46  }
0x68: {  	v50 =	vadd.s32 v10, v47;
	[tilespmem:$0x100] =	vst v33  }
0x69: {  	v51 =	vadd.s32 v11, v48;
	[tilespmem:$0x110] =	vst v50  }
0x6a: {  	v52 =	vadd.s32 v12, v49;
	[tilespmem:$0x120] =	vst v51  }
0x6b: {  	s15 =	simm.s32 $0x100;
	[tilespmem:$0x130] =	vst v52  }
0x6c: {  	[tilespmem:s22], [sflag:$0x3] =	stream.indirect.gather [hbm4b:s1+s17], $0x80, s15, s17, $0xb8;
	[tilespmem:$0x16800] =	vst v63  }
0x6d: {  	v53 =	vld [tilespmem:$0x180]  }
0x6e: {  	v54 =	vld [tilespmem:$0x190]  }
0x6f: {  	v55 =	vld [tilespmem:$0x1A0]  }
0x70: {  	v56 =	vld [tilespmem:$0x1B0];
	_ =	sdelay $0x1  }
0x71: {  	v33 =	vadd.s32 v13, v53  }
0x72: {  	v57 =	vadd.s32 v14, v54;
	[tilespmem:$0x180] =	vst v33  }
0x73: {  	v58 =	vadd.s32 v15, v55;
	[tilespmem:$0x190] =	vst v57  }
0x74: {  	v59 =	vadd.s32 v16, v56;
	[tilespmem:$0x1A0] =	vst v58  }
0x75: {  	s16 =	simm.s32 $0x180;
	[tilespmem:$0x1B0] =	vst v59  }
0x76: {  	[tilespmem:s20], [sflag:$0x4] =	stream.indirect.gather [hbm4b:s1+s17], $0x80, s16, s17, $0xb8;
	[tilespmem:$0x16800] =	vst v63  }
0x77: {  	v60 =	vld [tilespmem:$0x200]  }
0x78: {  	v61 =	vld [tilespmem:$0x210]  }
0x79: {  	v62 =	vld [tilespmem:$0x220]  }
0x7a: {  	v63 =	vld [tilespmem:$0x230];
	_ =	sdelay $0x1  }
0x7b: {  	v33 =	vadd.s32 v17, v60  }
0x7c: {  	v40 =	vadd.s32 v18, v61;
	[tilespmem:$0x200] =	vst v33  }
0x7d: {  	v41 =	vadd.s32 v19, v62;
	[tilespmem:$0x210] =	vst v40  }
0x7e: {  	v42 =	vadd.s32 v20, v63;
	[tilespmem:$0x220] =	vst v41  }
0x7f: {  	s20 =	simm.s32 $0x200;
	[tilespmem:$0x230] =	vst v42  }
0x80: {  	[tilespmem:s3], [sflag:$0x5] =	stream.indirect.gather [hbm4b:s1+s17], $0x80, s20, s17, $0xb8;
	[tilespmem:$0x16800] =	vst v63  }
0x81: {  	v43 =	vld [tilespmem:$0x280]  }
0x82: {  	v44 =	vld [tilespmem:$0x290]  }
0x83: {  	v45 =	vld [tilespmem:$0x2A0]  }
0x84: {  	v46 =	vld [tilespmem:$0x2B0];
	_ =	sdelay $0x1  }
0x85: {  	v33 =	vadd.s32 v21, v43  }
0x86: {  	v47 =	vadd.s32 v22, v44;
	[tilespmem:$0x280] =	vst v33  }
0x87: {  	v48 =	vadd.s32 v23, v45;
	[tilespmem:$0x290] =	vst v47  }
0x88: {  	v49 =	vadd.s32 v24, v46;
	[tilespmem:$0x2A0] =	vst v48  }
0x89: {  	s22 =	simm.s32 $0x280;
	[tilespmem:$0x2B0] =	vst v49  }
0x8a: {  	[tilespmem:s19], [sflag:$0x6] =	stream.indirect.gather [hbm4b:s1+s17], $0x80, s22, s17, $0xb8;
	[tilespmem:$0x16800] =	vst v63  }
0x8b: {  	v50 =	vld [tilespmem:$0x300]  }
0x8c: {  	v51 =	vld [tilespmem:$0x310]  }
0x8d: {  	v52 =	vld [tilespmem:$0x320]  }
0x8e: {  	v53 =	vld [tilespmem:$0x330];
	_ =	sdelay $0x1  }
0x8f: {  	v33 =	vadd.s32 v25, v50  }
0x90: {  	v54 =	vadd.s32 v26, v51;
	[tilespmem:$0x300] =	vst v33  }
0x91: {  	v55 =	vadd.s32 v27, v52;
	[tilespmem:$0x310] =	vst v54  }
0x92: {  	v56 =	vadd.s32 v28, v53;
	[tilespmem:$0x320] =	vst v55  }
0x93: {  	s26 =	simm.s32 $0x300;
	[tilespmem:$0x330] =	vst v56  }
0x94: {  	[tilespmem:s21], [sflag:$0x7] =	stream.indirect.gather [hbm4b:s1+s17], $0x80, s26, s17, $0xb8;
	[tilespmem:$0x16800] =	vst v63  }
0x95: {  	v57 =	vld [tilespmem:$0x380]  }
0x96: {  	v58 =	vld [tilespmem:$0x390]  }
0x97: {  	v59 =	vld [tilespmem:$0x3A0]  }
0x98: {  	v60 =	vld [tilespmem:$0x3B0];
	_ =	sdelay $0x1  }
0x99: {  	v33 =	vadd.s32 v29, v57  }
0x9a: {  	v61 =	vadd.s32 v30, v58;
	[tilespmem:$0x380] =	vst v33  }
0x9b: {  	v62 =	vadd.s32 v31, v59;
	[tilespmem:$0x390] =	vst v61  }
0x9c: {  	s2 =	simm.s32 $0x9;
	s29 =	simm.s32 $0x380;
	v63 =	vadd.s32 v32, v60;
	[tilespmem:$0x3A0] =	vst v62  }
0x9d: {  	s14 =	simm.s32 $0x0;
	s15 =	simm.s32 $0x400;
	s16 =	rddreg [dreg:$0x2];
	[tilespmem:$0x3B0] =	vst v63  }
0x9e: {  	[tilespmem:s18], [sflag:$0x8] =	stream.indirect.gather [hbm4b:s1+s17], $0x80, s29, s17, $0xb8;
	[tilespmem:$0x16800] =	vst v63  }
.LBB2_2:
0x9f: {  	_ =	swait.ge [sflag:s31], $0x2000  }
0xa0: {  	s11 =	rddreg [dreg:$0x7];
	[sflag:s31] =	ssyncset.done $0x0  }
0xa1: {  	s29 =	simm.s32 $0x6800;
	[sflag:s31] =	ssyncadd.s32 $0xFFFFE000;
	s11 =	sadd.s32 s16, s11  }
0xa2: {  	[hbm4b:s11+s4] =	stream.linear.scatter [tilespmem:s29], [sflag:$0x9], $0x2000, $0x38;
	[tilespmem:$0x16800] =	vst v63  }
0xa3: {  	_ =	swait.ge [sflag:s23], $0x2000  }
0xa4: {  	s18 =	sadd.s32 s16, s24;
	[sflag:s23] =	ssyncset.done $0x0  }
0xa5: {  	s0 =	sadd.s32 $0x400, s18;
	s31 =	simm.s32 $0x8800;
	[sflag:s23] =	ssyncadd.s32 $0xFFFFE000  }
0xa6: {  	[hbm4b:s0+s4] =	stream.linear.scatter [tilespmem:s31], [sflag:$0xA], $0x2000, $0x38;
	[tilespmem:$0x16800] =	vst v63  }
0xa7: {  	_ =	swait.ge [sflag:s25], $0x2000  }
0xa8: {  	s3 =	rddreg [dreg:$0x6];
	[sflag:s25] =	ssyncset.done $0x0  }
0xa9: {  	s0 =	simm.s32 $0xA800;
	[sflag:s25] =	ssyncadd.s32 $0xFFFFE000;
	s11 =	sadd.s32 s16, s3  }
0xaa: {  	[hbm4b:s11+s4] =	stream.linear.scatter [tilespmem:s0], [sflag:$0xB], $0x2000, $0x38;
	[tilespmem:$0x16800] =	vst v63  }
0xab: {  	_ =	swait.ge [sflag:s28], $0x2000  }
0xac: {  	[sflag:s28] =	ssyncset.done $0x0  }
0xad: {  	s19 =	sadd.s32 $0xC00, s18;
	s3 =	simm.s32 $0xC800;
	[sflag:s28] =	ssyncadd.s32 $0xFFFFE000  }
0xae: {  	[hbm4b:s19+s4] =	stream.linear.scatter [tilespmem:s3], [sflag:$0xC], $0x2000, $0x38;
	[tilespmem:$0x16800] =	vst v63  }
0xaf: {  	_ =	swait.ge [sflag:s30], $0x2000  }
0xb0: {  	s20 =	rddreg [dreg:$0x8]  }
0xb1: {  	s11 =	sadd.s32 s14, s20  }
0xb2: {  	s22 =	sadd.s32 $0x200, s11  }
0xb3: {  	v33 =	vor.u32 s22, v0  }
0xb4: {  	[sflag:s30] =	ssyncset.done $0x0;
	s20 =	rddreg [dreg:$0x5];
	v34 =	vmulhi.u32 $0x4EC4EC4F, v33  }
0xb5: {  	s19 =	simm.s32 $0xE800;
	[sflag:s30] =	ssyncadd.s32 $0xFFFFE000;
	s20 =	sadd.s32 s16, s20  }
0xb6: {  	[hbm4b:s20+s4] =	stream.linear.scatter [tilespmem:s19], [sflag:$0xD], $0x2000, $0x38;
	v34 =	vshrl.u32 v34, $0x3;
	[tilespmem:$0x16800] =	vst v63  }
0xb7: {  	v35 =	vld [tilespmem:s15+$0x0];
	v34 =	vmul.u32 $0x1A, v34  }
0xb8: {  	s21 =	sadd.s32 $0x210, s11  }
0xb9: {  	v49 =	vor.u32 s21, v0;
	v33 =	vsub.s32 v33, v34  }
0xba: {  	v36 =	vmulhi.u32 $0x4EC4EC4F, v49;
	v33 =	vmul.u32 $0x3E8, v33;
	_ =	sdelay $0x1  }
0xbb: {  	v50 =	vshrl.u32 v36, $0x3;
	v33 =	vadd.s32 v33, v35  }
0xbc: {  	v51 =	vld [tilespmem:s15+$0x10];
	[tilespmem:s15+$0x0] =	vst v33;
	v33 =	vmul.u32 $0x1A, v50  }
0xbd: {  	s22 =	sadd.s32 $0x220, s11  }
0xbe: {  	v52 =	vor.u32 s22, v0;
	v33 =	vsub.s32 v49, v33  }
0xbf: {  	v53 =	vmulhi.u32 $0x4EC4EC4F, v52;
	v33 =	vmul.u32 $0x3E8, v33;
	_ =	sdelay $0x1  }
0xc0: {  	v54 =	vshrl.u32 v53, $0x3;
	v33 =	vadd.s32 v33, v51  }
0xc1: {  	v55 =	vld [tilespmem:s15+$0x20];
	[tilespmem:s15+$0x10] =	vst v33;
	v33 =	vmul.u32 $0x1A, v54  }
0xc2: {  	s26 =	sadd.s32 $0x230, s11  }
0xc3: {  	v56 =	vor.u32 s26, v0;
	v33 =	vsub.s32 v52, v33  }
0xc4: {  	v57 =	vmulhi.u32 $0x4EC4EC4F, v56;
	v33 =	vmul.u32 $0x3E8, v33;
	_ =	sdelay $0x1  }
0xc5: {  	v58 =	vshrl.u32 v57, $0x3;
	v33 =	vadd.s32 v33, v55  }
0xc6: {  	v59 =	vld [tilespmem:s15+$0x30];
	[tilespmem:s15+$0x20] =	vst v33;
	v33 =	vmul.u32 $0x1A, v58;
	_ =	sdelay $0x1  }
0xc7: {  	v33 =	vsub.s32 v56, v33  }
0xc8: {  	v33 =	vmul.u32 $0x3E8, v33;
	_ =	sdelay $0x1  }
0xc9: {  	v33 =	vadd.s32 v33, v59  }
0xca: {  	[tilespmem:s15+$0x30] =	vst v33  }
0xcb: {  	_ =	swait.ge [sflag:s2], $0x2000  }
0xcc: {  	[sflag:s2] =	ssyncset.done $0x0  }
0xcd: {  	s21 =	sadd.s32 $0x240, s11;
	[sflag:s2] =	ssyncadd.s32 $0xFFFFE000  }
0xce: {  	[tilespmem:s29], [sflag:$0x1] =	stream.indirect.gather [hbm4b:s1+s17], $0x80, s15, s17, $0xb8;
	[tilespmem:$0x16800] =	vst v63  }
0xcf: {  	v60 =	vor.u32 s21, v0;
	_ =	swait.ge [sflag:s5], $0x2000  }
0xd0: {  	v61 =	vmulhi.u32 $0x4EC4EC4F, v60;
	[sflag:s5] =	ssyncset.done $0x0  }
0xd1: {  	s22 =	sadd.s32 $0x1400, s18;
	s21 =	simm.s32 $0x10800;
	[sflag:s5] =	ssyncadd.s32 $0xFFFFE000  }
0xd2: {  	v34 =	vshrl.u32 v61, $0x3;
	[hbm4b:s22+s4] =	stream.linear.scatter [tilespmem:s21], [sflag:$0xE], $0x2000, $0x38;
	[tilespmem:$0x16800] =	vst v63  }
0xd3: {  	v34 =	vmul.u32 $0x1A, v34;
	v62 =	vld [tilespmem:s15+$0x80]  }
0xd4: {  	s22 =	sadd.s32 $0x250, s11  }
0xd5: {  	v33 =	vsub.s32 v60, v34;
	v63 =	vor.u32 s22, v0  }
0xd6: {  	v33 =	vmul.u32 $0x3E8, v33;
	v40 =	vmulhi.u32 $0x4EC4EC4F, v63;
	_ =	sdelay $0x1  }
0xd7: {  	v41 =	vshrl.u32 v40, $0x3;
	v33 =	vadd.s32 v33, v62  }
0xd8: {  	v42 =	vld [tilespmem:s15+$0x90];
	[tilespmem:s15+$0x80] =	vst v33;
	v33 =	vmul.u32 $0x1A, v41  }
0xd9: {  	s22 =	sadd.s32 $0x260, s11  }
0xda: {  	v43 =	vor.u32 s22, v0;
	v33 =	vsub.s32 v63, v33  }
0xdb: {  	v44 =	vmulhi.u32 $0x4EC4EC4F, v43;
	v33 =	vmul.u32 $0x3E8, v33;
	_ =	sdelay $0x1  }
0xdc: {  	v45 =	vshrl.u32 v44, $0x3;
	v33 =	vadd.s32 v33, v42  }
0xdd: {  	v46 =	vld [tilespmem:s15+$0xA0];
	[tilespmem:s15+$0x90] =	vst v33;
	v33 =	vmul.u32 $0x1A, v45  }
0xde: {  	s22 =	sadd.s32 $0x270, s11  }
0xdf: {  	v47 =	vor.u32 s22, v0;
	v33 =	vsub.s32 v43, v33  }
0xe0: {  	v48 =	vmulhi.u32 $0x4EC4EC4F, v47;
	v33 =	vmul.u32 $0x3E8, v33;
	_ =	sdelay $0x1  }
0xe1: {  	v49 =	vshrl.u32 v48, $0x3;
	v33 =	vadd.s32 v33, v46  }
0xe2: {  	v50 =	vld [tilespmem:s15+$0xB0];
	[tilespmem:s15+$0xA0] =	vst v33;
	v33 =	vmul.u32 $0x1A, v49;
	_ =	sdelay $0x1  }
0xe3: {  	v33 =	vsub.s32 v47, v33  }
0xe4: {  	v33 =	vmul.u32 $0x3E8, v33;
	_ =	sdelay $0x1  }
0xe5: {  	v33 =	vadd.s32 v33, v50  }
0xe6: {  	[tilespmem:s15+$0xB0] =	vst v33  }
0xe7: {  	_ =	swait.ge [sflag:s6], $0x2000  }
0xe8: {  	[sflag:s6] =	ssyncset.done $0x0  }
0xe9: {  	s22 =	sadd.s32 $0x80, s15;
	[sflag:s6] =	ssyncadd.s32 $0xFFFFE000  }
0xea: {  	[tilespmem:s31], [sflag:$0x2] =	stream.indirect.gather [hbm4b:s1+s17], $0x80, s22, s17, $0xb8;
	[tilespmem:$0x16800] =	vst v63  }
0xeb: {  	s22 =	sadd.s32 $0x280, s11  }
0xec: {  	_ =	swait.ge [sflag:s7], $0x2000;
	v51 =	vor.u32 s22, v0  }
0xed: {  	s20 =	rddreg [dreg:$0x4];
	[sflag:s7] =	ssyncset.done $0x0;
	v52 =	vmulhi.u32 $0x4EC4EC4F, v51  }
0xee: {  	s31 =	simm.s32 $0x12800;
	[sflag:s7] =	ssyncadd.s32 $0xFFFFE000;
	s20 =	sadd.s32 s16, s20  }
0xef: {  	[hbm4b:s20+s4] =	stream.linear.scatter [tilespmem:s31], [sflag:$0xF], $0x2000, $0x38;
	v34 =	vshrl.u32 v52, $0x3;
	[tilespmem:$0x16800] =	vst v63  }
0xf0: {  	v34 =	vmul.u32 $0x1A, v34;
	v53 =	vld [tilespmem:s15+$0x100]  }
0xf1: {  	s22 =	sadd.s32 $0x290, s11  }
0xf2: {  	v54 =	vor.u32 s22, v0;
	v33 =	vsub.s32 v51, v34  }
0xf3: {  	v55 =	vmulhi.u32 $0x4EC4EC4F, v54;
	v33 =	vmul.u32 $0x3E8, v33;
	_ =	sdelay $0x1  }
0xf4: {  	v56 =	vshrl.u32 v55, $0x3;
	v33 =	vadd.s32 v33, v53  }
0xf5: {  	v57 =	vld [tilespmem:s15+$0x110];
	[tilespmem:s15+$0x100] =	vst v33;
	v33 =	vmul.u32 $0x1A, v56  }
0xf6: {  	s22 =	sadd.s32 $0x2A0, s11  }
0xf7: {  	v58 =	vor.u32 s22, v0;
	v33 =	vsub.s32 v54, v33  }
0xf8: {  	v59 =	vmulhi.u32 $0x4EC4EC4F, v58;
	v33 =	vmul.u32 $0x3E8, v33;
	_ =	sdelay $0x1  }
0xf9: {  	v60 =	vshrl.u32 v59, $0x3;
	v33 =	vadd.s32 v33, v57  }
0xfa: {  	v61 =	vld [tilespmem:s15+$0x120];
	[tilespmem:s15+$0x110] =	vst v33;
	v33 =	vmul.u32 $0x1A, v60  }
0xfb: {  	s22 =	sadd.s32 $0x2B0, s11  }
0xfc: {  	v62 =	vor.u32 s22, v0;
	v33 =	vsub.s32 v58, v33  }
0xfd: {  	v63 =	vmulhi.u32 $0x4EC4EC4F, v62;
	v33 =	vmul.u32 $0x3E8, v33;
	_ =	sdelay $0x1  }
0xfe: {  	v36 =	vshrl.u32 v63, $0x3;
	v33 =	vadd.s32 v33, v61  }
0xff: {  	v37 =	vld [tilespmem:s15+$0x130];
	[tilespmem:s15+$0x120] =	vst v33;
	v33 =	vmul.u32 $0x1A, v36;
	_ =	sdelay $0x1  }
0x100: {  	v33 =	vsub.s32 v62, v33  }
0x101: {  	v33 =	vmul.u32 $0x3E8, v33;
	_ =	sdelay $0x1  }
0x102: {  	v33 =	vadd.s32 v33, v37  }
0x103: {  	[tilespmem:s15+$0x130] =	vst v33  }
0x104: {  	_ =	swait.ge [sflag:s8], $0x2000  }
0x105: {  	[sflag:s8] =	ssyncset.done $0x0  }
0x106: {  	s20 =	sadd.s32 $0x100, s15;
	[sflag:s8] =	ssyncadd.s32 $0xFFFFE000  }
0x107: {  	[tilespmem:s0], [sflag:$0x3] =	stream.indirect.gather [hbm4b:s1+s17], $0x80, s20, s17, $0xb8;
	[tilespmem:$0x16800] =	vst v63  }
0x108: {  	s0 =	sadd.s32 $0x2C0, s11  }
0x109: {  	v38 =	vor.u32 s0, v0;
	_ =	swait.ge [sflag:s9], $0x2000  }
0x10a: {  	[sflag:s9] =	ssyncset.done $0x0;
	v39 =	vmulhi.u32 $0x4EC4EC4F, v38  }
0x10b: {  	s18 =	sadd.s32 $0x1C00, s18;
	s0 =	simm.s32 $0x14800;
	[sflag:s9] =	ssyncadd.s32 $0xFFFFE000  }
0x10c: {  	[hbm4b:s18+s4] =	stream.linear.scatter [tilespmem:s0], [sflag:$0x10], $0x2000, $0x38;
	v34 =	vshrl.u32 v39, $0x3;
	[tilespmem:$0x16800] =	vst v63  }
0x10d: {  	v34 =	vmul.u32 $0x1A, v34;
	v40 =	vld [tilespmem:s15+$0x180]  }
0x10e: {  	s20 =	sadd.s32 $0x2D0, s11  }
0x10f: {  	v41 =	vor.u32 s20, v0;
	v33 =	vsub.s32 v38, v34  }
0x110: {  	v42 =	vmulhi.u32 $0x4EC4EC4F, v41;
	v33 =	vmul.u32 $0x3E8, v33;
	_ =	sdelay $0x1  }
0x111: {  	v43 =	vshrl.u32 v42, $0x3;
	v33 =	vadd.s32 v33, v40  }
0x112: {  	v44 =	vld [tilespmem:s15+$0x190];
	[tilespmem:s15+$0x180] =	vst v33;
	v33 =	vmul.u32 $0x1A, v43  }
0x113: {  	s20 =	sadd.s32 $0x2E0, s11  }
0x114: {  	v45 =	vor.u32 s20, v0;
	v33 =	vsub.s32 v41, v33  }
0x115: {  	v46 =	vmulhi.u32 $0x4EC4EC4F, v45;
	v33 =	vmul.u32 $0x3E8, v33;
	_ =	sdelay $0x1  }
0x116: {  	v47 =	vshrl.u32 v46, $0x3;
	v33 =	vadd.s32 v33, v44  }
0x117: {  	v48 =	vld [tilespmem:s15+$0x1A0];
	[tilespmem:s15+$0x190] =	vst v33;
	v33 =	vmul.u32 $0x1A, v47  }
0x118: {  	s20 =	sadd.s32 $0x2F0, s11  }
0x119: {  	v49 =	vor.u32 s20, v0;
	v33 =	vsub.s32 v45, v33  }
0x11a: {  	v50 =	vmulhi.u32 $0x4EC4EC4F, v49;
	v33 =	vmul.u32 $0x3E8, v33;
	_ =	sdelay $0x1  }
0x11b: {  	v51 =	vshrl.u32 v50, $0x3;
	v33 =	vadd.s32 v33, v48  }
0x11c: {  	v52 =	vld [tilespmem:s15+$0x1B0];
	[tilespmem:s15+$0x1A0] =	vst v33;
	v33 =	vmul.u32 $0x1A, v51;
	_ =	sdelay $0x1  }
0x11d: {  	v33 =	vsub.s32 v49, v33  }
0x11e: {  	v33 =	vmul.u32 $0x3E8, v33;
	_ =	sdelay $0x1  }
0x11f: {  	v33 =	vadd.s32 v33, v52  }
0x120: {  	s20 =	sadd.s32 $0x300, s11;
	[tilespmem:s15+$0x1B0] =	vst v33  }
0x121: {  	v53 =	vor.u32 s20, v0;
	_ =	swait.ge [sflag:s10], $0x2000  }
0x122: {  	v54 =	vmulhi.u32 $0x4EC4EC4F, v53;
	[sflag:s10] =	ssyncset.done $0x0  }
0x123: {  	s18 =	sadd.s32 $0x180, s15;
	[sflag:s10] =	ssyncadd.s32 $0xFFFFE000  }
0x124: {  	v34 =	vshrl.u32 v54, $0x3;
	[tilespmem:s3], [sflag:$0x4] =	stream.indirect.gather [hbm4b:s1+s17], $0x80, s18, s17, $0xb8;
	[tilespmem:$0x16800] =	vst v63  }
0x125: {  	v34 =	vmul.u32 $0x1A, v34;
	v55 =	vld [tilespmem:s15+$0x200]  }
0x126: {  	s3 =	sadd.s32 $0x310, s11  }
0x127: {  	v33 =	vsub.s32 v53, v34;
	v56 =	vor.u32 s3, v0  }
0x128: {  	v33 =	vmul.u32 $0x3E8, v33;
	v57 =	vmulhi.u32 $0x4EC4EC4F, v56;
	_ =	sdelay $0x1  }
0x129: {  	v58 =	vshrl.u32 v57, $0x3;
	v33 =	vadd.s32 v33, v55  }
0x12a: {  	v59 =	vld [tilespmem:s15+$0x210];
	[tilespmem:s15+$0x200] =	vst v33;
	v33 =	vmul.u32 $0x1A, v58  }
0x12b: {  	s3 =	sadd.s32 $0x320, s11  }
0x12c: {  	v60 =	vor.u32 s3, v0;
	v33 =	vsub.s32 v56, v33  }
0x12d: {  	v61 =	vmulhi.u32 $0x4EC4EC4F, v60;
	v33 =	vmul.u32 $0x3E8, v33;
	_ =	sdelay $0x1  }
0x12e: {  	v62 =	vshrl.u32 v61, $0x3;
	v33 =	vadd.s32 v33, v59  }
0x12f: {  	v63 =	vld [tilespmem:s15+$0x220];
	[tilespmem:s15+$0x210] =	vst v33;
	v33 =	vmul.u32 $0x1A, v62  }
0x130: {  	s3 =	sadd.s32 $0x330, s11  }
0x131: {  	v40 =	vor.u32 s3, v0;
	v33 =	vsub.s32 v60, v33  }
0x132: {  	v41 =	vmulhi.u32 $0x4EC4EC4F, v40;
	v33 =	vmul.u32 $0x3E8, v33;
	_ =	sdelay $0x1  }
0x133: {  	v42 =	vshrl.u32 v41, $0x3;
	v33 =	vadd.s32 v33, v63  }
0x134: {  	v43 =	vld [tilespmem:s15+$0x230];
	[tilespmem:s15+$0x220] =	vst v33;
	v33 =	vmul.u32 $0x1A, v42;
	_ =	sdelay $0x1  }
0x135: {  	v33 =	vsub.s32 v40, v33  }
0x136: {  	v33 =	vmul.u32 $0x3E8, v33;
	_ =	sdelay $0x1  }
0x137: {  	v33 =	vadd.s32 v33, v43  }
0x138: {  	s3 =	sadd.s32 $0x340, s11;
	[tilespmem:s15+$0x230] =	vst v33  }
0x139: {  	v44 =	vor.u32 s3, v0;
	_ =	swait.ge [sflag:s12], $0x2000  }
0x13a: {  	v45 =	vmulhi.u32 $0x4EC4EC4F, v44;
	[sflag:s12] =	ssyncset.done $0x0  }
0x13b: {  	s18 =	sadd.s32 $0x200, s15;
	[sflag:s12] =	ssyncadd.s32 $0xFFFFE000  }
0x13c: {  	v34 =	vshrl.u32 v45, $0x3;
	[tilespmem:s19], [sflag:$0x5] =	stream.indirect.gather [hbm4b:s1+s17], $0x80, s18, s17, $0xb8;
	[tilespmem:$0x16800] =	vst v63  }
0x13d: {  	v34 =	vmul.u32 $0x1A, v34;
	v46 =	vld [tilespmem:s15+$0x280]  }
0x13e: {  	s19 =	sadd.s32 $0x350, s11  }
0x13f: {  	v33 =	vsub.s32 v44, v34;
	v47 =	vor.u32 s19, v0  }
0x140: {  	v33 =	vmul.u32 $0x3E8, v33;
	v48 =	vmulhi.u32 $0x4EC4EC4F, v47;
	_ =	sdelay $0x1  }
0x141: {  	v49 =	vshrl.u32 v48, $0x3;
	v33 =	vadd.s32 v33, v46  }
0x142: {  	v50 =	vld [tilespmem:s15+$0x290];
	[tilespmem:s15+$0x280] =	vst v33;
	v33 =	vmul.u32 $0x1A, v49  }
0x143: {  	s19 =	sadd.s32 $0x360, s11  }
0x144: {  	v51 =	vor.u32 s19, v0;
	v33 =	vsub.s32 v47, v33  }
0x145: {  	v52 =	vmulhi.u32 $0x4EC4EC4F, v51;
	v33 =	vmul.u32 $0x3E8, v33;
	_ =	sdelay $0x1  }
0x146: {  	v53 =	vshrl.u32 v52, $0x3;
	v33 =	vadd.s32 v33, v50  }
0x147: {  	v54 =	vld [tilespmem:s15+$0x2A0];
	[tilespmem:s15+$0x290] =	vst v33;
	v33 =	vmul.u32 $0x1A, v53  }
0x148: {  	s19 =	sadd.s32 $0x370, s11  }
0x149: {  	v55 =	vor.u32 s19, v0;
	v33 =	vsub.s32 v51, v33  }
0x14a: {  	v56 =	vmulhi.u32 $0x4EC4EC4F, v55;
	v33 =	vmul.u32 $0x3E8, v33;
	_ =	sdelay $0x1  }
0x14b: {  	v57 =	vshrl.u32 v56, $0x3;
	v33 =	vadd.s32 v33, v54  }
0x14c: {  	v58 =	vld [tilespmem:s15+$0x2B0];
	[tilespmem:s15+$0x2A0] =	vst v33;
	v33 =	vmul.u32 $0x1A, v57;
	_ =	sdelay $0x1  }
0x14d: {  	v33 =	vsub.s32 v55, v33  }
0x14e: {  	v33 =	vmul.u32 $0x3E8, v33;
	_ =	sdelay $0x1  }
0x14f: {  	v33 =	vadd.s32 v33, v58  }
0x150: {  	s19 =	sadd.s32 $0x380, s11;
	[tilespmem:s15+$0x2B0] =	vst v33  }
0x151: {  	v59 =	vor.u32 s19, v0;
	_ =	swait.ge [sflag:s13], $0x2000  }
0x152: {  	v60 =	vmulhi.u32 $0x4EC4EC4F, v59;
	[sflag:s13] =	ssyncset.done $0x0  }
0x153: {  	s18 =	sadd.s32 $0x280, s15;
	[sflag:s13] =	ssyncadd.s32 $0xFFFFE000  }
0x154: {  	v34 =	vshrl.u32 v60, $0x3;
	[tilespmem:s21], [sflag:$0x6] =	stream.indirect.gather [hbm4b:s1+s17], $0x80, s18, s17, $0xb8;
	[tilespmem:$0x16800] =	vst v63  }
0x155: {  	v34 =	vmul.u32 $0x1A, v34;
	v61 =	vld [tilespmem:s15+$0x300]  }
0x156: {  	s21 =	sadd.s32 $0x390, s11  }
0x157: {  	v33 =	vsub.s32 v59, v34;
	v62 =	vor.u32 s21, v0  }
0x158: {  	v33 =	vmul.u32 $0x3E8, v33;
	v63 =	vmulhi.u32 $0x4EC4EC4F, v62;
	_ =	sdelay $0x1  }
0x159: {  	v39 =	vshrl.u32 v63, $0x3;
	v33 =	vadd.s32 v33, v61  }
0x15a: {  	v40 =	vld [tilespmem:s15+$0x310];
	[tilespmem:s15+$0x300] =	vst v33;
	v33 =	vmul.u32 $0x1A, v39  }
0x15b: {  	s21 =	sadd.s32 $0x3A0, s11  }
0x15c: {  	v41 =	vor.u32 s21, v0;
	v33 =	vsub.s32 v62, v33  }
0x15d: {  	v42 =	vmulhi.u32 $0x4EC4EC4F, v41;
	v33 =	vmul.u32 $0x3E8, v33;
	_ =	sdelay $0x1  }
0x15e: {  	v43 =	vshrl.u32 v42, $0x3;
	v33 =	vadd.s32 v33, v40  }
0x15f: {  	v44 =	vld [tilespmem:s15+$0x320];
	[tilespmem:s15+$0x310] =	vst v33;
	v33 =	vmul.u32 $0x1A, v43  }
0x160: {  	s21 =	sadd.s32 $0x3B0, s11  }
0x161: {  	v45 =	vor.u32 s21, v0;
	v33 =	vsub.s32 v41, v33  }
0x162: {  	v46 =	vmulhi.u32 $0x4EC4EC4F, v45;
	v33 =	vmul.u32 $0x3E8, v33;
	_ =	sdelay $0x1  }
0x163: {  	v47 =	vshrl.u32 v46, $0x3;
	v33 =	vadd.s32 v33, v44  }
0x164: {  	v48 =	vld [tilespmem:s15+$0x330];
	[tilespmem:s15+$0x320] =	vst v33;
	v33 =	vmul.u32 $0x1A, v47;
	_ =	sdelay $0x1  }
0x165: {  	v33 =	vsub.s32 v45, v33  }
0x166: {  	v33 =	vmul.u32 $0x3E8, v33;
	_ =	sdelay $0x1  }
0x167: {  	v33 =	vadd.s32 v33, v48  }
0x168: {  	s18 =	sadd.s32 $0x3C0, s11;
	s21 =	simm.s32 $0xF;
	[tilespmem:s15+$0x330] =	vst v33  }
0x169: {  	v49 =	vor.u32 s18, v0;
	_ =	swait.ge [sflag:s21], $0x2000  }
0x16a: {  	v50 =	vmulhi.u32 $0x4EC4EC4F, v49;
	[sflag:s21] =	ssyncset.done $0x0  }
0x16b: {  	s18 =	sadd.s32 $0x300, s15;
	[sflag:s21] =	ssyncadd.s32 $0xFFFFE000  }
0x16c: {  	v34 =	vshrl.u32 v50, $0x3;
	[tilespmem:s31], [sflag:$0x7] =	stream.indirect.gather [hbm4b:s1+s17], $0x80, s18, s17, $0xb8;
	[tilespmem:$0x16800] =	vst v63  }
0x16d: {  	v34 =	vmul.u32 $0x1A, v34;
	v51 =	vld [tilespmem:s15+$0x380]  }
0x16e: {  	s18 =	sadd.s32 $0x3D0, s11  }
0x16f: {  	v33 =	vsub.s32 v49, v34;
	v52 =	vor.u32 s18, v0  }
0x170: {  	v33 =	vmul.u32 $0x3E8, v33;
	v53 =	vmulhi.u32 $0x4EC4EC4F, v52;
	_ =	sdelay $0x1  }
0x171: {  	v54 =	vshrl.u32 v53, $0x3;
	v33 =	vadd.s32 v33, v51  }
0x172: {  	v55 =	vld [tilespmem:s15+$0x390];
	[tilespmem:s15+$0x380] =	vst v33;
	v33 =	vmul.u32 $0x1A, v54  }
0x173: {  	s18 =	sadd.s32 $0x3E0, s11  }
0x174: {  	v56 =	vor.u32 s18, v0;
	v33 =	vsub.s32 v52, v33  }
0x175: {  	v57 =	vmulhi.u32 $0x4EC4EC4F, v56;
	v33 =	vmul.u32 $0x3E8, v33;
	_ =	sdelay $0x1  }
0x176: {  	v58 =	vshrl.u32 v57, $0x3;
	v33 =	vadd.s32 v33, v55  }
0x177: {  	v59 =	vld [tilespmem:s15+$0x3A0];
	[tilespmem:s15+$0x390] =	vst v33;
	v33 =	vmul.u32 $0x1A, v58  }
0x178: {  	s11 =	sadd.s32 $0x3F0, s11  }
0x179: {  	v60 =	vor.u32 s11, v0;
	v33 =	vsub.s32 v56, v33  }
0x17a: {  	v61 =	vmulhi.u32 $0x4EC4EC4F, v60;
	v33 =	vmul.u32 $0x3E8, v33;
	_ =	sdelay $0x1  }
0x17b: {  	v62 =	vshrl.u32 v61, $0x3;
	v33 =	vadd.s32 v33, v59  }
0x17c: {  	v63 =	vld [tilespmem:s15+$0x3B0];
	[tilespmem:s15+$0x3A0] =	vst v33;
	v33 =	vmul.u32 $0x1A, v62;
	_ =	sdelay $0x1  }
0x17d: {  	v33 =	vsub.s32 v60, v33  }
0x17e: {  	p0 =	sne.s32 s14, $0x3000;
	v33 =	vmul.u32 $0x3E8, v33  }
0x17f: {  	s14 =	sadd.s32 $0x200, s14;
	s26 =	simm.s32 $0x6800;
	s29 =	simm.s32 $0x8800  }
0x180: {  	s16 =	sadd.s32 $0x2000, s16;
	s22 =	simm.s32 $0xA800;
	s20 =	simm.s32 $0xC800;
	v33 =	vadd.s32 v33, v63  }
.Ltmp0:
0x181: {  	s3 =	simm.s32 $0xE800;
	s18 =	simm.s32 $0x10;
	[tilespmem:s15+$0x3B0] =	vst v33;
	(pc) =	sbr.rel @p0 .LBB2_2-.Ltmp0, $4  }
0x182: {  	s19 =	simm.s32 $0x10800;
	s21 =	simm.s32 $0x12800;
	_ =	swait.ge [sflag:s18], $0x2000  }
0x183: {  	s31 =	simm.s32 $0x1;
	s11 =	sadd.s32 $0x380, s15;
	[sflag:s18] =	ssyncset.done $0x0  }
0x184: {  	s15 =	sadd.s32 $0x400, s15;
	[sflag:s18] =	ssyncadd.s32 $0xFFFFE000;
	s18 =	simm.s32 $0x14800  }
0x185: {  	[tilespmem:s0], [sflag:$0x8] =	stream.indirect.gather [hbm4b:s1+s17], $0x80, s11, s17, $0xb8;
	[tilespmem:$0x16800] =	vst v63  }
0x186: {  	_ =	swait.ge [sflag:s31], $0x2000  }
0x187: {  	[sflag:s31] =	ssyncset.done $0x0  }
0x188: {  	s11 =	rddreg [dreg:$0xa];
	[sflag:s31] =	ssyncadd.s32 $0xFFFFE000  }
0x189: {  	[hbm4b:s11+s4] =	stream.linear.scatter [tilespmem:s26], [sflag:$0x9], $0x2000, $0x38;
	[tilespmem:$0x16800] =	vst v63  }
0x18a: {  	_ =	swait.ge [sflag:s23], $0x2000  }
0x18b: {  	[sflag:s23] =	ssyncset.done $0x0  }
0x18c: {  	s15 =	rddreg [dreg:$0xb];
	[sflag:s23] =	ssyncadd.s32 $0xFFFFE000  }
0x18d: {  	[hbm4b:s15+s4] =	stream.linear.scatter [tilespmem:s29], [sflag:$0xA], $0x2000, $0x38;
	[tilespmem:$0x16800] =	vst v63  }
0x18e: {  	_ =	swait.ge [sflag:s25], $0x2000  }
0x18f: {  	[sflag:s25] =	ssyncset.done $0x0  }
0x190: {  	s16 =	rddreg [dreg:$0xc];
	[sflag:s25] =	ssyncadd.s32 $0xFFFFE000  }
0x191: {  	[hbm4b:s16+s4] =	stream.linear.scatter [tilespmem:s22], [sflag:$0xB], $0x2000, $0x38;
	[tilespmem:$0x16800] =	vst v63  }
0x192: {  	_ =	swait.ge [sflag:s28], $0x2000  }
0x193: {  	[sflag:s28] =	ssyncset.done $0x0  }
0x194: {  	s0 =	rddreg [dreg:$0xd];
	[sflag:s28] =	ssyncadd.s32 $0xFFFFE000  }
0x195: {  	[hbm4b:s0+s4] =	stream.linear.scatter [tilespmem:s20], [sflag:$0xC], $0x2000, $0x38;
	[tilespmem:$0x16800] =	vst v63  }
0x196: {  	_ =	swait.ge [sflag:s30], $0x2000  }
0x197: {  	[sflag:s30] =	ssyncset.done $0x0  }
0x198: {  	s14 =	rddreg [dreg:$0xe];
	[sflag:s30] =	ssyncadd.s32 $0xFFFFE000  }
0x199: {  	[hbm4b:s14+s4] =	stream.linear.scatter [tilespmem:s3], [sflag:$0xD], $0x2000, $0x38;
	[tilespmem:$0x16800] =	vst v63  }
0x19a: {  	_ =	swait.ge [sflag:s5], $0x2000  }
0x19b: {  	[sflag:s5] =	ssyncset.done $0x0  }
0x19c: {  	s15 =	rddreg [dreg:$0xf];
	[sflag:s5] =	ssyncadd.s32 $0xFFFFE000  }
0x19d: {  	[hbm4b:s15+s4] =	stream.linear.scatter [tilespmem:s19], [sflag:$0xE], $0x2000, $0x38;
	[tilespmem:$0x16800] =	vst v63  }
0x19e: {  	_ =	swait.ge [sflag:s7], $0x2000  }
0x19f: {  	[sflag:s7] =	ssyncset.done $0x0  }
0x1a0: {  	s16 =	rddreg [dreg:$0x10];
	[sflag:s7] =	ssyncadd.s32 $0xFFFFE000  }
0x1a1: {  	[hbm4b:s16+s4] =	stream.linear.scatter [tilespmem:s21], [sflag:$0xF], $0x2000, $0x38;
	[tilespmem:$0x16800] =	vst v63  }
0x1a2: {  	_ =	swait.ge [sflag:s9], $0x2000  }
0x1a3: {  	[sflag:s9] =	ssyncset.done $0x0  }
0x1a4: {  	s0 =	rddreg [dreg:$0x11];
	[sflag:s9] =	ssyncadd.s32 $0xFFFFE000  }
0x1a5: {  	[hbm4b:s0+s4] =	stream.linear.scatter [tilespmem:s18], [sflag:$0x10], $0x2000, $0x38;
	[tilespmem:$0x16800] =	vst v63  }
0x1a6: {  	_ =	swait.ge [sflag:s2], $0x2000  }
0x1a7: {  	[sflag:s2] =	ssyncset.done $0x0  }
0x1a8: {  	[sflag:s2] =	ssyncadd.s32 $0xFFFFE000  }
0x1a9: {  	_ =	swait.ge [sflag:s6], $0x2000  }
0x1aa: {  	[sflag:s6] =	ssyncset.done $0x0  }
0x1ab: {  	[sflag:s6] =	ssyncadd.s32 $0xFFFFE000  }
0x1ac: {  	_ =	swait.ge [sflag:s8], $0x2000  }
0x1ad: {  	[sflag:s8] =	ssyncset.done $0x0  }
0x1ae: {  	[sflag:s8] =	ssyncadd.s32 $0xFFFFE000  }
0x1af: {  	_ =	swait.ge [sflag:s10], $0x2000  }
0x1b0: {  	[sflag:s10] =	ssyncset.done $0x0  }
0x1b1: {  	[sflag:s10] =	ssyncadd.s32 $0xFFFFE000  }
0x1b2: {  	_ =	swait.ge [sflag:s12], $0x2000  }
0x1b3: {  	[sflag:s12] =	ssyncset.done $0x0  }
0x1b4: {  	[sflag:s12] =	ssyncadd.s32 $0xFFFFE000  }
0x1b5: {  	_ =	swait.ge [sflag:s13], $0x2000  }
0x1b6: {  	[sflag:s13] =	ssyncset.done $0x0  }
0x1b7: {  	s0 =	simm.s32 $0xF;
	[sflag:s13] =	ssyncadd.s32 $0xFFFFE000  }
0x1b8: {  	_ =	swait.ge [sflag:s0], $0x2000  }
0x1b9: {  	[sflag:s0] =	ssyncset.done $0x0  }
0x1ba: {  	s14 =	simm.s32 $0x10;
	[sflag:s0] =	ssyncadd.s32 $0xFFFFE000  }
0x1bb: {  	_ =	swait.ge [sflag:s14], $0x2000  }
0x1bc: {  	s15 =	rddreg [dreg:$0x13]  }
0x1bd: {  	s16 =	rddreg [dreg:$0x12];
	s0 =	sadd.s32 $0x1, s15  }
0x1be: {  	p0 =	sne.s32 s0, s16  }
.Ltmp1:
0x1bf: {  	_ = 	snop;
	(pc) =	sbr.rel @p0 .LBB2_1-.Ltmp1, $3  }
0x1c0: {  	_ =	sdelay $0x1  }
0x1c1: {  	[sflag:s14] =	ssyncset.done $0x0  }
0x1c2: {  	[sflag:s14] =	ssyncadd.s32 $0xFFFFE000  }
0x1c3: {  	_ =	sfence.sel $0x180000  }
0x1c4: {  	[bflag:$0x0] =	sbarrier.arrive $0xFFFF  }
0x1c5: {  	_ =	strace $0x90000047  }
0x1c6: {  	s0 =	stileid.u32;
	[bflag:$0x2] =	sbarrier.arrive $0xFFFF  }
0x1c7: {  	p0 =	sne.s32 s0, $0x0;
	s0 =	rddreg [dreg:$0x3]  }
0x1c8: {  	s0 =	sadd.s32 @!p0 $0x100000, s0  }
0x1c9: {  	[sflag:s0] =	ssyncadd.tile.s32 @!p0 $0x1;
	_ =	shalt  }
.Lfunc_end2:
_tile_overlayer_lowered:
.L_overlay_start_2:
0x1ca: {  	(tag) =	ssettag $0x2  }
0x1cb: {  	s0 =	rddreg [dreg:$0x0];
	s2 =	stileid.u32  }
0x1cc: {  	s1 =	rddreg [dreg:$0x1];
	p0 =	sne.s32 s2, $0x0  }
0x1cd: {  	s3 =	rddreg [dreg:$0x2];
	[bflag:$0x3] =	sbarrier.arrive $0xFFFF;
	s2 =	simm.s32 @!p0 $0x1C11  }
0x1ce: {  	[timem:s3], [sflag:s2] =	dma.local @!p0 [hbm:s0], s1  }
0x1cf: {  	s0 =	simm.s32 @!p0 $0x11  }
0x1d0: {  	_ =	swait.ge @!p0 [sflag:s0], s1  }
0x1d1: {  	s1 =	ssub.s32 @!p0 $0x0, s1;
	[sflag:s0] =	ssyncset.done @!p0 $0x0  }
0x1d2: {  	[sflag:s0] =	ssyncadd.s32 @!p0 s1  }
0x1d3: {  	[bflag:$0x3] =	sbarrier.arrive $0xFFFF  }
0x1d4: {  	_ =	shalt  }

</sc_bundles>
